<compile_context>
chip_gen: v7x
topology: tpu7x:2x2x1
jax: 0.10.2.dev20260603
libtpu: 0.0.44.dev20260713+nightly
codegen_flags: <defaults>
</compile_context>

<pallas_src>
import functools
import math

import jax
import jax.numpy as jnp
from jax import lax
from jax.experimental import pallas as pl
from jax.experimental.pallas import tpu as pltpu
from jax.experimental.pallas import tpu_sc as plsc

N = 10000
E = 320000
NS = 16
CH = 128
NCHK = 158
EPAD = NS * NCHK * CH
FAKE_DST = N + 8
HALF = 5120
ACCR = HALF + 64
ZR = 40
LEAK = 0.02
BN_C = 1.0 / math.sqrt(1.0 + 1e-5)

_MESH = dict(core_axis_name="c", subcore_axis_name="s")


def _build_deg():
    @functools.partial(
        pl.kernel,
        mesh=plsc.VectorSubcoreMesh(**_MESH),
        out_type=jax.ShapeDtypeStruct((N,), jnp.float32),
        scratch_types=[
            pltpu.VMEM((NCHK, CH), jnp.int32),
            pltpu.VMEM((128,), jnp.float32),
            pltpu.VMEM((1024,), jnp.float32),
            pltpu.VMEM((1000,), jnp.float32),
            pltpu.VMEM_SHARED((N + 16,), jnp.float32),
        ],
    )
    def deg_kernel(dst_hbm, deg_hbm, idx_v, ones_v, zer_v, tmp_v, acc_sh):
        c = lax.axis_index("c")
        s = lax.axis_index("s")

        @pl.when(c == 0)
        def _():
            def fill_ones(i, _):
                ones_v[pl.ds(i * 16, 16)] = jnp.ones((16,), jnp.float32)
                return 0

            lax.fori_loop(0, 8, fill_ones, 0)

            def fill_zer(i, _):
                zer_v[pl.ds(i * 16, 16)] = jnp.zeros((16,), jnp.float32)
                return 0

            lax.fori_loop(0, 64, fill_zer, 0)

            @pl.when(s < 10)
            def _():
                pltpu.sync_copy(zer_v.at[pl.ds(0, 1000)],
                                acc_sh.at[pl.ds(s * 1000, 1000)])

            plsc.subcore_barrier()
            pltpu.sync_copy(dst_hbm.at[s], idx_v)

            def step(j, _):
                pltpu.sync_copy(ones_v.at[pl.ds(0, CH)],
                                acc_sh.at[idx_v.at[j]], add=True)
                return 0

            lax.fori_loop(0, NCHK, step, 0)
            plsc.subcore_barrier()

            @pl.when(s < 10)
            def _():
                pltpu.sync_copy(acc_sh.at[pl.ds(s * 1000, 1000)], tmp_v)
                pltpu.sync_copy(tmp_v, deg_hbm.at[pl.ds(s * 1000, 1000)])

    return deg_kernel


def _zero_acc(s, zer_v, acc_sh):
    def fill_zer(i, _):
        zer_v[i // 8, pl.ds((i % 8) * 16, 16)] = jnp.zeros((16,), jnp.float32)
        return 0

    lax.fori_loop(0, ZR * 8, fill_zer, 0)

    def zero_blk(t, _):
        pltpu.sync_copy(zer_v, acc_sh.at[pl.ds(s * 8 * ZR + t * ZR, ZR)])
        return 0

    lax.fori_loop(0, 8, zero_blk, 0)


def _remap_dst(c, dst_v):
    base = c * HALF

    def remap(i, _):
        v = dst_v[i // 8, pl.ds((i % 8) * 16, 16)] - base
        ok = (v >= 0) & (v < HALF + 8)
        dst_v[i // 8, pl.ds((i % 8) * 16, 16)] = jnp.where(
            ok, v, HALF + (v & 63))
        return 0

    lax.fori_loop(0, NCHK * 8, remap, 0)


def _accumulate1(z_hbm, src_v, dst_v, rows_v, acc_sh, sem):
    def step(j, _):
        pltpu.async_copy(z_hbm.at[src_v.at[j]], rows_v, sem).wait()
        pltpu.sync_copy(rows_v, acc_sh.at[dst_v.at[j]], add=True)
        return 0

    lax.fori_loop(0, NCHK, step, 0)


def _accumulate(z_hbm, src_v, dst_v, rows_a, rows_b, acc_sh, sem_a, sem_b):
    pltpu.async_copy(z_hbm.at[src_v.at[0]], rows_a, sem_a)

    def pair(i, _):
        j = i * 2
        pltpu.async_copy(z_hbm.at[src_v.at[j + 1]], rows_b, sem_b)
        pltpu.make_async_copy(z_hbm.at[src_v.at[j]], rows_a, sem_a).wait()
        pltpu.sync_copy(rows_a, acc_sh.at[dst_v.at[j]], add=True)

        @pl.when(j + 2 < NCHK)
        def _():
            pltpu.async_copy(z_hbm.at[src_v.at[j + 2]], rows_a, sem_a)

        pltpu.make_async_copy(z_hbm.at[src_v.at[j + 1]], rows_b, sem_b).wait()
        pltpu.sync_copy(rows_b, acc_sh.at[dst_v.at[j + 1]], add=True)
        return 0

    lax.fori_loop(0, NCHK // 2, pair, 0)


def _writeback(c, s, acc_sh, out_hbm):
    @pl.when(c == 0)
    def _():
        pltpu.sync_copy(acc_sh.at[pl.ds(s * 320, 320)],
                        out_hbm.at[pl.ds(s * 320, 320)])

    @pl.when((c == 1) & (s < 12))
    def _():
        pltpu.sync_copy(acc_sh.at[pl.ds(s * 400, 400)],
                        out_hbm.at[pl.ds(HALF + s * 400, 400)])

    @pl.when((c == 1) & (s == 12))
    def _():
        pltpu.sync_copy(acc_sh.at[pl.ds(4800, 80)],
                        out_hbm.at[pl.ds(HALF + 4800, 80)])


def _prop_scratch(nbuf):
    return [
        pltpu.VMEM((NCHK, CH), jnp.int32),
        pltpu.VMEM((NCHK, CH), jnp.int32),
        pltpu.VMEM((ZR, 128), jnp.float32),
        pltpu.VMEM_SHARED((ACCR, 128), jnp.float32),
    ] + [pltpu.VMEM((CH, 128), jnp.float32)] * nbuf \
      + [pltpu.SemaphoreType.DMA] * nbuf


def _build_prop1():
    @functools.partial(
        pl.kernel,
        mesh=plsc.VectorSubcoreMesh(**_MESH),
        out_type=jax.ShapeDtypeStruct((N, 128), jnp.float32),
        scratch_types=_prop_scratch(2),
    )
    def prop_kernel(src_hbm, dst_hbm, z_hbm, out_hbm,
                    src_v, dst_v, zer_v, acc_sh, rows_a, rows_b,
                    sem_a, sem_b):
        c = lax.axis_index("c")
        s = lax.axis_index("s")
        _zero_acc(s, zer_v, acc_sh)
        pltpu.sync_copy(src_hbm.at[s], src_v)
        pltpu.sync_copy(dst_hbm.at[s], dst_v)
        _remap_dst(c, dst_v)
        plsc.subcore_barrier()
        _accumulate(z_hbm, src_v, dst_v, rows_a, rows_b, acc_sh,
                    sem_a, sem_b)
        plsc.subcore_barrier()
        _writeback(c, s, acc_sh, out_hbm)

    return prop_kernel


def _build_prop2():
    @functools.partial(
        pl.kernel,
        mesh=plsc.VectorSubcoreMesh(**_MESH),
        out_type=[
            jax.ShapeDtypeStruct((N, 128), jnp.float32),
            jax.ShapeDtypeStruct((N, 128), jnp.float32),
        ],
        scratch_types=_prop_scratch(2),
    )
    def prop_kernel(src_hbm, dst_hbm, za_hbm, zb_hbm, outa_hbm, outb_hbm,
                    src_v, dst_v, zer_v, acc_sh, rows_a, rows_b,
                    sem_a, sem_b):
        c = lax.axis_index("c")
        s = lax.axis_index("s")
        _zero_acc(s, zer_v, acc_sh)
        pltpu.sync_copy(src_hbm.at[s], src_v)
        pltpu.sync_copy(dst_hbm.at[s], dst_v)
        _remap_dst(c, dst_v)
        plsc.subcore_barrier()
        _accumulate(za_hbm, src_v, dst_v, rows_a, rows_b, acc_sh,
                    sem_a, sem_b)
        plsc.subcore_barrier()
        _writeback(c, s, acc_sh, outa_hbm)
        plsc.subcore_barrier()
        _zero_acc(s, zer_v, acc_sh)
        plsc.subcore_barrier()
        _accumulate(zb_hbm, src_v, dst_v, rows_a, rows_b, acc_sh,
                    sem_a, sem_b)
        plsc.subcore_barrier()
        _writeback(c, s, acc_sh, outb_hbm)

    return prop_kernel


_deg = _build_deg()
_prop1 = _build_prop1()
_prop2 = _build_prop2()


R = 1000
G = N // R


def _row_spec(w):
    return pl.BlockSpec((R, w), lambda i: (i, 0))


def _full_spec(a, b):
    return pl.BlockSpec((a, b), lambda i: (0, 0))


def _tc1(deg2, x, W1):
    def body(deg_ref, x_ref, w_ref, dis_ref, z1_ref):
        dis = lax.rsqrt(deg_ref[...] + 1.0)
        z = jnp.dot(x_ref[...], w_ref[...],
                    preferred_element_type=jnp.float32) * dis
        dis_ref[...] = dis
        z1_ref[...] = jnp.concatenate([z, jnp.zeros_like(z)], axis=1)

    return pl.pallas_call(
        body,
        grid=(G,),
        in_specs=[_row_spec(1), _row_spec(128), _full_spec(128, 64)],
        out_specs=[_row_spec(1), _row_spec(128)],
        out_shape=[
            jax.ShapeDtypeStruct((N, 1), jnp.float32),
            jax.ShapeDtypeStruct((N, 128), jnp.float32),
        ],
    )(deg2, x, W1)


def _tc2(a1, z1, dis2, b1r, g1r, be1r, W2):
    def body(a1_ref, z1_ref, dis_ref, b_ref, g_ref, be_ref, w_ref, z2_ref):
        a = (a1_ref[...] + z1_ref[...])[:, :64]
        dis = dis_ref[...]
        t = (dis * a + b_ref[...]) * (g_ref[...] * BN_C) + be_ref[...]
        h1 = jnp.where(t >= 0.0, t, LEAK * t)
        z2_ref[...] = jnp.dot(h1, w_ref[...],
                              preferred_element_type=jnp.float32) * dis

    return pl.pallas_call(
        body,
        grid=(G,),
        in_specs=[_row_spec(128), _row_spec(128), _row_spec(1),
                  _full_spec(1, 64), _full_spec(1, 64), _full_spec(1, 64),
                  _full_spec(64, 128)],
        out_specs=_row_spec(128),
        out_shape=jax.ShapeDtypeStruct((N, 128), jnp.float32),
    )(a1, z1, dis2, b1r, g1r, be1r, W2)


def _tc3(a2, z2, dis2, b2r, g2r, be2r, W3):
    def body(a2_ref, z2_ref, dis_ref, b_ref, g_ref, be_ref, w_ref,
             xrep_ref, z3lo_ref, z3hi_ref):
        a = a2_ref[...] + z2_ref[...]
        dis = dis_ref[...]
        xr = (dis * a + b_ref[...]) * (g_ref[...] * BN_C) + be_ref[...]
        xrep_ref[...] = xr
        z3 = jnp.dot(xr, w_ref[...],
                     preferred_element_type=jnp.float32) * dis
        z3lo_ref[...] = z3[:, :128]
        z3hi_ref[...] = z3[:, 128:]

    return pl.pallas_call(
        body,
        grid=(G,),
        in_specs=[_row_spec(128), _row_spec(128), _row_spec(1),
                  _full_spec(1, 128), _full_spec(1, 128), _full_spec(1, 128),
                  _full_spec(128, 256)],
        out_specs=[_row_spec(128), _row_spec(128), _row_spec(128)],
        out_shape=[
            jax.ShapeDtypeStruct((N, 128), jnp.float32),
            jax.ShapeDtypeStruct((N, 128), jnp.float32),
            jax.ShapeDtypeStruct((N, 128), jnp.float32),
        ],
    )(a2, z2, dis2, b2r, g2r, be2r, W3)


def _tc4(a3lo, a3hi, zlo, zhi, dis2, b3r):
    def body(alo_ref, ahi_ref, zlo_ref, zhi_ref, dis_ref, b_ref, xemb_ref):
        a = jnp.concatenate(
            [alo_ref[...] + zlo_ref[...], ahi_ref[...] + zhi_ref[...]],
            axis=1)
        xemb_ref[...] = dis_ref[...] * a + b_ref[...]

    return pl.pallas_call(
        body,
        grid=(G,),
        in_specs=[_row_spec(128), _row_spec(128), _row_spec(128),
                  _row_spec(128), _row_spec(1), _full_spec(1, 256)],
        out_specs=_row_spec(256),
        out_shape=jax.ShapeDtypeStruct((N, 256), jnp.float32),
    )(a3lo, a3hi, zlo, zhi, dis2, b3r)


def kernel(x, edge_index, W1, b1, g1, be1, W2, b2, g2, be2, W3, b3, Wfc, bfc):
    pad = EPAD - E
    src = jnp.concatenate(
        [edge_index[0], jnp.zeros((pad,), jnp.int32)]).reshape(NS, NCHK, CH)
    dst = jnp.concatenate(
        [edge_index[1],
         jnp.full((pad,), FAKE_DST, jnp.int32)]).reshape(NS, NCHK, CH)

    deg = _deg(dst)
    deg2 = deg.reshape(N, 1)

    dis2, z1 = _tc1(deg2, x, W1)
    a1 = _prop1(src, dst, z1)
    z2 = _tc2(a1, z1, dis2,
              b1.reshape(1, 64), g1.reshape(1, 64), be1.reshape(1, 64), W2)
    a2 = _prop1(src, dst, z2)
    x_rep, z3lo, z3hi = _tc3(a2, z2, dis2,
                             b2.reshape(1, 128), g2.reshape(1, 128),
                             be2.reshape(1, 128), W3)
    a3lo, a3hi = _prop2(src, dst, z3lo, z3hi)
    x_emb = _tc4(a3lo, a3hi, z3lo, z3hi, dis2, b3.reshape(1, 256))
    return (x_rep, x_emb)

# --- scband reference (transcript-rebuilt; emitter-appended) ---
"""Pipeline reference for scband-gcn-64063732187482 (READ-ONLY COPY).

The authoritative reference and input builder live on the scoring server;
editing this copy changes nothing except your own understanding.
"""

import jax, jax.numpy as jnp
import numpy as np

N = 10000
E = 320000
D_IN = 128

def gcn_conv(x, W, b, src, dst, n):
    # GCNConv: x' = D^-1/2 (A + I) D^-1/2 (x W) + b
    h = x @ W
    loop = jnp.arange(n, dtype=src.dtype)
    s = jnp.concatenate([src, loop])
    d = jnp.concatenate([dst, loop])
    deg = jax.ops.segment_sum(jnp.ones(s.shape[0], dtype=h.dtype), d, num_segments=n)
    dis = jnp.where(deg > 0, jax.lax.rsqrt(jnp.maximum(deg, 1e-12)), 0.0)
    norm = dis[s] * dis[d]
    out = jax.ops.segment_sum(h[s] * norm[:, None], d, num_segments=n)
    return out + b

def bn_eval(x, g, b, eps=1e-5):
    # BatchNorm1d in eval mode with freshly-initialized running stats (mean=0, var=1)
    return g * x / jnp.sqrt(1.0 + eps) + b

def setup_inputs(seed: int = 0):
    key = jax.random.key(seed)
    ks = jax.random.split(key, 8)
    x = jax.random.normal(ks[0], (N, D_IN), dtype=jnp.float32)
    edge_index = jax.random.randint(ks[1], (2, E), 0, N, dtype=jnp.int32)
    def lin(k, fan_in, fan_out):
        lim = 1.0 / np.sqrt(fan_in)
        kw, kb = jax.random.split(k)
        W = jax.random.uniform(kw, (fan_in, fan_out), minval=-lim, maxval=lim, dtype=jnp.float32)
        b = jax.random.uniform(kb, (fan_out,), minval=-lim, maxval=lim, dtype=jnp.float32)
        return W, b
    W1, b1 = lin(ks[2], 128, 64)
    W2, b2 = lin(ks[3], 64, 128)
    W3, b3 = lin(ks[4], 128, 256)
    Wfc, bfc = lin(ks[5], 256, 999)
    g1 = jnp.ones((64,), dtype=jnp.float32); be1 = jnp.zeros((64,), dtype=jnp.float32)
    g2 = jnp.ones((128,), dtype=jnp.float32); be2 = jnp.zeros((128,), dtype=jnp.float32)
    return dict(x=x, edge_index=edge_index, W1=W1, b1=b1, g1=g1, be1=be1,
                W2=W2, b2=b2, g2=g2, be2=be2, W3=W3, b3=b3, Wfc=Wfc, bfc=bfc)

def reference(x, edge_index, W1, b1, g1, be1, W2, b2, g2, be2, W3, b3, Wfc, bfc):
    src, dst = edge_index[0], edge_index[1]
    h = gcn_conv(x, W1, b1, src, dst, N)
    h = jax.nn.leaky_relu(bn_eval(h, g1, be1), negative_slope=0.02)
    # F.dropout with training=False -> identity
    h = gcn_conv(h, W2, b2, src, dst, N)
    x_rep = bn_eval(h, g2, be2)
    x_emb = gcn_conv(x_rep, W3, b3, src, dst, N)
    x_fc1 = x_emb @ Wfc + bfc  # computed but unused, as in the original forward
    return (x_rep, x_emb)

if __name__ == "__main__":
    import jax
    _d = setup_inputs()
    print(jax.jit(kernel)(*tuple(_d.values())))

</pallas_src>

<mosaic_0001>
#map = affine_map<(d0, d1) -> (0, 0, 0)>
#map1 = affine_map<(d0, d1) -> (0)>
module attributes {stable_mosaic.version = 14 : i64} {
  func.func @deg_kernel(%arg0: i32, %arg1: i32, %arg2: memref<16x158x128xi32, #tpu.memory_space<hbm>>, %arg3: memref<10000xf32, #tpu.memory_space<hbm>>, %arg4: memref<158x128xi32, #tpu.memory_space<vmem>>, %arg5: memref<128xf32, #tpu.memory_space<vmem>>, %arg6: memref<1024xf32, #tpu.memory_space<vmem>>, %arg7: memref<1000xf32, #tpu.memory_space<vmem>>, %arg8: memref<10016xf32, #tpu.memory_space<vmem_shared>>) attributes {dimension_semantics = [#tpu.dimension_semantics<core_parallel>, #tpu.dimension_semantics<subcore_parallel>], iteration_bounds = array<i64: 2, 16>, scalar_prefetch = 0 : i64, scratch_operands = 5 : i64, tpu.core_type = #tpu.core_type<sc_vector_subcore>, window_params = [{transform_indices = #map}, {transform_indices = #map1}]} {
    %eq3A = arith.constant 0 : i32
    %eq3A_0 = arith.cmpi eq, %arg0, %eq3A : i32
    %convert_element_type3A = arith.extui %eq3A_0 : i1 to i32
    %cond3A = arith.constant 0 : i32
    %cond3A_1 = arith.cmpi ne, %convert_element_type3A, %cond3A : i32
    scf.if %cond3A_1 {
      %scan3A = arith.constant 0 : i32
      %scan3A_2 = arith.constant 0 : i32
      %scan3A_3 = arith.constant 8 : i32
      %scan3A_4 = arith.addi %scan3A_2, %scan3A_3 : i32
      %scan3A_5 = arith.constant 1 : i32
      %scan3A_6 = scf.for %scan3A_32 = %scan3A_2 to %scan3A_4 step %scan3A_5 iter_args(%scan3A_33 = %scan3A) -> (i32)  : i32 {
        %broadcast_in_dim3A = arith.constant 1.000000e+00 : f32
        %broadcast_in_dim3A_34 = vector.broadcast %broadcast_in_dim3A : f32 to vector<16xf32>
        %mul3A = arith.constant 16 : i32
        %mul3A_35 = arith.muli %scan3A_32, %mul3A : i32
        %swap3A = arith.index_cast %mul3A_35 : i32 to index
        %swap3A_36 = tpu.vector_load %arg5[%swap3A] {strides = array<i32>} : memref<128xf32, #tpu.memory_space<vmem>>, vector<16xf32>,
        %swap3A_37 = vector.shape_cast %swap3A_36 : vector<16xf32> to vector<16xf32>
        %swap3A_38 = vector.shape_cast %broadcast_in_dim3A_34 : vector<16xf32> to vector<16xf32>
        tpu.vector_store %arg5[%swap3A], %swap3A_38 {strides = array<i32>} : memref<128xf32, #tpu.memory_space<vmem>>, vector<16xf32>,
        %scan3A_39 = arith.constant 0 : i32
        scf.yield %scan3A_39 : i32
      }
      %scan3A_7 = arith.constant 8 : i32
      %scan3A_8 = arith.constant 0 : i32
      %scan3A_9 = arith.constant 0 : i32
      %scan3A_10 = arith.constant 64 : i32
      %scan3A_11 = arith.addi %scan3A_9, %scan3A_10 : i32
      %scan3A_12 = arith.constant 1 : i32
      %scan3A_13 = scf.for %scan3A_32 = %scan3A_9 to %scan3A_11 step %scan3A_12 iter_args(%scan3A_33 = %scan3A_8) -> (i32)  : i32 {
        %broadcast_in_dim3A = arith.constant 0.000000e+00 : f32
        %broadcast_in_dim3A_34 = vector.broadcast %broadcast_in_dim3A : f32 to vector<16xf32>
        %mul3A = arith.constant 16 : i32
        %mul3A_35 = arith.muli %scan3A_32, %mul3A : i32
        %swap3A = arith.index_cast %mul3A_35 : i32 to index
        %swap3A_36 = tpu.vector_load %arg6[%swap3A] {strides = array<i32>} : memref<1024xf32, #tpu.memory_space<vmem>>, vector<16xf32>,
        %swap3A_37 = vector.shape_cast %swap3A_36 : vector<16xf32> to vector<16xf32>
        %swap3A_38 = vector.shape_cast %broadcast_in_dim3A_34 : vector<16xf32> to vector<16xf32>
        tpu.vector_store %arg6[%swap3A], %swap3A_38 {strides = array<i32>} : memref<1024xf32, #tpu.memory_space<vmem>>, vector<16xf32>,
        %scan3A_39 = arith.constant 0 : i32
        scf.yield %scan3A_39 : i32
      }
      %scan3A_14 = arith.constant 64 : i32
      %lt3A = arith.constant 10 : i32
      %lt3A_15 = arith.cmpi slt, %arg1, %lt3A : i32
      %convert_element_type3A_16 = arith.extui %lt3A_15 : i1 to i32
      %cond3A_17 = arith.constant 0 : i32
      %cond3A_18 = arith.cmpi ne, %convert_element_type3A_16, %cond3A_17 : i32
      scf.if %cond3A_18 {
        %mul3A = arith.constant 1000 : i32
        %mul3A_32 = arith.muli %arg1, %mul3A : i32
        "tpu.region"() ({
          %run_scoped3A = tpu.sem_alloc : memref<!tpu.dma_semaphore, #tpu.memory_space<semaphore_mem>>
          %dma_start3A = arith.constant 0 : i32
          %dma_start3A_33 = tpu.memref_slice %arg6[%dma_start3A] : memref<1024xf32, #tpu.memory_space<vmem>> -> memref<1000xf32, #tpu.memory_space<vmem>>
          %dma_start3A_34 = tpu.memref_slice %arg8[%mul3A_32] : memref<10016xf32, #tpu.memory_space<vmem_shared>> -> memref<1000xf32, #tpu.memory_space<vmem_shared>>
          %dma_start3A_35 = tpu.memref_slice %arg8[%mul3A_32] : memref<10016xf32, #tpu.memory_space<vmem_shared>> -> memref<1000xf32, #tpu.memory_space<vmem_shared>>
          %dma_start3A_36 = arith.constant 0 : i32
          %dma_start3A_37 = tpu.memref_slice %arg6[%dma_start3A_36] : memref<1024xf32, #tpu.memory_space<vmem>> -> memref<1000xf32, #tpu.memory_space<vmem>>
          tpu.enqueue_dma source(%dma_start3A_37 : memref<1000xf32, #tpu.memory_space<vmem>>) target(%dma_start3A_35 : memref<1000xf32, #tpu.memory_space<vmem_shared>>) target_semaphore(%run_scoped3A : memref<!tpu.dma_semaphore, #tpu.memory_space<semaphore_mem>>)
          %dma_wait3A = arith.constant 0 : i32
          %dma_wait3A_38 = tpu.memref_slice %arg6[%dma_wait3A] : memref<1024xf32, #tpu.memory_space<vmem>> -> memref<1000xf32, #tpu.memory_space<vmem>>
          %dma_wait3A_39 = tpu.memref_slice %arg8[%mul3A_32] : memref<10016xf32, #tpu.memory_space<vmem_shared>> -> memref<1000xf32, #tpu.memory_space<vmem_shared>>
          %dma_wait3A_40 = tpu.memref_slice %arg8[%mul3A_32] : memref<10016xf32, #tpu.memory_space<vmem_shared>> -> memref<1000xf32, #tpu.memory_space<vmem_shared>>
          %dma_wait3A_41 = arith.constant 0 : i32
          %dma_wait3A_42 = tpu.memref_slice %arg6[%dma_wait3A_41] : memref<1024xf32, #tpu.memory_space<vmem>> -> memref<1000xf32, #tpu.memory_space<vmem>>
          tpu.wait_dma2 semaphore(%run_scoped3A : memref<!tpu.dma_semaphore, #tpu.memory_space<semaphore_mem>>) src(%dma_wait3A_42 : memref<1000xf32, #tpu.memory_space<vmem>>) dst(%dma_wait3A_40 : memref<1000xf32, #tpu.memory_space<vmem_shared>>)
          tpu.yield
        }) : () -> ()
      } else {
      }
      %barrier3A = arith.constant 0 : index
      tpu.barrier barrier_id(%barrier3A)
      "tpu.region"() ({
        %run_scoped3A = tpu.sem_alloc : memref<!tpu.dma_semaphore, #tpu.memory_space<semaphore_mem>>
        %dma_start3A = arith.constant 0 : i32
        %dma_start3A_32 = arith.constant 0 : i32
        %dma_start3A_33 = tpu.memref_slice %arg2[%arg1, %dma_start3A, %dma_start3A_32] : memref<16x158x128xi32, #tpu.memory_space<hbm>> -> memref<1x158x128xi32, #tpu.memory_space<hbm>>
        %dma_start3A_34 = tpu.memref_squeeze %dma_start3A_33 : memref<1x158x128xi32, #tpu.memory_space<hbm>> -> memref<158x128xi32, #tpu.memory_space<hbm>>
        %dma_start3A_35 = arith.constant 0 : i32
        %dma_start3A_36 = arith.constant 0 : i32
        %dma_start3A_37 = tpu.memref_slice %arg2[%arg1, %dma_start3A_35, %dma_start3A_36] : memref<16x158x128xi32, #tpu.memory_space<hbm>> -> memref<1x158x128xi32, #tpu.memory_space<hbm>>
        %dma_start3A_38 = tpu.memref_squeeze %dma_start3A_37 : memref<1x158x128xi32, #tpu.memory_space<hbm>> -> memref<158x128xi32, #tpu.memory_space<hbm>>
        tpu.enqueue_dma source(%dma_start3A_38 : memref<158x128xi32, #tpu.memory_space<hbm>>) target(%arg4 : memref<158x128xi32, #tpu.memory_space<vmem>>) target_semaphore(%run_scoped3A : memref<!tpu.dma_semaphore, #tpu.memory_space<semaphore_mem>>)
        %dma_wait3A = arith.constant 0 : i32
        %dma_wait3A_39 = arith.constant 0 : i32
        %dma_wait3A_40 = tpu.memref_slice %arg2[%arg1, %dma_wait3A, %dma_wait3A_39] : memref<16x158x128xi32, #tpu.memory_space<hbm>> -> memref<1x158x128xi32, #tpu.memory_space<hbm>>
        %dma_wait3A_41 = tpu.memref_squeeze %dma_wait3A_40 : memref<1x158x128xi32, #tpu.memory_space<hbm>> -> memref<158x128xi32, #tpu.memory_space<hbm>>
        %dma_wait3A_42 = arith.constant 0 : i32
        %dma_wait3A_43 = arith.constant 0 : i32
        %dma_wait3A_44 = tpu.memref_slice %arg2[%arg1, %dma_wait3A_42, %dma_wait3A_43] : memref<16x158x128xi32, #tpu.memory_space<hbm>> -> memref<1x158x128xi32, #tpu.memory_space<hbm>>
        %dma_wait3A_45 = tpu.memref_squeeze %dma_wait3A_44 : memref<1x158x128xi32, #tpu.memory_space<hbm>> -> memref<158x128xi32, #tpu.memory_space<hbm>>
        tpu.wait_dma2 semaphore(%run_scoped3A : memref<!tpu.dma_semaphore, #tpu.memory_space<semaphore_mem>>) src(%dma_wait3A_45 : memref<158x128xi32, #tpu.memory_space<hbm>>) dst(%arg4 : memref<158x128xi32, #tpu.memory_space<vmem>>)
        tpu.yield
      }) : () -> ()
      %scan3A_19 = arith.constant 0 : i32
      %scan3A_20 = arith.constant 0 : i32
      %scan3A_21 = arith.constant 158 : i32
      %scan3A_22 = arith.addi %scan3A_20, %scan3A_21 : i32
      %scan3A_23 = arith.constant 1 : i32
      %scan3A_24 = scf.for %scan3A_32 = %scan3A_20 to %scan3A_22 step %scan3A_23 iter_args(%scan3A_33 = %scan3A_19) -> (i32)  : i32 {
        "tpu.region"() ({
          %run_scoped3A = tpu.sem_alloc : memref<!tpu.dma_semaphore, #tpu.memory_space<semaphore_mem>>
          %dma_start3A = arith.constant 0 : i32
          %dma_start3A_35 = tpu.memref_slice %arg5[%dma_start3A] : memref<128xf32, #tpu.memory_space<vmem>> -> memref<128xf32, #tpu.memory_space<vmem>>
          %dma_start3A_36 = arith.constant 0 : i32
          %dma_start3A_37 = tpu.memref_slice %arg4[%scan3A_32, %dma_start3A_36] : memref<158x128xi32, #tpu.memory_space<vmem>> -> memref<1x128xi32, #tpu.memory_space<vmem>>
          %dma_start3A_38 = tpu.memref_squeeze %dma_start3A_37 : memref<1x128xi32, #tpu.memory_space<vmem>> -> memref<128xi32, #tpu.memory_space<vmem>>
          %dma_start3A_39 = arith.constant 0 : i32
          %dma_start3A_40 = tpu.memref_slice %arg8[%dma_start3A_39] : memref<10016xf32, #tpu.memory_space<vmem_shared>> -> memref<10016xf32, #tpu.memory_space<vmem_shared>>
          tpu.enqueue_indirect_dma source(%dma_start3A_35 : memref<128xf32, #tpu.memory_space<vmem>>) target(%dma_start3A_40 : memref<10016xf32, #tpu.memory_space<vmem_shared>>) offsets(%dma_start3A_38 : memref<128xi32, #tpu.memory_space<vmem>>) semaphore(%run_scoped3A : memref<!tpu.dma_semaphore, #tpu.memory_space<semaphore_mem>>) {add = true}
          %dma_wait3A = arith.constant 0 : i32
          %dma_wait3A_41 = tpu.memref_slice %arg5[%dma_wait3A] : memref<128xf32, #tpu.memory_space<vmem>> -> memref<128xf32, #tpu.memory_space<vmem>>
          %dma_wait3A_42 = arith.constant 0 : i32
          %dma_wait3A_43 = tpu.memref_slice %arg4[%scan3A_32, %dma_wait3A_42] : memref<158x128xi32, #tpu.memory_space<vmem>> -> memref<1x128xi32, #tpu.memory_space<vmem>>
          %dma_wait3A_44 = tpu.memref_squeeze %dma_wait3A_43 : memref<1x128xi32, #tpu.memory_space<vmem>> -> memref<128xi32, #tpu.memory_space<vmem>>
          %dma_wait3A_45 = arith.constant 0 : i32
          %dma_wait3A_46 = tpu.memref_slice %arg8[%dma_wait3A_45] : memref<10016xf32, #tpu.memory_space<vmem_shared>> -> memref<10016xf32, #tpu.memory_space<vmem_shared>>
          tpu.wait_indirect_dma semaphore(%run_scoped3A : memref<!tpu.dma_semaphore, #tpu.memory_space<semaphore_mem>>) src(%dma_wait3A_41 : memref<128xf32, #tpu.memory_space<vmem>>) dst(%dma_wait3A_46 : memref<10016xf32, #tpu.memory_space<vmem_shared>>)
          tpu.yield
        }) : () -> ()
        %scan3A_34 = arith.constant 0 : i32
        scf.yield %scan3A_34 : i32
      }
      %scan3A_25 = arith.constant 158 : i32
      %barrier3A_26 = arith.constant 0 : index
      tpu.barrier barrier_id(%barrier3A_26)
      %lt3A_27 = arith.constant 10 : i32
      %lt3A_28 = arith.cmpi slt, %arg1, %lt3A_27 : i32
      %convert_element_type3A_29 = arith.extui %lt3A_28 : i1 to i32
      %cond3A_30 = arith.constant 0 : i32
      %cond3A_31 = arith.cmpi ne, %convert_element_type3A_29, %cond3A_30 : i32
      scf.if %cond3A_31 {
        %mul3A = arith.constant 1000 : i32
        %mul3A_32 = arith.muli %arg1, %mul3A : i32
        "tpu.region"() ({
          %run_scoped3A = tpu.sem_alloc : memref<!tpu.dma_semaphore, #tpu.memory_space<semaphore_mem>>
          %dma_start3A = tpu.memref_slice %arg8[%mul3A_32] : memref<10016xf32, #tpu.memory_space<vmem_shared>> -> memref<1000xf32, #tpu.memory_space<vmem_shared>>
          %dma_start3A_35 = tpu.memref_slice %arg8[%mul3A_32] : memref<10016xf32, #tpu.memory_space<vmem_shared>> -> memref<1000xf32, #tpu.memory_space<vmem_shared>>
          tpu.enqueue_dma source(%dma_start3A_35 : memref<1000xf32, #tpu.memory_space<vmem_shared>>) target(%arg7 : memref<1000xf32, #tpu.memory_space<vmem>>) target_semaphore(%run_scoped3A : memref<!tpu.dma_semaphore, #tpu.memory_space<semaphore_mem>>)
          %dma_wait3A = tpu.memref_slice %arg8[%mul3A_32] : memref<10016xf32, #tpu.memory_space<vmem_shared>> -> memref<1000xf32, #tpu.memory_space<vmem_shared>>
          %dma_wait3A_36 = tpu.memref_slice %arg8[%mul3A_32] : memref<10016xf32, #tpu.memory_space<vmem_shared>> -> memref<1000xf32, #tpu.memory_space<vmem_shared>>
          tpu.wait_dma2 semaphore(%run_scoped3A : memref<!tpu.dma_semaphore, #tpu.memory_space<semaphore_mem>>) src(%dma_wait3A_36 : memref<1000xf32, #tpu.memory_space<vmem_shared>>) dst(%arg7 : memref<1000xf32, #tpu.memory_space<vmem>>)
          tpu.yield
        }) : () -> ()
        %mul3A_33 = arith.constant 1000 : i32
        %mul3A_34 = arith.muli %arg1, %mul3A_33 : i32
        "tpu.region"() ({
          %run_scoped3A = tpu.sem_alloc : memref<!tpu.dma_semaphore, #tpu.memory_space<semaphore_mem>>
          %dma_start3A = tpu.memref_slice %arg3[%mul3A_34] : memref<10000xf32, #tpu.memory_space<hbm>> -> memref<1000xf32, #tpu.memory_space<hbm>>
          %dma_start3A_35 = tpu.memref_slice %arg3[%mul3A_34] : memref<10000xf32, #tpu.memory_space<hbm>> -> memref<1000xf32, #tpu.memory_space<hbm>>
          tpu.enqueue_dma source(%arg7 : memref<1000xf32, #tpu.memory_space<vmem>>) target(%dma_start3A_35 : memref<1000xf32, #tpu.memory_space<hbm>>) target_semaphore(%run_scoped3A : memref<!tpu.dma_semaphore, #tpu.memory_space<semaphore_mem>>)
          %dma_wait3A = tpu.memref_slice %arg3[%mul3A_34] : memref<10000xf32, #tpu.memory_space<hbm>> -> memref<1000xf32, #tpu.memory_space<hbm>>
          %dma_wait3A_36 = tpu.memref_slice %arg3[%mul3A_34] : memref<10000xf32, #tpu.memory_space<hbm>> -> memref<1000xf32, #tpu.memory_space<hbm>>
          tpu.wait_dma2 semaphore(%run_scoped3A : memref<!tpu.dma_semaphore, #tpu.memory_space<semaphore_mem>>) src(%arg7 : memref<1000xf32, #tpu.memory_space<vmem>>) dst(%dma_wait3A_36 : memref<1000xf32, #tpu.memory_space<hbm>>)
          tpu.yield
        }) : () -> ()
      } else {
      }
    } else {
    }
    return
  }
}

#map = affine_map<(d0, d1) -> (0, 0, 0)>
#map1 = affine_map<(d0, d1) -> (0, 0)>
module attributes {stable_mosaic.version = 14 : i64} {
  func.func @prop_kernel(%arg0: i32, %arg1: i32, %arg2: memref<16x158x128xi32, #tpu.memory_space<hbm>>, %arg3: memref<16x158x128xi32, #tpu.memory_space<hbm>>, %arg4: memref<10000x128xf32, #tpu.memory_space<hbm>>, %arg5: memref<10000x128xf32, #tpu.memory_space<hbm>>, %arg6: memref<10000x128xf32, #tpu.memory_space<hbm>>, %arg7: memref<10000x128xf32, #tpu.memory_space<hbm>>, %arg8: memref<158x128xi32, #tpu.memory_space<vmem>>, %arg9: memref<158x128xi32, #tpu.memory_space<vmem>>, %arg10: memref<40x128xf32, #tpu.memory_space<vmem>>, %arg11: memref<5184x128xf32, #tpu.memory_space<vmem_shared>>, %arg12: memref<128x128xf32, #tpu.memory_space<vmem>>, %arg13: memref<128x128xf32, #tpu.memory_space<vmem>>, %arg14: memref<!tpu.dma_semaphore, #tpu.memory_space<semaphore_mem>>, %arg15: memref<!tpu.dma_semaphore, #tpu.memory_space<semaphore_mem>>) attributes {dimension_semantics = [#tpu.dimension_semantics<core_parallel>, #tpu.dimension_semantics<subcore_parallel>], iteration_bounds = array<i64: 2, 16>, scalar_prefetch = 0 : i64, scratch_operands = 8 : i64, tpu.core_type = #tpu.core_type<sc_vector_subcore>, window_params = [{transform_indices = #map}, {transform_indices = #map}, {transform_indices = #map1}, {transform_indices = #map1}, {transform_indices = #map1}, {transform_indices = #map1}]} {
    %scan3A = arith.constant 0 : i32
    %scan3A_0 = arith.constant 0 : i32
    %scan3A_1 = arith.constant 320 : i32
    %scan3A_2 = arith.addi %scan3A_0, %scan3A_1 : i32
    %scan3A_3 = arith.constant 1 : i32
    %scan3A_4 = scf.for %scan3A_103 = %scan3A_0 to %scan3A_2 step %scan3A_3 iter_args(%scan3A_104 = %scan3A) -> (i32)  : i32 {
      %broadcast_in_dim3A = arith.constant 0.000000e+00 : f32
      %broadcast_in_dim3A_105 = vector.broadcast %broadcast_in_dim3A : f32 to vector<16xf32>
      %jit3A = arith.constant 8 : i32
      %div3A = arith.divsi %scan3A_103, %jit3A : i32
      %sign3A = arith.constant 0 : i32
      %sign3A_106 = arith.cmpi sgt, %scan3A_103, %sign3A : i32
      %sign3A_107 = arith.extui %sign3A_106 : i1 to i32
      %sign3A_108 = arith.constant 0 : i32
      %sign3A_109 = arith.cmpi slt, %scan3A_103, %sign3A_108 : i32
      %sign3A_110 = arith.extui %sign3A_109 : i1 to i32
      %sign3A_111 = arith.subi %sign3A_107, %sign3A_110 : i32
      %sign3A_112 = arith.constant 0 : i32
      %sign3A_113 = arith.cmpi sgt, %jit3A, %sign3A_112 : i32
      %sign3A_114 = arith.extui %sign3A_113 : i1 to i32
      %sign3A_115 = arith.constant 0 : i32
      %sign3A_116 = arith.cmpi slt, %jit3A, %sign3A_115 : i32
      %sign3A_117 = arith.extui %sign3A_116 : i1 to i32
      %sign3A_118 = arith.subi %sign3A_114, %sign3A_117 : i32
      %ne3A = arith.cmpi ne, %sign3A_111, %sign3A_118 : i32
      %rem3A = arith.remsi %scan3A_103, %jit3A : i32
      %ne3A_119 = arith.constant 0 : i32
      %ne3A_120 = arith.cmpi ne, %rem3A, %ne3A_119 : i32
      %and3A_121 = arith.andi %ne3A, %ne3A_120 : i1
      %sub3A = arith.constant 1 : i32
      %sub3A_122 = arith.subi %div3A, %sub3A : i32
      %select_n3A = arith.select %and3A_121, %sub3A_122, %div3A : i32
      %jit3A_123 = arith.constant 8 : i32
      %eq3A_124 = arith.constant 0 : i32
      %eq3A_125 = arith.cmpi eq, %jit3A_123, %eq3A_124 : i32
      %jit3A_126 = arith.constant 1 : i32
      %select_n3A_127 = arith.select %eq3A_125, %jit3A_126, %jit3A_123 : i32
      %rem3A_128 = arith.remsi %scan3A_103, %select_n3A_127 : i32
      %ne3A_129 = arith.constant 0 : i32
      %ne3A_130 = arith.cmpi ne, %rem3A_128, %ne3A_129 : i32
      %lt3A_131 = arith.constant 0 : i32
      %lt3A_132 = arith.cmpi slt, %rem3A_128, %lt3A_131 : i32
      %lt3A_133 = arith.constant 0 : i32
      %lt3A_134 = arith.cmpi slt, %select_n3A_127, %lt3A_133 : i32
      %ne3A_135 = arith.xori %lt3A_132, %lt3A_134 : i1
      %and3A_136 = arith.andi %ne3A_135, %ne3A_130 : i1
      %add3A = arith.addi %rem3A_128, %select_n3A_127 : i32
      %select_n3A_137 = arith.select %and3A_136, %add3A, %rem3A_128 : i32
      %mul3A_138 = arith.constant 16 : i32
      %mul3A_139 = arith.muli %select_n3A_137, %mul3A_138 : i32
      %swap3A = arith.index_cast %select_n3A : i32 to index
      %swap3A_140 = arith.index_cast %mul3A_139 : i32 to index
      %swap3A_141 = tpu.vector_load %arg10[%swap3A, %swap3A_140] {strides = array<i32>} : memref<40x128xf32, #tpu.memory_space<vmem>>, vector<1x16xf32>,
      %swap3A_142 = vector.shape_cast %swap3A_141 : vector<1x16xf32> to vector<16xf32>
      %swap3A_143 = vector.shape_cast %broadcast_in_dim3A_105 : vector<16xf32> to vector<1x16xf32>
      tpu.vector_store %arg10[%swap3A, %swap3A_140], %swap3A_143 {strides = array<i32>} : memref<40x128xf32, #tpu.memory_space<vmem>>, vector<1x16xf32>,
      %scan3A_144 = arith.constant 0 : i32
      scf.yield %scan3A_144 : i32
    }
    %scan3A_5 = arith.constant 320 : i32
    %scan3A_6 = arith.constant 0 : i32
    %scan3A_7 = arith.constant 0 : i32
    %scan3A_8 = arith.constant 8 : i32
    %scan3A_9 = arith.addi %scan3A_7, %scan3A_8 : i32
    %scan3A_10 = arith.constant 1 : i32
    %scan3A_11 = scf.for %scan3A_103 = %scan3A_7 to %scan3A_9 step %scan3A_10 iter_args(%scan3A_104 = %scan3A_6) -> (i32)  : i32 {
      %mul3A_105 = arith.constant 8 : i32
      %mul3A_106 = arith.muli %arg1, %mul3A_105 : i32
      %mul3A_107 = arith.constant 40 : i32
      %mul3A_108 = arith.muli %mul3A_106, %mul3A_107 : i32
      %mul3A_109 = arith.constant 40 : i32
      %mul3A_110 = arith.muli %scan3A_103, %mul3A_109 : i32
      %add3A = arith.addi %mul3A_108, %mul3A_110 : i32
      "tpu.region"() ({
        %run_scoped3A = tpu.sem_alloc : memref<!tpu.dma_semaphore, #tpu.memory_space<semaphore_mem>>
        %dma_start3A_112 = arith.constant 0 : i32
        %dma_start3A_113 = tpu.memref_slice %arg11[%add3A, %dma_start3A_112] : memref<5184x128xf32, #tpu.memory_space<vmem_shared>> -> memref<40x128xf32, #tpu.memory_space<vmem_shared>>
        %dma_start3A_114 = arith.constant 0 : i32
        %dma_start3A_115 = tpu.memref_slice %arg11[%add3A, %dma_start3A_114] : memref<5184x128xf32, #tpu.memory_space<vmem_shared>> -> memref<40x128xf32, #tpu.memory_space<vmem_shared>>
        tpu.enqueue_dma source(%arg10 : memref<40x128xf32, #tpu.memory_space<vmem>>) target(%dma_start3A_115 : memref<40x128xf32, #tpu.memory_space<vmem_shared>>) target_semaphore(%run_scoped3A : memref<!tpu.dma_semaphore, #tpu.memory_space<semaphore_mem>>)
        %dma_wait3A = arith.constant 0 : i32
        %dma_wait3A_116 = tpu.memref_slice %arg11[%add3A, %dma_wait3A] : memref<5184x128xf32, #tpu.memory_space<vmem_shared>> -> memref<40x128xf32, #tpu.memory_space<vmem_shared>>
        %dma_wait3A_117 = arith.constant 0 : i32
        %dma_wait3A_118 = tpu.memref_slice %arg11[%add3A, %dma_wait3A_117] : memref<5184x128xf32, #tpu.memory_space<vmem_shared>> -> memref<40x128xf32, #tpu.memory_space<vmem_shared>>
        tpu.wait_dma2 semaphore(%run_scoped3A : memref<!tpu.dma_semaphore, #tpu.memory_space<semaphore_mem>>) src(%arg10 : memref<40x128xf32, #tpu.memory_space<vmem>>) dst(%dma_wait3A_118 : memref<40x128xf32, #tpu.memory_space<vmem_shared>>)
        tpu.yield
      }) : () -> ()
      %scan3A_111 = arith.constant 0 : i32
      scf.yield %scan3A_111 : i32
    }
    %scan3A_12 = arith.constant 8 : i32
    "tpu.region"() ({
      %run_scoped3A = tpu.sem_alloc : memref<!tpu.dma_semaphore, #tpu.memory_space<semaphore_mem>>
      %dma_start3A_103 = arith.constant 0 : i32
      %dma_start3A_104 = arith.constant 0 : i32
      %dma_start3A_105 = tpu.memref_slice %arg2[%arg1, %dma_start3A_103, %dma_start3A_104] : memref<16x158x128xi32, #tpu.memory_space<hbm>> -> memref<1x158x128xi32, #tpu.memory_space<hbm>>
      %dma_start3A_106 = tpu.memref_squeeze %dma_start3A_105 : memref<1x158x128xi32, #tpu.memory_space<hbm>> -> memref<158x128xi32, #tpu.memory_space<hbm>>
      %dma_start3A_107 = arith.constant 0 : i32
      %dma_start3A_108 = arith.constant 0 : i32
      %dma_start3A_109 = tpu.memref_slice %arg2[%arg1, %dma_start3A_107, %dma_start3A_108] : memref<16x158x128xi32, #tpu.memory_space<hbm>> -> memref<1x158x128xi32, #tpu.memory_space<hbm>>
      %dma_start3A_110 = tpu.memref_squeeze %dma_start3A_109 : memref<1x158x128xi32, #tpu.memory_space<hbm>> -> memref<158x128xi32, #tpu.memory_space<hbm>>
      tpu.enqueue_dma source(%dma_start3A_110 : memref<158x128xi32, #tpu.memory_space<hbm>>) target(%arg8 : memref<158x128xi32, #tpu.memory_space<vmem>>) target_semaphore(%run_scoped3A : memref<!tpu.dma_semaphore, #tpu.memory_space<semaphore_mem>>)
      %dma_wait3A = arith.constant 0 : i32
      %dma_wait3A_111 = arith.constant 0 : i32
      %dma_wait3A_112 = tpu.memref_slice %arg2[%arg1, %dma_wait3A, %dma_wait3A_111] : memref<16x158x128xi32, #tpu.memory_space<hbm>> -> memref<1x158x128xi32, #tpu.memory_space<hbm>>
      %dma_wait3A_113 = tpu.memref_squeeze %dma_wait3A_112 : memref<1x158x128xi32, #tpu.memory_space<hbm>> -> memref<158x128xi32, #tpu.memory_space<hbm>>
      %dma_wait3A_114 = arith.constant 0 : i32
      %dma_wait3A_115 = arith.constant 0 : i32
      %dma_wait3A_116 = tpu.memref_slice %arg2[%arg1, %dma_wait3A_114, %dma_wait3A_115] : memref<16x158x128xi32, #tpu.memory_space<hbm>> -> memref<1x158x128xi32, #tpu.memory_space<hbm>>
      %dma_wait3A_117 = tpu.memref_squeeze %dma_wait3A_116 : memref<1x158x128xi32, #tpu.memory_space<hbm>> -> memref<158x128xi32, #tpu.memory_space<hbm>>
      tpu.wait_dma2 semaphore(%run_scoped3A : memref<!tpu.dma_semaphore, #tpu.memory_space<semaphore_mem>>) src(%dma_wait3A_117 : memref<158x128xi32, #tpu.memory_space<hbm>>) dst(%arg8 : memref<158x128xi32, #tpu.memory_space<vmem>>)
      tpu.yield
    }) : () -> ()
    "tpu.region"() ({
      %run_scoped3A = tpu.sem_alloc : memref<!tpu.dma_semaphore, #tpu.memory_space<semaphore_mem>>
      %dma_start3A_103 = arith.constant 0 : i32
      %dma_start3A_104 = arith.constant 0 : i32
      %dma_start3A_105 = tpu.memref_slice %arg3[%arg1, %dma_start3A_103, %dma_start3A_104] : memref<16x158x128xi32, #tpu.memory_space<hbm>> -> memref<1x158x128xi32, #tpu.memory_space<hbm>>
      %dma_start3A_106 = tpu.memref_squeeze %dma_start3A_105 : memref<1x158x128xi32, #tpu.memory_space<hbm>> -> memref<158x128xi32, #tpu.memory_space<hbm>>
      %dma_start3A_107 = arith.constant 0 : i32
      %dma_start3A_108 = arith.constant 0 : i32
      %dma_start3A_109 = tpu.memref_slice %arg3[%arg1, %dma_start3A_107, %dma_start3A_108] : memref<16x158x128xi32, #tpu.memory_space<hbm>> -> memref<1x158x128xi32, #tpu.memory_space<hbm>>
      %dma_start3A_110 = tpu.memref_squeeze %dma_start3A_109 : memref<1x158x128xi32, #tpu.memory_space<hbm>> -> memref<158x128xi32, #tpu.memory_space<hbm>>
      tpu.enqueue_dma source(%dma_start3A_110 : memref<158x128xi32, #tpu.memory_space<hbm>>) target(%arg9 : memref<158x128xi32, #tpu.memory_space<vmem>>) target_semaphore(%run_scoped3A : memref<!tpu.dma_semaphore, #tpu.memory_space<semaphore_mem>>)
      %dma_wait3A = arith.constant 0 : i32
      %dma_wait3A_111 = arith.constant 0 : i32
      %dma_wait3A_112 = tpu.memref_slice %arg3[%arg1, %dma_wait3A, %dma_wait3A_111] : memref<16x158x128xi32, #tpu.memory_space<hbm>> -> memref<1x158x128xi32, #tpu.memory_space<hbm>>
      %dma_wait3A_113 = tpu.memref_squeeze %dma_wait3A_112 : memref<1x158x128xi32, #tpu.memory_space<hbm>> -> memref<158x128xi32, #tpu.memory_space<hbm>>
      %dma_wait3A_114 = arith.constant 0 : i32
      %dma_wait3A_115 = arith.constant 0 : i32
      %dma_wait3A_116 = tpu.memref_slice %arg3[%arg1, %dma_wait3A_114, %dma_wait3A_115] : memref<16x158x128xi32, #tpu.memory_space<hbm>> -> memref<1x158x128xi32, #tpu.memory_space<hbm>>
      %dma_wait3A_117 = tpu.memref_squeeze %dma_wait3A_116 : memref<1x158x128xi32, #tpu.memory_space<hbm>> -> memref<158x128xi32, #tpu.memory_space<hbm>>
      tpu.wait_dma2 semaphore(%run_scoped3A : memref<!tpu.dma_semaphore, #tpu.memory_space<semaphore_mem>>) src(%dma_wait3A_117 : memref<158x128xi32, #tpu.memory_space<hbm>>) dst(%arg9 : memref<158x128xi32, #tpu.memory_space<vmem>>)
      tpu.yield
    }) : () -> ()
    %mul3A = arith.constant 5120 : i32
    %mul3A_13 = arith.muli %arg0, %mul3A : i32
    %scan3A_14 = arith.constant 0 : i32
    %scan3A_15 = arith.constant 0 : i32
    %scan3A_16 = arith.constant 1264 : i32
    %scan3A_17 = arith.addi %scan3A_15, %scan3A_16 : i32
    %scan3A_18 = arith.constant 1 : i32
    %scan3A_19 = scf.for %scan3A_103 = %scan3A_15 to %scan3A_17 step %scan3A_18 iter_args(%scan3A_104 = %scan3A_14) -> (i32)  : i32 {
      %jit3A = arith.constant 8 : i32
      %div3A = arith.divsi %scan3A_103, %jit3A : i32
      %sign3A = arith.constant 0 : i32
      %sign3A_105 = arith.cmpi sgt, %scan3A_103, %sign3A : i32
      %sign3A_106 = arith.extui %sign3A_105 : i1 to i32
      %sign3A_107 = arith.constant 0 : i32
      %sign3A_108 = arith.cmpi slt, %scan3A_103, %sign3A_107 : i32
      %sign3A_109 = arith.extui %sign3A_108 : i1 to i32
      %sign3A_110 = arith.subi %sign3A_106, %sign3A_109 : i32
      %sign3A_111 = arith.constant 0 : i32
      %sign3A_112 = arith.cmpi sgt, %jit3A, %sign3A_111 : i32
      %sign3A_113 = arith.extui %sign3A_112 : i1 to i32
      %sign3A_114 = arith.constant 0 : i32
      %sign3A_115 = arith.cmpi slt, %jit3A, %sign3A_114 : i32
      %sign3A_116 = arith.extui %sign3A_115 : i1 to i32
      %sign3A_117 = arith.subi %sign3A_113, %sign3A_116 : i32
      %ne3A = arith.cmpi ne, %sign3A_110, %sign3A_117 : i32
      %rem3A = arith.remsi %scan3A_103, %jit3A : i32
      %ne3A_118 = arith.constant 0 : i32
      %ne3A_119 = arith.cmpi ne, %rem3A, %ne3A_118 : i32
      %and3A_120 = arith.andi %ne3A, %ne3A_119 : i1
      %sub3A = arith.constant 1 : i32
      %sub3A_121 = arith.subi %div3A, %sub3A : i32
      %select_n3A = arith.select %and3A_120, %sub3A_121, %div3A : i32
      %jit3A_122 = arith.constant 8 : i32
      %eq3A_123 = arith.constant 0 : i32
      %eq3A_124 = arith.cmpi eq, %jit3A_122, %eq3A_123 : i32
      %jit3A_125 = arith.constant 1 : i32
      %select_n3A_126 = arith.select %eq3A_124, %jit3A_125, %jit3A_122 : i32
      %rem3A_127 = arith.remsi %scan3A_103, %select_n3A_126 : i32
      %ne3A_128 = arith.constant 0 : i32
      %ne3A_129 = arith.cmpi ne, %rem3A_127, %ne3A_128 : i32
      %lt3A_130 = arith.constant 0 : i32
      %lt3A_131 = arith.cmpi slt, %rem3A_127, %lt3A_130 : i32
      %lt3A_132 = arith.constant 0 : i32
      %lt3A_133 = arith.cmpi slt, %select_n3A_126, %lt3A_132 : i32
      %ne3A_134 = arith.xori %lt3A_131, %lt3A_133 : i1
      %and3A_135 = arith.andi %ne3A_134, %ne3A_129 : i1
      %add3A = arith.addi %rem3A_127, %select_n3A_126 : i32
      %select_n3A_136 = arith.select %and3A_135, %add3A, %rem3A_127 : i32
      %mul3A_137 = arith.constant 16 : i32
      %mul3A_138 = arith.muli %select_n3A_136, %mul3A_137 : i32
      %get3A = arith.index_cast %select_n3A : i32 to index
      %get3A_139 = arith.index_cast %mul3A_138 : i32 to index
      %get3A_140 = tpu.vector_load %arg9[%get3A, %get3A_139] {strides = array<i32>} : memref<158x128xi32, #tpu.memory_space<vmem>>, vector<1x16xi32>,
      %get3A_141 = vector.shape_cast %get3A_140 : vector<1x16xi32> to vector<16xi32>
      %sub3A_142 = vector.broadcast %mul3A_13 : i32 to vector<16xi32>
      %sub3A_143 = arith.subi %get3A_141, %sub3A_142 : vector<16xi32>
      %ge3A = arith.constant 0 : i32
      %ge3A_144 = vector.broadcast %ge3A : i32 to vector<16xi32>
      %ge3A_145 = arith.cmpi sge, %sub3A_143, %ge3A_144 : vector<16xi32>
      %lt3A_146 = arith.constant 5128 : i32
      %lt3A_147 = vector.broadcast %lt3A_146 : i32 to vector<16xi32>
      %lt3A_148 = arith.cmpi slt, %sub3A_143, %lt3A_147 : vector<16xi32>
      %and3A_149 = arith.andi %ge3A_145, %lt3A_148 : vector<16xi1>
      %and3A_150 = arith.constant 63 : i32
      %and3A_151 = vector.broadcast %and3A_150 : i32 to vector<16xi32>
      %and3A_152 = arith.andi %sub3A_143, %and3A_151 : vector<16xi32>
      %add3A_153 = arith.constant 5120 : i32
      %add3A_154 = vector.broadcast %add3A_153 : i32 to vector<16xi32>
      %add3A_155 = arith.addi %add3A_154, %and3A_152 : vector<16xi32>
      %select_n3A_156 = arith.select %and3A_149, %sub3A_143, %add3A_155 : vector<16xi1>, vector<16xi32>
      %jit3A_157 = arith.constant 8 : i32
      %div3A_158 = arith.divsi %scan3A_103, %jit3A_157 : i32
      %sign3A_159 = arith.constant 0 : i32
      %sign3A_160 = arith.cmpi sgt, %scan3A_103, %sign3A_159 : i32
      %sign3A_161 = arith.extui %sign3A_160 : i1 to i32
      %sign3A_162 = arith.constant 0 : i32
      %sign3A_163 = arith.cmpi slt, %scan3A_103, %sign3A_162 : i32
      %sign3A_164 = arith.extui %sign3A_163 : i1 to i32
      %sign3A_165 = arith.subi %sign3A_161, %sign3A_164 : i32
      %sign3A_166 = arith.constant 0 : i32
      %sign3A_167 = arith.cmpi sgt, %jit3A_157, %sign3A_166 : i32
      %sign3A_168 = arith.extui %sign3A_167 : i1 to i32
      %sign3A_169 = arith.constant 0 : i32
      %sign3A_170 = arith.cmpi slt, %jit3A_157, %sign3A_169 : i32
      %sign3A_171 = arith.extui %sign3A_170 : i1 to i32
      %sign3A_172 = arith.subi %sign3A_168, %sign3A_171 : i32
      %ne3A_173 = arith.cmpi ne, %sign3A_165, %sign3A_172 : i32
      %rem3A_174 = arith.remsi %scan3A_103, %jit3A_157 : i32
      %ne3A_175 = arith.constant 0 : i32
      %ne3A_176 = arith.cmpi ne, %rem3A_174, %ne3A_175 : i32
      %and3A_177 = arith.andi %ne3A_173, %ne3A_176 : i1
      %sub3A_178 = arith.constant 1 : i32
      %sub3A_179 = arith.subi %div3A_158, %sub3A_178 : i32
      %select_n3A_180 = arith.select %and3A_177, %sub3A_179, %div3A_158 : i32
      %jit3A_181 = arith.constant 8 : i32
      %eq3A_182 = arith.constant 0 : i32
      %eq3A_183 = arith.cmpi eq, %jit3A_181, %eq3A_182 : i32
      %jit3A_184 = arith.constant 1 : i32
      %select_n3A_185 = arith.select %eq3A_183, %jit3A_184, %jit3A_181 : i32
      %rem3A_186 = arith.remsi %scan3A_103, %select_n3A_185 : i32
      %ne3A_187 = arith.constant 0 : i32
      %ne3A_188 = arith.cmpi ne, %rem3A_186, %ne3A_187 : i32
      %lt3A_189 = arith.constant 0 : i32
      %lt3A_190 = arith.cmpi slt, %rem3A_186, %lt3A_189 : i32
      %lt3A_191 = arith.constant 0 : i32
      %lt3A_192 = arith.cmpi slt, %select_n3A_185, %lt3A_191 : i32
      %ne3A_193 = arith.xori %lt3A_190, %lt3A_192 : i1
      %and3A_194 = arith.andi %ne3A_193, %ne3A_188 : i1
      %add3A_195 = arith.addi %rem3A_186, %select_n3A_185 : i32
      %select_n3A_196 = arith.select %and3A_194, %add3A_195, %rem3A_186 : i32
      %mul3A_197 = arith.constant 16 : i32
      %mul3A_198 = arith.muli %select_n3A_196, %mul3A_197 : i32
      %swap3A = arith.index_cast %select_n3A_180 : i32 to index
      %swap3A_199 = arith.index_cast %mul3A_198 : i32 to index
      %swap3A_200 = tpu.vector_load %arg9[%swap3A, %swap3A_199] {strides = array<i32>} : memref<158x128xi32, #tpu.memory_space<vmem>>, vector<1x16xi32>,
      %swap3A_201 = vector.shape_cast %swap3A_200 : vector<1x16xi32> to vector<16xi32>
      %swap3A_202 = vector.shape_cast %select_n3A_156 : vector<16xi32> to vector<1x16xi32>
      tpu.vector_store %arg9[%swap3A, %swap3A_199], %swap3A_202 {strides = array<i32>} : memref<158x128xi32, #tpu.memory_space<vmem>>, vector<1x16xi32>,
      %scan3A_203 = arith.constant 0 : i32
      scf.yield %scan3A_203 : i32
    }
    %scan3A_20 = arith.constant 1264 : i32
    %barrier3A = arith.constant 0 : index
    tpu.barrier barrier_id(%barrier3A)
    %dma_start3A = arith.constant 0 : i32
    %dma_start3A_21 = arith.constant 0 : i32
    %dma_start3A_22 = tpu.memref_slice %arg8[%dma_start3A, %dma_start3A_21] : memref<158x128xi32, #tpu.memory_space<vmem>> -> memref<1x128xi32, #tpu.memory_space<vmem>>
    %dma_start3A_23 = tpu.memref_squeeze %dma_start3A_22 : memref<1x128xi32, #tpu.memory_space<vmem>> -> memref<128xi32, #tpu.memory_space<vmem>>
    %dma_start3A_24 = arith.constant 0 : i32
    %dma_start3A_25 = arith.constant 0 : i32
    %dma_start3A_26 = tpu.memref_slice %arg4[%dma_start3A_24, %dma_start3A_25] : memref<10000x128xf32, #tpu.memory_space<hbm>> -> memref<10000x128xf32, #tpu.memory_space<hbm>>
    tpu.enqueue_indirect_dma source(%dma_start3A_26 : memref<10000x128xf32, #tpu.memory_space<hbm>>) target(%arg12 : memref<128x128xf32, #tpu.memory_space<vmem>>) offsets(%dma_start3A_23 : memref<128xi32, #tpu.memory_space<vmem>>) semaphore(%arg14 : memref<!tpu.dma_semaphore, #tpu.memory_space<semaphore_mem>>)
    %scan3A_27 = arith.constant 0 : i32
    %scan3A_28 = arith.constant 0 : i32
    %scan3A_29 = arith.constant 79 : i32
    %scan3A_30 = arith.addi %scan3A_28, %scan3A_29 : i32
    %scan3A_31 = arith.constant 1 : i32
    %scan3A_32 = scf.for %scan3A_103 = %scan3A_28 to %scan3A_30 step %scan3A_31 iter_args(%scan3A_104 = %scan3A_27) -> (i32)  : i32 {
      %mul3A_105 = arith.constant 2 : i32
      %mul3A_106 = arith.muli %scan3A_103, %mul3A_105 : i32
      %add3A = arith.constant 1 : i32
      %add3A_107 = arith.addi %mul3A_106, %add3A : i32
      %dma_start3A_108 = arith.constant 0 : i32
      %dma_start3A_109 = tpu.memref_slice %arg8[%add3A_107, %dma_start3A_108] : memref<158x128xi32, #tpu.memory_space<vmem>> -> memref<1x128xi32, #tpu.memory_space<vmem>>
      %dma_start3A_110 = tpu.memref_squeeze %dma_start3A_109 : memref<1x128xi32, #tpu.memory_space<vmem>> -> memref<128xi32, #tpu.memory_space<vmem>>
      %dma_start3A_111 = arith.constant 0 : i32
      %dma_start3A_112 = arith.constant 0 : i32
      %dma_start3A_113 = tpu.memref_slice %arg4[%dma_start3A_111, %dma_start3A_112] : memref<10000x128xf32, #tpu.memory_space<hbm>> -> memref<10000x128xf32, #tpu.memory_space<hbm>>
      tpu.enqueue_indirect_dma source(%dma_start3A_113 : memref<10000x128xf32, #tpu.memory_space<hbm>>) target(%arg13 : memref<128x128xf32, #tpu.memory_space<vmem>>) offsets(%dma_start3A_110 : memref<128xi32, #tpu.memory_space<vmem>>) semaphore(%arg15 : memref<!tpu.dma_semaphore, #tpu.memory_space<semaphore_mem>>)
      %dma_wait3A = arith.constant 0 : i32
      %dma_wait3A_114 = tpu.memref_slice %arg8[%mul3A_106, %dma_wait3A] : memref<158x128xi32, #tpu.memory_space<vmem>> -> memref<1x128xi32, #tpu.memory_space<vmem>>
      %dma_wait3A_115 = tpu.memref_squeeze %dma_wait3A_114 : memref<1x128xi32, #tpu.memory_space<vmem>> -> memref<128xi32, #tpu.memory_space<vmem>>
      %dma_wait3A_116 = arith.constant 0 : i32
      %dma_wait3A_117 = arith.constant 0 : i32
      %dma_wait3A_118 = tpu.memref_slice %arg4[%dma_wait3A_116, %dma_wait3A_117] : memref<10000x128xf32, #tpu.memory_space<hbm>> -> memref<10000x128xf32, #tpu.memory_space<hbm>>
      tpu.wait_indirect_dma semaphore(%arg14 : memref<!tpu.dma_semaphore, #tpu.memory_space<semaphore_mem>>) src(%dma_wait3A_118 : memref<10000x128xf32, #tpu.memory_space<hbm>>) dst(%arg12 : memref<128x128xf32, #tpu.memory_space<vmem>>)
      "tpu.region"() ({
        %run_scoped3A = tpu.sem_alloc : memref<!tpu.dma_semaphore, #tpu.memory_space<semaphore_mem>>
        %dma_start3A_137 = arith.constant 0 : i32
        %dma_start3A_138 = tpu.memref_slice %arg9[%mul3A_106, %dma_start3A_137] : memref<158x128xi32, #tpu.memory_space<vmem>> -> memref<1x128xi32, #tpu.memory_space<vmem>>
        %dma_start3A_139 = tpu.memref_squeeze %dma_start3A_138 : memref<1x128xi32, #tpu.memory_space<vmem>> -> memref<128xi32, #tpu.memory_space<vmem>>
        %dma_start3A_140 = arith.constant 0 : i32
        %dma_start3A_141 = arith.constant 0 : i32
        %dma_start3A_142 = tpu.memref_slice %arg11[%dma_start3A_140, %dma_start3A_141] : memref<5184x128xf32, #tpu.memory_space<vmem_shared>> -> memref<5184x128xf32, #tpu.memory_space<vmem_shared>>
        tpu.enqueue_indirect_dma source(%arg12 : memref<128x128xf32, #tpu.memory_space<vmem>>) target(%dma_start3A_142 : memref<5184x128xf32, #tpu.memory_space<vmem_shared>>) offsets(%dma_start3A_139 : memref<128xi32, #tpu.memory_space<vmem>>) semaphore(%run_scoped3A : memref<!tpu.dma_semaphore, #tpu.memory_space<semaphore_mem>>) {add = true}
        %dma_wait3A_143 = arith.constant 0 : i32
        %dma_wait3A_144 = tpu.memref_slice %arg9[%mul3A_106, %dma_wait3A_143] : memref<158x128xi32, #tpu.memory_space<vmem>> -> memref<1x128xi32, #tpu.memory_space<vmem>>
        %dma_wait3A_145 = tpu.memref_squeeze %dma_wait3A_144 : memref<1x128xi32, #tpu.memory_space<vmem>> -> memref<128xi32, #tpu.memory_space<vmem>>
        %dma_wait3A_146 = arith.constant 0 : i32
        %dma_wait3A_147 = arith.constant 0 : i32
        %dma_wait3A_148 = tpu.memref_slice %arg11[%dma_wait3A_146, %dma_wait3A_147] : memref<5184x128xf32, #tpu.memory_space<vmem_shared>> -> memref<5184x128xf32, #tpu.memory_space<vmem_shared>>
        tpu.wait_indirect_dma semaphore(%run_scoped3A : memref<!tpu.dma_semaphore, #tpu.memory_space<semaphore_mem>>) src(%arg12 : memref<128x128xf32, #tpu.memory_space<vmem>>) dst(%dma_wait3A_148 : memref<5184x128xf32, #tpu.memory_space<vmem_shared>>)
        tpu.yield
      }) : () -> ()
      %add3A_119 = arith.constant 2 : i32
      %add3A_120 = arith.addi %mul3A_106, %add3A_119 : i32
      %lt3A_121 = arith.constant 158 : i32
      %lt3A_122 = arith.cmpi slt, %add3A_120, %lt3A_121 : i32
      %convert_element_type3A_123 = arith.extui %lt3A_122 : i1 to i32
      %cond3A_124 = arith.constant 0 : i32
      %cond3A_125 = arith.cmpi ne, %convert_element_type3A_123, %cond3A_124 : i32
      scf.if %cond3A_125 {
        %add3A_137 = arith.constant 2 : i32
        %add3A_138 = arith.addi %mul3A_106, %add3A_137 : i32
        %dma_start3A_139 = arith.constant 0 : i32
        %dma_start3A_140 = tpu.memref_slice %arg8[%add3A_138, %dma_start3A_139] : memref<158x128xi32, #tpu.memory_space<vmem>> -> memref<1x128xi32, #tpu.memory_space<vmem>>
        %dma_start3A_141 = tpu.memref_squeeze %dma_start3A_140 : memref<1x128xi32, #tpu.memory_space<vmem>> -> memref<128xi32, #tpu.memory_space<vmem>>
        %dma_start3A_142 = arith.constant 0 : i32
        %dma_start3A_143 = arith.constant 0 : i32
        %dma_start3A_144 = tpu.memref_slice %arg4[%dma_start3A_142, %dma_start3A_143] : memref<10000x128xf32, #tpu.memory_space<hbm>> -> memref<10000x128xf32, #tpu.memory_space<hbm>>
        tpu.enqueue_indirect_dma source(%dma_start3A_144 : memref<10000x128xf32, #tpu.memory_space<hbm>>) target(%arg12 : memref<128x128xf32, #tpu.memory_space<vmem>>) offsets(%dma_start3A_141 : memref<128xi32, #tpu.memory_space<vmem>>) semaphore(%arg14 : memref<!tpu.dma_semaphore, #tpu.memory_space<semaphore_mem>>)
      } else {
      }
      %add3A_126 = arith.constant 1 : i32
      %add3A_127 = arith.addi %mul3A_106, %add3A_126 : i32
      %dma_wait3A_128 = arith.constant 0 : i32
      %dma_wait3A_129 = tpu.memref_slice %arg8[%add3A_127, %dma_wait3A_128] : memref<158x128xi32, #tpu.memory_space<vmem>> -> memref<1x128xi32, #tpu.memory_space<vmem>>
      %dma_wait3A_130 = tpu.memref_squeeze %dma_wait3A_129 : memref<1x128xi32, #tpu.memory_space<vmem>> -> memref<128xi32, #tpu.memory_space<vmem>>
      %dma_wait3A_131 = arith.constant 0 : i32
      %dma_wait3A_132 = arith.constant 0 : i32
      %dma_wait3A_133 = tpu.memref_slice %arg4[%dma_wait3A_131, %dma_wait3A_132] : memref<10000x128xf32, #tpu.memory_space<hbm>> -> memref<10000x128xf32, #tpu.memory_space<hbm>>
      tpu.wait_indirect_dma semaphore(%arg15 : memref<!tpu.dma_semaphore, #tpu.memory_space<semaphore_mem>>) src(%dma_wait3A_133 : memref<10000x128xf32, #tpu.memory_space<hbm>>) dst(%arg13 : memref<128x128xf32, #tpu.memory_space<vmem>>)
      %add3A_134 = arith.constant 1 : i32
      %add3A_135 = arith.addi %mul3A_106, %add3A_134 : i32
      "tpu.region"() ({
        %run_scoped3A = tpu.sem_alloc : memref<!tpu.dma_semaphore, #tpu.memory_space<semaphore_mem>>
        %dma_start3A_137 = arith.constant 0 : i32
        %dma_start3A_138 = tpu.memref_slice %arg9[%add3A_135, %dma_start3A_137] : memref<158x128xi32, #tpu.memory_space<vmem>> -> memref<1x128xi32, #tpu.memory_space<vmem>>
        %dma_start3A_139 = tpu.memref_squeeze %dma_start3A_138 : memref<1x128xi32, #tpu.memory_space<vmem>> -> memref<128xi32, #tpu.memory_space<vmem>>
        %dma_start3A_140 = arith.constant 0 : i32
        %dma_start3A_141 = arith.constant 0 : i32
        %dma_start3A_142 = tpu.memref_slice %arg11[%dma_start3A_140, %dma_start3A_141] : memref<5184x128xf32, #tpu.memory_space<vmem_shared>> -> memref<5184x128xf32, #tpu.memory_space<vmem_shared>>
        tpu.enqueue_indirect_dma source(%arg13 : memref<128x128xf32, #tpu.memory_space<vmem>>) target(%dma_start3A_142 : memref<5184x128xf32, #tpu.memory_space<vmem_shared>>) offsets(%dma_start3A_139 : memref<128xi32, #tpu.memory_space<vmem>>) semaphore(%run_scoped3A : memref<!tpu.dma_semaphore, #tpu.memory_space<semaphore_mem>>) {add = true}
        %dma_wait3A_143 = arith.constant 0 : i32
        %dma_wait3A_144 = tpu.memref_slice %arg9[%add3A_135, %dma_wait3A_143] : memref<158x128xi32, #tpu.memory_space<vmem>> -> memref<1x128xi32, #tpu.memory_space<vmem>>
        %dma_wait3A_145 = tpu.memref_squeeze %dma_wait3A_144 : memref<1x128xi32, #tpu.memory_space<vmem>> -> memref<128xi32, #tpu.memory_space<vmem>>
        %dma_wait3A_146 = arith.constant 0 : i32
        %dma_wait3A_147 = arith.constant 0 : i32
        %dma_wait3A_148 = tpu.memref_slice %arg11[%dma_wait3A_146, %dma_wait3A_147] : memref<5184x128xf32, #tpu.memory_space<vmem_shared>> -> memref<5184x128xf32, #tpu.memory_space<vmem_shared>>
        tpu.wait_indirect_dma semaphore(%run_scoped3A : memref<!tpu.dma_semaphore, #tpu.memory_space<semaphore_mem>>) src(%arg13 : memref<128x128xf32, #tpu.memory_space<vmem>>) dst(%dma_wait3A_148 : memref<5184x128xf32, #tpu.memory_space<vmem_shared>>)
        tpu.yield
      }) : () -> ()
      %scan3A_136 = arith.constant 0 : i32
      scf.yield %scan3A_136 : i32
    }
    %scan3A_33 = arith.constant 79 : i32
    %barrier3A_34 = arith.constant 0 : index
    tpu.barrier barrier_id(%barrier3A_34)
    %eq3A = arith.constant 0 : i32
    %eq3A_35 = arith.cmpi eq, %arg0, %eq3A : i32
    %convert_element_type3A = arith.extui %eq3A_35 : i1 to i32
    %cond3A = arith.constant 0 : i32
    %cond3A_36 = arith.cmpi ne, %convert_element_type3A, %cond3A : i32
    scf.if %cond3A_36 {
      %mul3A_103 = arith.constant 320 : i32
      %mul3A_104 = arith.muli %arg1, %mul3A_103 : i32
      %mul3A_105 = arith.constant 320 : i32
      %mul3A_106 = arith.muli %arg1, %mul3A_105 : i32
      "tpu.region"() ({
        %run_scoped3A = tpu.sem_alloc : memref<!tpu.dma_semaphore, #tpu.memory_space<semaphore_mem>>
        %dma_start3A_107 = arith.constant 0 : i32
        %dma_start3A_108 = tpu.memref_slice %arg6[%mul3A_106, %dma_start3A_107] : memref<10000x128xf32, #tpu.memory_space<hbm>> -> memref<320x128xf32, #tpu.memory_space<hbm>>
        %dma_start3A_109 = arith.constant 0 : i32
        %dma_start3A_110 = tpu.memref_slice %arg11[%mul3A_104, %dma_start3A_109] : memref<5184x128xf32, #tpu.memory_space<vmem_shared>> -> memref<320x128xf32, #tpu.memory_space<vmem_shared>>
        tpu.enqueue_dma source(%dma_start3A_110 : memref<320x128xf32, #tpu.memory_space<vmem_shared>>) target(%dma_start3A_108 : memref<320x128xf32, #tpu.memory_space<hbm>>) target_semaphore(%run_scoped3A : memref<!tpu.dma_semaphore, #tpu.memory_space<semaphore_mem>>)
        %dma_wait3A = arith.constant 0 : i32
        %dma_wait3A_111 = tpu.memref_slice %arg6[%mul3A_106, %dma_wait3A] : memref<10000x128xf32, #tpu.memory_space<hbm>> -> memref<320x128xf32, #tpu.memory_space<hbm>>
        %dma_wait3A_112 = arith.constant 0 : i32
        %dma_wait3A_113 = tpu.memref_slice %arg11[%mul3A_104, %dma_wait3A_112] : memref<5184x128xf32, #tpu.memory_space<vmem_shared>> -> memref<320x128xf32, #tpu.memory_space<vmem_shared>>
        tpu.wait_dma2 semaphore(%run_scoped3A : memref<!tpu.dma_semaphore, #tpu.memory_space<semaphore_mem>>) src(%dma_wait3A_113 : memref<320x128xf32, #tpu.memory_space<vmem_shared>>) dst(%dma_wait3A_111 : memref<320x128xf32, #tpu.memory_space<hbm>>)
        tpu.yield
      }) : () -> ()
    } else {
    }
    %eq3A_37 = arith.constant 1 : i32
    %eq3A_38 = arith.cmpi eq, %arg0, %eq3A_37 : i32
    %lt3A = arith.constant 12 : i32
    %lt3A_39 = arith.cmpi slt, %arg1, %lt3A : i32
    %and3A = arith.andi %eq3A_38, %lt3A_39 : i1
    %convert_element_type3A_40 = arith.extui %and3A : i1 to i32
    %cond3A_41 = arith.constant 0 : i32
    %cond3A_42 = arith.cmpi ne, %convert_element_type3A_40, %cond3A_41 : i32
    scf.if %cond3A_42 {
      %mul3A_103 = arith.constant 400 : i32
      %mul3A_104 = arith.muli %arg1, %mul3A_103 : i32
      %mul3A_105 = arith.constant 400 : i32
      %mul3A_106 = arith.muli %arg1, %mul3A_105 : i32
      %add3A = arith.constant 5120 : i32
      %add3A_107 = arith.addi %add3A, %mul3A_106 : i32
      "tpu.region"() ({
        %run_scoped3A = tpu.sem_alloc : memref<!tpu.dma_semaphore, #tpu.memory_space<semaphore_mem>>
        %dma_start3A_108 = arith.constant 0 : i32
        %dma_start3A_109 = tpu.memref_slice %arg6[%add3A_107, %dma_start3A_108] : memref<10000x128xf32, #tpu.memory_space<hbm>> -> memref<400x128xf32, #tpu.memory_space<hbm>>
        %dma_start3A_110 = arith.constant 0 : i32
        %dma_start3A_111 = tpu.memref_slice %arg11[%mul3A_104, %dma_start3A_110] : memref<5184x128xf32, #tpu.memory_space<vmem_shared>> -> memref<400x128xf32, #tpu.memory_space<vmem_shared>>
        tpu.enqueue_dma source(%dma_start3A_111 : memref<400x128xf32, #tpu.memory_space<vmem_shared>>) target(%dma_start3A_109 : memref<400x128xf32, #tpu.memory_space<hbm>>) target_semaphore(%run_scoped3A : memref<!tpu.dma_semaphore, #tpu.memory_space<semaphore_mem>>)
        %dma_wait3A = arith.constant 0 : i32
        %dma_wait3A_112 = tpu.memref_slice %arg6[%add3A_107, %dma_wait3A] : memref<10000x128xf32, #tpu.memory_space<hbm>> -> memref<400x128xf32, #tpu.memory_space<hbm>>
        %dma_wait3A_113 = arith.constant 0 : i32
        %dma_wait3A_114 = tpu.memref_slice %arg11[%mul3A_104, %dma_wait3A_113] : memref<5184x128xf32, #tpu.memory_space<vmem_shared>> -> memref<400x128xf32, #tpu.memory_space<vmem_shared>>
        tpu.wait_dma2 semaphore(%run_scoped3A : memref<!tpu.dma_semaphore, #tpu.memory_space<semaphore_mem>>) src(%dma_wait3A_114 : memref<400x128xf32, #tpu.memory_space<vmem_shared>>) dst(%dma_wait3A_112 : memref<400x128xf32, #tpu.memory_space<hbm>>)
        tpu.yield
      }) : () -> ()
    } else {
    }
    %eq3A_43 = arith.constant 1 : i32
    %eq3A_44 = arith.cmpi eq, %arg0, %eq3A_43 : i32
    %eq3A_45 = arith.constant 12 : i32
    %eq3A_46 = arith.cmpi eq, %arg1, %eq3A_45 : i32
    %and3A_47 = arith.andi %eq3A_44, %eq3A_46 : i1
    %convert_element_type3A_48 = arith.extui %and3A_47 : i1 to i32
    %cond3A_49 = arith.constant 0 : i32
    %cond3A_50 = arith.cmpi ne, %convert_element_type3A_48, %cond3A_49 : i32
    scf.if %cond3A_50 {
      "tpu.region"() ({
        %run_scoped3A = tpu.sem_alloc : memref<!tpu.dma_semaphore, #tpu.memory_space<semaphore_mem>>
        %dma_start3A_103 = arith.constant 9920 : i32
        %dma_start3A_104 = arith.constant 0 : i32
        %dma_start3A_105 = tpu.memref_slice %arg6[%dma_start3A_103, %dma_start3A_104] : memref<10000x128xf32, #tpu.memory_space<hbm>> -> memref<80x128xf32, #tpu.memory_space<hbm>>
        %dma_start3A_106 = arith.constant 4800 : i32
        %dma_start3A_107 = arith.constant 0 : i32
        %dma_start3A_108 = tpu.memref_slice %arg11[%dma_start3A_106, %dma_start3A_107] : memref<5184x128xf32, #tpu.memory_space<vmem_shared>> -> memref<80x128xf32, #tpu.memory_space<vmem_shared>>
        tpu.enqueue_dma source(%dma_start3A_108 : memref<80x128xf32, #tpu.memory_space<vmem_shared>>) target(%dma_start3A_105 : memref<80x128xf32, #tpu.memory_space<hbm>>) target_semaphore(%run_scoped3A : memref<!tpu.dma_semaphore, #tpu.memory_space<semaphore_mem>>)
        %dma_wait3A = arith.constant 9920 : i32
        %dma_wait3A_109 = arith.constant 0 : i32
        %dma_wait3A_110 = tpu.memref_slice %arg6[%dma_wait3A, %dma_wait3A_109] : memref<10000x128xf32, #tpu.memory_space<hbm>> -> memref<80x128xf32, #tpu.memory_space<hbm>>
        %dma_wait3A_111 = arith.constant 4800 : i32
        %dma_wait3A_112 = arith.constant 0 : i32
        %dma_wait3A_113 = tpu.memref_slice %arg11[%dma_wait3A_111, %dma_wait3A_112] : memref<5184x128xf32, #tpu.memory_space<vmem_shared>> -> memref<80x128xf32, #tpu.memory_space<vmem_shared>>
        tpu.wait_dma2 semaphore(%run_scoped3A : memref<!tpu.dma_semaphore, #tpu.memory_space<semaphore_mem>>) src(%dma_wait3A_113 : memref<80x128xf32, #tpu.memory_space<vmem_shared>>) dst(%dma_wait3A_110 : memref<80x128xf32, #tpu.memory_space<hbm>>)
        tpu.yield
      }) : () -> ()
    } else {
    }
    %barrier3A_51 = arith.constant 0 : index
    tpu.barrier barrier_id(%barrier3A_51)
    %scan3A_52 = arith.constant 0 : i32
    %scan3A_53 = arith.constant 0 : i32
    %scan3A_54 = arith.constant 320 : i32
    %scan3A_55 = arith.addi %scan3A_53, %scan3A_54 : i32
    %scan3A_56 = arith.constant 1 : i32
    %scan3A_57 = scf.for %scan3A_103 = %scan3A_53 to %scan3A_55 step %scan3A_56 iter_args(%scan3A_104 = %scan3A_52) -> (i32)  : i32 {
      %broadcast_in_dim3A = arith.constant 0.000000e+00 : f32
      %broadcast_in_dim3A_105 = vector.broadcast %broadcast_in_dim3A : f32 to vector<16xf32>
      %jit3A = arith.constant 8 : i32
      %div3A = arith.divsi %scan3A_103, %jit3A : i32
      %sign3A = arith.constant 0 : i32
      %sign3A_106 = arith.cmpi sgt, %scan3A_103, %sign3A : i32
      %sign3A_107 = arith.extui %sign3A_106 : i1 to i32
      %sign3A_108 = arith.constant 0 : i32
      %sign3A_109 = arith.cmpi slt, %scan3A_103, %sign3A_108 : i32
      %sign3A_110 = arith.extui %sign3A_109 : i1 to i32
      %sign3A_111 = arith.subi %sign3A_107, %sign3A_110 : i32
      %sign3A_112 = arith.constant 0 : i32
      %sign3A_113 = arith.cmpi sgt, %jit3A, %sign3A_112 : i32
      %sign3A_114 = arith.extui %sign3A_113 : i1 to i32
      %sign3A_115 = arith.constant 0 : i32
      %sign3A_116 = arith.cmpi slt, %jit3A, %sign3A_115 : i32
      %sign3A_117 = arith.extui %sign3A_116 : i1 to i32
      %sign3A_118 = arith.subi %sign3A_114, %sign3A_117 : i32
      %ne3A = arith.cmpi ne, %sign3A_111, %sign3A_118 : i32
      %rem3A = arith.remsi %scan3A_103, %jit3A : i32
      %ne3A_119 = arith.constant 0 : i32
      %ne3A_120 = arith.cmpi ne, %rem3A, %ne3A_119 : i32
      %and3A_121 = arith.andi %ne3A, %ne3A_120 : i1
      %sub3A = arith.constant 1 : i32
      %sub3A_122 = arith.subi %div3A, %sub3A : i32
      %select_n3A = arith.select %and3A_121, %sub3A_122, %div3A : i32
      %jit3A_123 = arith.constant 8 : i32
      %eq3A_124 = arith.constant 0 : i32
      %eq3A_125 = arith.cmpi eq, %jit3A_123, %eq3A_124 : i32
      %jit3A_126 = arith.constant 1 : i32
      %select_n3A_127 = arith.select %eq3A_125, %jit3A_126, %jit3A_123 : i32
      %rem3A_128 = arith.remsi %scan3A_103, %select_n3A_127 : i32
      %ne3A_129 = arith.constant 0 : i32
      %ne3A_130 = arith.cmpi ne, %rem3A_128, %ne3A_129 : i32
      %lt3A_131 = arith.constant 0 : i32
      %lt3A_132 = arith.cmpi slt, %rem3A_128, %lt3A_131 : i32
      %lt3A_133 = arith.constant 0 : i32
      %lt3A_134 = arith.cmpi slt, %select_n3A_127, %lt3A_133 : i32
      %ne3A_135 = arith.xori %lt3A_132, %lt3A_134 : i1
      %and3A_136 = arith.andi %ne3A_135, %ne3A_130 : i1
      %add3A = arith.addi %rem3A_128, %select_n3A_127 : i32
      %select_n3A_137 = arith.select %and3A_136, %add3A, %rem3A_128 : i32
      %mul3A_138 = arith.constant 16 : i32
      %mul3A_139 = arith.muli %select_n3A_137, %mul3A_138 : i32
      %swap3A = arith.index_cast %select_n3A : i32 to index
      %swap3A_140 = arith.index_cast %mul3A_139 : i32 to index
      %swap3A_141 = tpu.vector_load %arg10[%swap3A, %swap3A_140] {strides = array<i32>} : memref<40x128xf32, #tpu.memory_space<vmem>>, vector<1x16xf32>,
      %swap3A_142 = vector.shape_cast %swap3A_141 : vector<1x16xf32> to vector<16xf32>
      %swap3A_143 = vector.shape_cast %broadcast_in_dim3A_105 : vector<16xf32> to vector<1x16xf32>
      tpu.vector_store %arg10[%swap3A, %swap3A_140], %swap3A_143 {strides = array<i32>} : memref<40x128xf32, #tpu.memory_space<vmem>>, vector<1x16xf32>,
      %scan3A_144 = arith.constant 0 : i32
      scf.yield %scan3A_144 : i32
    }
    %scan3A_58 = arith.constant 320 : i32
    %scan3A_59 = arith.constant 0 : i32
    %scan3A_60 = arith.constant 0 : i32
    %scan3A_61 = arith.constant 8 : i32
    %scan3A_62 = arith.addi %scan3A_60, %scan3A_61 : i32
    %scan3A_63 = arith.constant 1 : i32
    %scan3A_64 = scf.for %scan3A_103 = %scan3A_60 to %scan3A_62 step %scan3A_63 iter_args(%scan3A_104 = %scan3A_59) -> (i32)  : i32 {
      %mul3A_105 = arith.constant 8 : i32
      %mul3A_106 = arith.muli %arg1, %mul3A_105 : i32
      %mul3A_107 = arith.constant 40 : i32
      %mul3A_108 = arith.muli %mul3A_106, %mul3A_107 : i32
      %mul3A_109 = arith.constant 40 : i32
      %mul3A_110 = arith.muli %scan3A_103, %mul3A_109 : i32
      %add3A = arith.addi %mul3A_108, %mul3A_110 : i32
      "tpu.region"() ({
        %run_scoped3A = tpu.sem_alloc : memref<!tpu.dma_semaphore, #tpu.memory_space<semaphore_mem>>
        %dma_start3A_112 = arith.constant 0 : i32
        %dma_start3A_113 = tpu.memref_slice %arg11[%add3A, %dma_start3A_112] : memref<5184x128xf32, #tpu.memory_space<vmem_shared>> -> memref<40x128xf32, #tpu.memory_space<vmem_shared>>
        %dma_start3A_114 = arith.constant 0 : i32
        %dma_start3A_115 = tpu.memref_slice %arg11[%add3A, %dma_start3A_114] : memref<5184x128xf32, #tpu.memory_space<vmem_shared>> -> memref<40x128xf32, #tpu.memory_space<vmem_shared>>
        tpu.enqueue_dma source(%arg10 : memref<40x128xf32, #tpu.memory_space<vmem>>) target(%dma_start3A_115 : memref<40x128xf32, #tpu.memory_space<vmem_shared>>) target_semaphore(%run_scoped3A : memref<!tpu.dma_semaphore, #tpu.memory_space<semaphore_mem>>)
        %dma_wait3A = arith.constant 0 : i32
        %dma_wait3A_116 = tpu.memref_slice %arg11[%add3A, %dma_wait3A] : memref<5184x128xf32, #tpu.memory_space<vmem_shared>> -> memref<40x128xf32, #tpu.memory_space<vmem_shared>>
        %dma_wait3A_117 = arith.constant 0 : i32
        %dma_wait3A_118 = tpu.memref_slice %arg11[%add3A, %dma_wait3A_117] : memref<5184x128xf32, #tpu.memory_space<vmem_shared>> -> memref<40x128xf32, #tpu.memory_space<vmem_shared>>
        tpu.wait_dma2 semaphore(%run_scoped3A : memref<!tpu.dma_semaphore, #tpu.memory_space<semaphore_mem>>) src(%arg10 : memref<40x128xf32, #tpu.memory_space<vmem>>) dst(%dma_wait3A_118 : memref<40x128xf32, #tpu.memory_space<vmem_shared>>)
        tpu.yield
      }) : () -> ()
      %scan3A_111 = arith.constant 0 : i32
      scf.yield %scan3A_111 : i32
    }
    %scan3A_65 = arith.constant 8 : i32
    %barrier3A_66 = arith.constant 0 : index
    tpu.barrier barrier_id(%barrier3A_66)
    %dma_start3A_67 = arith.constant 0 : i32
    %dma_start3A_68 = arith.constant 0 : i32
    %dma_start3A_69 = tpu.memref_slice %arg8[%dma_start3A_67, %dma_start3A_68] : memref<158x128xi32, #tpu.memory_space<vmem>> -> memref<1x128xi32, #tpu.memory_space<vmem>>
    %dma_start3A_70 = tpu.memref_squeeze %dma_start3A_69 : memref<1x128xi32, #tpu.memory_space<vmem>> -> memref<128xi32, #tpu.memory_space<vmem>>
    %dma_start3A_71 = arith.constant 0 : i32
    %dma_start3A_72 = arith.constant 0 : i32
    %dma_start3A_73 = tpu.memref_slice %arg5[%dma_start3A_71, %dma_start3A_72] : memref<10000x128xf32, #tpu.memory_space<hbm>> -> memref<10000x128xf32, #tpu.memory_space<hbm>>
    tpu.enqueue_indirect_dma source(%dma_start3A_73 : memref<10000x128xf32, #tpu.memory_space<hbm>>) target(%arg12 : memref<128x128xf32, #tpu.memory_space<vmem>>) offsets(%dma_start3A_70 : memref<128xi32, #tpu.memory_space<vmem>>) semaphore(%arg14 : memref<!tpu.dma_semaphore, #tpu.memory_space<semaphore_mem>>)
    %scan3A_74 = arith.constant 0 : i32
    %scan3A_75 = arith.constant 0 : i32
    %scan3A_76 = arith.constant 79 : i32
    %scan3A_77 = arith.addi %scan3A_75, %scan3A_76 : i32
    %scan3A_78 = arith.constant 1 : i32
    %scan3A_79 = scf.for %scan3A_103 = %scan3A_75 to %scan3A_77 step %scan3A_78 iter_args(%scan3A_104 = %scan3A_74) -> (i32)  : i32 {
      %mul3A_105 = arith.constant 2 : i32
      %mul3A_106 = arith.muli %scan3A_103, %mul3A_105 : i32
      %add3A = arith.constant 1 : i32
      %add3A_107 = arith.addi %mul3A_106, %add3A : i32
      %dma_start3A_108 = arith.constant 0 : i32
      %dma_start3A_109 = tpu.memref_slice %arg8[%add3A_107, %dma_start3A_108] : memref<158x128xi32, #tpu.memory_space<vmem>> -> memref<1x128xi32, #tpu.memory_space<vmem>>
      %dma_start3A_110 = tpu.memref_squeeze %dma_start3A_109 : memref<1x128xi32, #tpu.memory_space<vmem>> -> memref<128xi32, #tpu.memory_space<vmem>>
      %dma_start3A_111 = arith.constant 0 : i32
      %dma_start3A_112 = arith.constant 0 : i32
      %dma_start3A_113 = tpu.memref_slice %arg5[%dma_start3A_111, %dma_start3A_112] : memref<10000x128xf32, #tpu.memory_space<hbm>> -> memref<10000x128xf32, #tpu.memory_space<hbm>>
      tpu.enqueue_indirect_dma source(%dma_start3A_113 : memref<10000x128xf32, #tpu.memory_space<hbm>>) target(%arg13 : memref<128x128xf32, #tpu.memory_space<vmem>>) offsets(%dma_start3A_110 : memref<128xi32, #tpu.memory_space<vmem>>) semaphore(%arg15 : memref<!tpu.dma_semaphore, #tpu.memory_space<semaphore_mem>>)
      %dma_wait3A = arith.constant 0 : i32
      %dma_wait3A_114 = tpu.memref_slice %arg8[%mul3A_106, %dma_wait3A] : memref<158x128xi32, #tpu.memory_space<vmem>> -> memref<1x128xi32, #tpu.memory_space<vmem>>
      %dma_wait3A_115 = tpu.memref_squeeze %dma_wait3A_114 : memref<1x128xi32, #tpu.memory_space<vmem>> -> memref<128xi32, #tpu.memory_space<vmem>>
      %dma_wait3A_116 = arith.constant 0 : i32
      %dma_wait3A_117 = arith.constant 0 : i32
      %dma_wait3A_118 = tpu.memref_slice %arg5[%dma_wait3A_116, %dma_wait3A_117] : memref<10000x128xf32, #tpu.memory_space<hbm>> -> memref<10000x128xf32, #tpu.memory_space<hbm>>
      tpu.wait_indirect_dma semaphore(%arg14 : memref<!tpu.dma_semaphore, #tpu.memory_space<semaphore_mem>>) src(%dma_wait3A_118 : memref<10000x128xf32, #tpu.memory_space<hbm>>) dst(%arg12 : memref<128x128xf32, #tpu.memory_space<vmem>>)
      "tpu.region"() ({
        %run_scoped3A = tpu.sem_alloc : memref<!tpu.dma_semaphore, #tpu.memory_space<semaphore_mem>>
        %dma_start3A_137 = arith.constant 0 : i32
        %dma_start3A_138 = tpu.memref_slice %arg9[%mul3A_106, %dma_start3A_137] : memref<158x128xi32, #tpu.memory_space<vmem>> -> memref<1x128xi32, #tpu.memory_space<vmem>>
        %dma_start3A_139 = tpu.memref_squeeze %dma_start3A_138 : memref<1x128xi32, #tpu.memory_space<vmem>> -> memref<128xi32, #tpu.memory_space<vmem>>
        %dma_start3A_140 = arith.constant 0 : i32
        %dma_start3A_141 = arith.constant 0 : i32
        %dma_start3A_142 = tpu.memref_slice %arg11[%dma_start3A_140, %dma_start3A_141] : memref<5184x128xf32, #tpu.memory_space<vmem_shared>> -> memref<5184x128xf32, #tpu.memory_space<vmem_shared>>
        tpu.enqueue_indirect_dma source(%arg12 : memref<128x128xf32, #tpu.memory_space<vmem>>) target(%dma_start3A_142 : memref<5184x128xf32, #tpu.memory_space<vmem_shared>>) offsets(%dma_start3A_139 : memref<128xi32, #tpu.memory_space<vmem>>) semaphore(%run_scoped3A : memref<!tpu.dma_semaphore, #tpu.memory_space<semaphore_mem>>) {add = true}
        %dma_wait3A_143 = arith.constant 0 : i32
        %dma_wait3A_144 = tpu.memref_slice %arg9[%mul3A_106, %dma_wait3A_143] : memref<158x128xi32, #tpu.memory_space<vmem>> -> memref<1x128xi32, #tpu.memory_space<vmem>>
        %dma_wait3A_145 = tpu.memref_squeeze %dma_wait3A_144 : memref<1x128xi32, #tpu.memory_space<vmem>> -> memref<128xi32, #tpu.memory_space<vmem>>
        %dma_wait3A_146 = arith.constant 0 : i32
        %dma_wait3A_147 = arith.constant 0 : i32
        %dma_wait3A_148 = tpu.memref_slice %arg11[%dma_wait3A_146, %dma_wait3A_147] : memref<5184x128xf32, #tpu.memory_space<vmem_shared>> -> memref<5184x128xf32, #tpu.memory_space<vmem_shared>>
        tpu.wait_indirect_dma semaphore(%run_scoped3A : memref<!tpu.dma_semaphore, #tpu.memory_space<semaphore_mem>>) src(%arg12 : memref<128x128xf32, #tpu.memory_space<vmem>>) dst(%dma_wait3A_148 : memref<5184x128xf32, #tpu.memory_space<vmem_shared>>)
        tpu.yield
      }) : () -> ()
      %add3A_119 = arith.constant 2 : i32
      %add3A_120 = arith.addi %mul3A_106, %add3A_119 : i32
      %lt3A_121 = arith.constant 158 : i32
      %lt3A_122 = arith.cmpi slt, %add3A_120, %lt3A_121 : i32
      %convert_element_type3A_123 = arith.extui %lt3A_122 : i1 to i32
      %cond3A_124 = arith.constant 0 : i32
      %cond3A_125 = arith.cmpi ne, %convert_element_type3A_123, %cond3A_124 : i32
      scf.if %cond3A_125 {
        %add3A_137 = arith.constant 2 : i32
        %add3A_138 = arith.addi %mul3A_106, %add3A_137 : i32
        %dma_start3A_139 = arith.constant 0 : i32
        %dma_start3A_140 = tpu.memref_slice %arg8[%add3A_138, %dma_start3A_139] : memref<158x128xi32, #tpu.memory_space<vmem>> -> memref<1x128xi32, #tpu.memory_space<vmem>>
        %dma_start3A_141 = tpu.memref_squeeze %dma_start3A_140 : memref<1x128xi32, #tpu.memory_space<vmem>> -> memref<128xi32, #tpu.memory_space<vmem>>
        %dma_start3A_142 = arith.constant 0 : i32
        %dma_start3A_143 = arith.constant 0 : i32
        %dma_start3A_144 = tpu.memref_slice %arg5[%dma_start3A_142, %dma_start3A_143] : memref<10000x128xf32, #tpu.memory_space<hbm>> -> memref<10000x128xf32, #tpu.memory_space<hbm>>
        tpu.enqueue_indirect_dma source(%dma_start3A_144 : memref<10000x128xf32, #tpu.memory_space<hbm>>) target(%arg12 : memref<128x128xf32, #tpu.memory_space<vmem>>) offsets(%dma_start3A_141 : memref<128xi32, #tpu.memory_space<vmem>>) semaphore(%arg14 : memref<!tpu.dma_semaphore, #tpu.memory_space<semaphore_mem>>)
      } else {
      }
      %add3A_126 = arith.constant 1 : i32
      %add3A_127 = arith.addi %mul3A_106, %add3A_126 : i32
      %dma_wait3A_128 = arith.constant 0 : i32
      %dma_wait3A_129 = tpu.memref_slice %arg8[%add3A_127, %dma_wait3A_128] : memref<158x128xi32, #tpu.memory_space<vmem>> -> memref<1x128xi32, #tpu.memory_space<vmem>>
      %dma_wait3A_130 = tpu.memref_squeeze %dma_wait3A_129 : memref<1x128xi32, #tpu.memory_space<vmem>> -> memref<128xi32, #tpu.memory_space<vmem>>
      %dma_wait3A_131 = arith.constant 0 : i32
      %dma_wait3A_132 = arith.constant 0 : i32
      %dma_wait3A_133 = tpu.memref_slice %arg5[%dma_wait3A_131, %dma_wait3A_132] : memref<10000x128xf32, #tpu.memory_space<hbm>> -> memref<10000x128xf32, #tpu.memory_space<hbm>>
      tpu.wait_indirect_dma semaphore(%arg15 : memref<!tpu.dma_semaphore, #tpu.memory_space<semaphore_mem>>) src(%dma_wait3A_133 : memref<10000x128xf32, #tpu.memory_space<hbm>>) dst(%arg13 : memref<128x128xf32, #tpu.memory_space<vmem>>)
      %add3A_134 = arith.constant 1 : i32
      %add3A_135 = arith.addi %mul3A_106, %add3A_134 : i32
      "tpu.region"() ({
        %run_scoped3A = tpu.sem_alloc : memref<!tpu.dma_semaphore, #tpu.memory_space<semaphore_mem>>
        %dma_start3A_137 = arith.constant 0 : i32
        %dma_start3A_138 = tpu.memref_slice %arg9[%add3A_135, %dma_start3A_137] : memref<158x128xi32, #tpu.memory_space<vmem>> -> memref<1x128xi32, #tpu.memory_space<vmem>>
        %dma_start3A_139 = tpu.memref_squeeze %dma_start3A_138 : memref<1x128xi32, #tpu.memory_space<vmem>> -> memref<128xi32, #tpu.memory_space<vmem>>
        %dma_start3A_140 = arith.constant 0 : i32
        %dma_start3A_141 = arith.constant 0 : i32
        %dma_start3A_142 = tpu.memref_slice %arg11[%dma_start3A_140, %dma_start3A_141] : memref<5184x128xf32, #tpu.memory_space<vmem_shared>> -> memref<5184x128xf32, #tpu.memory_space<vmem_shared>>
        tpu.enqueue_indirect_dma source(%arg13 : memref<128x128xf32, #tpu.memory_space<vmem>>) target(%dma_start3A_142 : memref<5184x128xf32, #tpu.memory_space<vmem_shared>>) offsets(%dma_start3A_139 : memref<128xi32, #tpu.memory_space<vmem>>) semaphore(%run_scoped3A : memref<!tpu.dma_semaphore, #tpu.memory_space<semaphore_mem>>) {add = true}
        %dma_wait3A_143 = arith.constant 0 : i32
        %dma_wait3A_144 = tpu.memref_slice %arg9[%add3A_135, %dma_wait3A_143] : memref<158x128xi32, #tpu.memory_space<vmem>> -> memref<1x128xi32, #tpu.memory_space<vmem>>
        %dma_wait3A_145 = tpu.memref_squeeze %dma_wait3A_144 : memref<1x128xi32, #tpu.memory_space<vmem>> -> memref<128xi32, #tpu.memory_space<vmem>>
        %dma_wait3A_146 = arith.constant 0 : i32
        %dma_wait3A_147 = arith.constant 0 : i32
        %dma_wait3A_148 = tpu.memref_slice %arg11[%dma_wait3A_146, %dma_wait3A_147] : memref<5184x128xf32, #tpu.memory_space<vmem_shared>> -> memref<5184x128xf32, #tpu.memory_space<vmem_shared>>
        tpu.wait_indirect_dma semaphore(%run_scoped3A : memref<!tpu.dma_semaphore, #tpu.memory_space<semaphore_mem>>) src(%arg13 : memref<128x128xf32, #tpu.memory_space<vmem>>) dst(%dma_wait3A_148 : memref<5184x128xf32, #tpu.memory_space<vmem_shared>>)
        tpu.yield
      }) : () -> ()
      %scan3A_136 = arith.constant 0 : i32
      scf.yield %scan3A_136 : i32
    }
    %scan3A_80 = arith.constant 79 : i32
    %barrier3A_81 = arith.constant 0 : index
    tpu.barrier barrier_id(%barrier3A_81)
    %eq3A_82 = arith.constant 0 : i32
    %eq3A_83 = arith.cmpi eq, %arg0, %eq3A_82 : i32
    %convert_element_type3A_84 = arith.extui %eq3A_83 : i1 to i32
    %cond3A_85 = arith.constant 0 : i32
    %cond3A_86 = arith.cmpi ne, %convert_element_type3A_84, %cond3A_85 : i32
    scf.if %cond3A_86 {
      %mul3A_103 = arith.constant 320 : i32
      %mul3A_104 = arith.muli %arg1, %mul3A_103 : i32
      %mul3A_105 = arith.constant 320 : i32
      %mul3A_106 = arith.muli %arg1, %mul3A_105 : i32
      "tpu.region"() ({
        %run_scoped3A = tpu.sem_alloc : memref<!tpu.dma_semaphore, #tpu.memory_space<semaphore_mem>>
        %dma_start3A_107 = arith.constant 0 : i32
        %dma_start3A_108 = tpu.memref_slice %arg7[%mul3A_106, %dma_start3A_107] : memref<10000x128xf32, #tpu.memory_space<hbm>> -> memref<320x128xf32, #tpu.memory_space<hbm>>
        %dma_start3A_109 = arith.constant 0 : i32
        %dma_start3A_110 = tpu.memref_slice %arg11[%mul3A_104, %dma_start3A_109] : memref<5184x128xf32, #tpu.memory_space<vmem_shared>> -> memref<320x128xf32, #tpu.memory_space<vmem_shared>>
        tpu.enqueue_dma source(%dma_start3A_110 : memref<320x128xf32, #tpu.memory_space<vmem_shared>>) target(%dma_start3A_108 : memref<320x128xf32, #tpu.memory_space<hbm>>) target_semaphore(%run_scoped3A : memref<!tpu.dma_semaphore, #tpu.memory_space<semaphore_mem>>)
        %dma_wait3A = arith.constant 0 : i32
        %dma_wait3A_111 = tpu.memref_slice %arg7[%mul3A_106, %dma_wait3A] : memref<10000x128xf32, #tpu.memory_space<hbm>> -> memref<320x128xf32, #tpu.memory_space<hbm>>
        %dma_wait3A_112 = arith.constant 0 : i32
        %dma_wait3A_113 = tpu.memref_slice %arg11[%mul3A_104, %dma_wait3A_112] : memref<5184x128xf32, #tpu.memory_space<vmem_shared>> -> memref<320x128xf32, #tpu.memory_space<vmem_shared>>
        tpu.wait_dma2 semaphore(%run_scoped3A : memref<!tpu.dma_semaphore, #tpu.memory_space<semaphore_mem>>) src(%dma_wait3A_113 : memref<320x128xf32, #tpu.memory_space<vmem_shared>>) dst(%dma_wait3A_111 : memref<320x128xf32, #tpu.memory_space<hbm>>)
        tpu.yield
      }) : () -> ()
    } else {
    }
    %eq3A_87 = arith.constant 1 : i32
    %eq3A_88 = arith.cmpi eq, %arg0, %eq3A_87 : i32
    %lt3A_89 = arith.constant 12 : i32
    %lt3A_90 = arith.cmpi slt, %arg1, %lt3A_89 : i32
    %and3A_91 = arith.andi %eq3A_88, %lt3A_90 : i1
    %convert_element_type3A_92 = arith.extui %and3A_91 : i1 to i32
    %cond3A_93 = arith.constant 0 : i32
    %cond3A_94 = arith.cmpi ne, %convert_element_type3A_92, %cond3A_93 : i32
    scf.if %cond3A_94 {
      %mul3A_103 = arith.constant 400 : i32
      %mul3A_104 = arith.muli %arg1, %mul3A_103 : i32
      %mul3A_105 = arith.constant 400 : i32
      %mul3A_106 = arith.muli %arg1, %mul3A_105 : i32
      %add3A = arith.constant 5120 : i32
      %add3A_107 = arith.addi %add3A, %mul3A_106 : i32
      "tpu.region"() ({
        %run_scoped3A = tpu.sem_alloc : memref<!tpu.dma_semaphore, #tpu.memory_space<semaphore_mem>>
        %dma_start3A_108 = arith.constant 0 : i32
        %dma_start3A_109 = tpu.memref_slice %arg7[%add3A_107, %dma_start3A_108] : memref<10000x128xf32, #tpu.memory_space<hbm>> -> memref<400x128xf32, #tpu.memory_space<hbm>>
        %dma_start3A_110 = arith.constant 0 : i32
        %dma_start3A_111 = tpu.memref_slice %arg11[%mul3A_104, %dma_start3A_110] : memref<5184x128xf32, #tpu.memory_space<vmem_shared>> -> memref<400x128xf32, #tpu.memory_space<vmem_shared>>
        tpu.enqueue_dma source(%dma_start3A_111 : memref<400x128xf32, #tpu.memory_space<vmem_shared>>) target(%dma_start3A_109 : memref<400x128xf32, #tpu.memory_space<hbm>>) target_semaphore(%run_scoped3A : memref<!tpu.dma_semaphore, #tpu.memory_space<semaphore_mem>>)
        %dma_wait3A = arith.constant 0 : i32
        %dma_wait3A_112 = tpu.memref_slice %arg7[%add3A_107, %dma_wait3A] : memref<10000x128xf32, #tpu.memory_space<hbm>> -> memref<400x128xf32, #tpu.memory_space<hbm>>
        %dma_wait3A_113 = arith.constant 0 : i32
        %dma_wait3A_114 = tpu.memref_slice %arg11[%mul3A_104, %dma_wait3A_113] : memref<5184x128xf32, #tpu.memory_space<vmem_shared>> -> memref<400x128xf32, #tpu.memory_space<vmem_shared>>
        tpu.wait_dma2 semaphore(%run_scoped3A : memref<!tpu.dma_semaphore, #tpu.memory_space<semaphore_mem>>) src(%dma_wait3A_114 : memref<400x128xf32, #tpu.memory_space<vmem_shared>>) dst(%dma_wait3A_112 : memref<400x128xf32, #tpu.memory_space<hbm>>)
        tpu.yield
      }) : () -> ()
    } else {
    }
    %eq3A_95 = arith.constant 1 : i32
    %eq3A_96 = arith.cmpi eq, %arg0, %eq3A_95 : i32
    %eq3A_97 = arith.constant 12 : i32
    %eq3A_98 = arith.cmpi eq, %arg1, %eq3A_97 : i32
    %and3A_99 = arith.andi %eq3A_96, %eq3A_98 : i1
    %convert_element_type3A_100 = arith.extui %and3A_99 : i1 to i32
    %cond3A_101 = arith.constant 0 : i32
    %cond3A_102 = arith.cmpi ne, %convert_element_type3A_100, %cond3A_101 : i32
    scf.if %cond3A_102 {
      "tpu.region"() ({
        %run_scoped3A = tpu.sem_alloc : memref<!tpu.dma_semaphore, #tpu.memory_space<semaphore_mem>>
        %dma_start3A_103 = arith.constant 9920 : i32
        %dma_start3A_104 = arith.constant 0 : i32
        %dma_start3A_105 = tpu.memref_slice %arg7[%dma_start3A_103, %dma_start3A_104] : memref<10000x128xf32, #tpu.memory_space<hbm>> -> memref<80x128xf32, #tpu.memory_space<hbm>>
        %dma_start3A_106 = arith.constant 4800 : i32
        %dma_start3A_107 = arith.constant 0 : i32
        %dma_start3A_108 = tpu.memref_slice %arg11[%dma_start3A_106, %dma_start3A_107] : memref<5184x128xf32, #tpu.memory_space<vmem_shared>> -> memref<80x128xf32, #tpu.memory_space<vmem_shared>>
        tpu.enqueue_dma source(%dma_start3A_108 : memref<80x128xf32, #tpu.memory_space<vmem_shared>>) target(%dma_start3A_105 : memref<80x128xf32, #tpu.memory_space<hbm>>) target_semaphore(%run_scoped3A : memref<!tpu.dma_semaphore, #tpu.memory_space<semaphore_mem>>)
        %dma_wait3A = arith.constant 9920 : i32
        %dma_wait3A_109 = arith.constant 0 : i32
        %dma_wait3A_110 = tpu.memref_slice %arg7[%dma_wait3A, %dma_wait3A_109] : memref<10000x128xf32, #tpu.memory_space<hbm>> -> memref<80x128xf32, #tpu.memory_space<hbm>>
        %dma_wait3A_111 = arith.constant 4800 : i32
        %dma_wait3A_112 = arith.constant 0 : i32
        %dma_wait3A_113 = tpu.memref_slice %arg11[%dma_wait3A_111, %dma_wait3A_112] : memref<5184x128xf32, #tpu.memory_space<vmem_shared>> -> memref<80x128xf32, #tpu.memory_space<vmem_shared>>
        tpu.wait_dma2 semaphore(%run_scoped3A : memref<!tpu.dma_semaphore, #tpu.memory_space<semaphore_mem>>) src(%dma_wait3A_113 : memref<80x128xf32, #tpu.memory_space<vmem_shared>>) dst(%dma_wait3A_110 : memref<80x128xf32, #tpu.memory_space<hbm>>)
        tpu.yield
      }) : () -> ()
    } else {
    }
    return
  }
}

#map = affine_map<(d0, d1) -> (0, 0, 0)>
#map1 = affine_map<(d0, d1) -> (0, 0)>
module attributes {stable_mosaic.version = 14 : i64} {
  func.func @prop_kernel(%arg0: i32, %arg1: i32, %arg2: memref<16x158x128xi32, #tpu.memory_space<hbm>>, %arg3: memref<16x158x128xi32, #tpu.memory_space<hbm>>, %arg4: memref<10000x128xf32, #tpu.memory_space<hbm>>, %arg5: memref<10000x128xf32, #tpu.memory_space<hbm>>, %arg6: memref<158x128xi32, #tpu.memory_space<vmem>>, %arg7: memref<158x128xi32, #tpu.memory_space<vmem>>, %arg8: memref<40x128xf32, #tpu.memory_space<vmem>>, %arg9: memref<5184x128xf32, #tpu.memory_space<vmem_shared>>, %arg10: memref<128x128xf32, #tpu.memory_space<vmem>>, %arg11: memref<128x128xf32, #tpu.memory_space<vmem>>, %arg12: memref<!tpu.dma_semaphore, #tpu.memory_space<semaphore_mem>>, %arg13: memref<!tpu.dma_semaphore, #tpu.memory_space<semaphore_mem>>) attributes {dimension_semantics = [#tpu.dimension_semantics<core_parallel>, #tpu.dimension_semantics<subcore_parallel>], iteration_bounds = array<i64: 2, 16>, scalar_prefetch = 0 : i64, scratch_operands = 8 : i64, tpu.core_type = #tpu.core_type<sc_vector_subcore>, window_params = [{transform_indices = #map}, {transform_indices = #map}, {transform_indices = #map1}, {transform_indices = #map1}]} {
    %scan3A = arith.constant 0 : i32
    %scan3A_0 = arith.constant 0 : i32
    %scan3A_1 = arith.constant 320 : i32
    %scan3A_2 = arith.addi %scan3A_0, %scan3A_1 : i32
    %scan3A_3 = arith.constant 1 : i32
    %scan3A_4 = scf.for %scan3A_51 = %scan3A_0 to %scan3A_2 step %scan3A_3 iter_args(%scan3A_52 = %scan3A) -> (i32)  : i32 {
      %broadcast_in_dim3A = arith.constant 0.000000e+00 : f32
      %broadcast_in_dim3A_53 = vector.broadcast %broadcast_in_dim3A : f32 to vector<16xf32>
      %jit3A = arith.constant 8 : i32
      %div3A = arith.divsi %scan3A_51, %jit3A : i32
      %sign3A = arith.constant 0 : i32
      %sign3A_54 = arith.cmpi sgt, %scan3A_51, %sign3A : i32
      %sign3A_55 = arith.extui %sign3A_54 : i1 to i32
      %sign3A_56 = arith.constant 0 : i32
      %sign3A_57 = arith.cmpi slt, %scan3A_51, %sign3A_56 : i32
      %sign3A_58 = arith.extui %sign3A_57 : i1 to i32
      %sign3A_59 = arith.subi %sign3A_55, %sign3A_58 : i32
      %sign3A_60 = arith.constant 0 : i32
      %sign3A_61 = arith.cmpi sgt, %jit3A, %sign3A_60 : i32
      %sign3A_62 = arith.extui %sign3A_61 : i1 to i32
      %sign3A_63 = arith.constant 0 : i32
      %sign3A_64 = arith.cmpi slt, %jit3A, %sign3A_63 : i32
      %sign3A_65 = arith.extui %sign3A_64 : i1 to i32
      %sign3A_66 = arith.subi %sign3A_62, %sign3A_65 : i32
      %ne3A = arith.cmpi ne, %sign3A_59, %sign3A_66 : i32
      %rem3A = arith.remsi %scan3A_51, %jit3A : i32
      %ne3A_67 = arith.constant 0 : i32
      %ne3A_68 = arith.cmpi ne, %rem3A, %ne3A_67 : i32
      %and3A_69 = arith.andi %ne3A, %ne3A_68 : i1
      %sub3A = arith.constant 1 : i32
      %sub3A_70 = arith.subi %div3A, %sub3A : i32
      %select_n3A = arith.select %and3A_69, %sub3A_70, %div3A : i32
      %jit3A_71 = arith.constant 8 : i32
      %eq3A_72 = arith.constant 0 : i32
      %eq3A_73 = arith.cmpi eq, %jit3A_71, %eq3A_72 : i32
      %jit3A_74 = arith.constant 1 : i32
      %select_n3A_75 = arith.select %eq3A_73, %jit3A_74, %jit3A_71 : i32
      %rem3A_76 = arith.remsi %scan3A_51, %select_n3A_75 : i32
      %ne3A_77 = arith.constant 0 : i32
      %ne3A_78 = arith.cmpi ne, %rem3A_76, %ne3A_77 : i32
      %lt3A_79 = arith.constant 0 : i32
      %lt3A_80 = arith.cmpi slt, %rem3A_76, %lt3A_79 : i32
      %lt3A_81 = arith.constant 0 : i32
      %lt3A_82 = arith.cmpi slt, %select_n3A_75, %lt3A_81 : i32
      %ne3A_83 = arith.xori %lt3A_80, %lt3A_82 : i1
      %and3A_84 = arith.andi %ne3A_83, %ne3A_78 : i1
      %add3A = arith.addi %rem3A_76, %select_n3A_75 : i32
      %select_n3A_85 = arith.select %and3A_84, %add3A, %rem3A_76 : i32
      %mul3A_86 = arith.constant 16 : i32
      %mul3A_87 = arith.muli %select_n3A_85, %mul3A_86 : i32
      %swap3A = arith.index_cast %select_n3A : i32 to index
      %swap3A_88 = arith.index_cast %mul3A_87 : i32 to index
      %swap3A_89 = tpu.vector_load %arg8[%swap3A, %swap3A_88] {strides = array<i32>} : memref<40x128xf32, #tpu.memory_space<vmem>>, vector<1x16xf32>,
      %swap3A_90 = vector.shape_cast %swap3A_89 : vector<1x16xf32> to vector<16xf32>
      %swap3A_91 = vector.shape_cast %broadcast_in_dim3A_53 : vector<16xf32> to vector<1x16xf32>
      tpu.vector_store %arg8[%swap3A, %swap3A_88], %swap3A_91 {strides = array<i32>} : memref<40x128xf32, #tpu.memory_space<vmem>>, vector<1x16xf32>,
      %scan3A_92 = arith.constant 0 : i32
      scf.yield %scan3A_92 : i32
    }
    %scan3A_5 = arith.constant 320 : i32
    %scan3A_6 = arith.constant 0 : i32
    %scan3A_7 = arith.constant 0 : i32
    %scan3A_8 = arith.constant 8 : i32
    %scan3A_9 = arith.addi %scan3A_7, %scan3A_8 : i32
    %scan3A_10 = arith.constant 1 : i32
    %scan3A_11 = scf.for %scan3A_51 = %scan3A_7 to %scan3A_9 step %scan3A_10 iter_args(%scan3A_52 = %scan3A_6) -> (i32)  : i32 {
      %mul3A_53 = arith.constant 8 : i32
      %mul3A_54 = arith.muli %arg1, %mul3A_53 : i32
      %mul3A_55 = arith.constant 40 : i32
      %mul3A_56 = arith.muli %mul3A_54, %mul3A_55 : i32
      %mul3A_57 = arith.constant 40 : i32
      %mul3A_58 = arith.muli %scan3A_51, %mul3A_57 : i32
      %add3A = arith.addi %mul3A_56, %mul3A_58 : i32
      "tpu.region"() ({
        %run_scoped3A = tpu.sem_alloc : memref<!tpu.dma_semaphore, #tpu.memory_space<semaphore_mem>>
        %dma_start3A_60 = arith.constant 0 : i32
        %dma_start3A_61 = tpu.memref_slice %arg9[%add3A, %dma_start3A_60] : memref<5184x128xf32, #tpu.memory_space<vmem_shared>> -> memref<40x128xf32, #tpu.memory_space<vmem_shared>>
        %dma_start3A_62 = arith.constant 0 : i32
        %dma_start3A_63 = tpu.memref_slice %arg9[%add3A, %dma_start3A_62] : memref<5184x128xf32, #tpu.memory_space<vmem_shared>> -> memref<40x128xf32, #tpu.memory_space<vmem_shared>>
        tpu.enqueue_dma source(%arg8 : memref<40x128xf32, #tpu.memory_space<vmem>>) target(%dma_start3A_63 : memref<40x128xf32, #tpu.memory_space<vmem_shared>>) target_semaphore(%run_scoped3A : memref<!tpu.dma_semaphore, #tpu.memory_space<semaphore_mem>>)
        %dma_wait3A = arith.constant 0 : i32
        %dma_wait3A_64 = tpu.memref_slice %arg9[%add3A, %dma_wait3A] : memref<5184x128xf32, #tpu.memory_space<vmem_shared>> -> memref<40x128xf32, #tpu.memory_space<vmem_shared>>
        %dma_wait3A_65 = arith.constant 0 : i32
        %dma_wait3A_66 = tpu.memref_slice %arg9[%add3A, %dma_wait3A_65] : memref<5184x128xf32, #tpu.memory_space<vmem_shared>> -> memref<40x128xf32, #tpu.memory_space<vmem_shared>>
        tpu.wait_dma2 semaphore(%run_scoped3A : memref<!tpu.dma_semaphore, #tpu.memory_space<semaphore_mem>>) src(%arg8 : memref<40x128xf32, #tpu.memory_space<vmem>>) dst(%dma_wait3A_66 : memref<40x128xf32, #tpu.memory_space<vmem_shared>>)
        tpu.yield
      }) : () -> ()
      %scan3A_59 = arith.constant 0 : i32
      scf.yield %scan3A_59 : i32
    }
    %scan3A_12 = arith.constant 8 : i32
    "tpu.region"() ({
      %run_scoped3A = tpu.sem_alloc : memref<!tpu.dma_semaphore, #tpu.memory_space<semaphore_mem>>
      %dma_start3A_51 = arith.constant 0 : i32
      %dma_start3A_52 = arith.constant 0 : i32
      %dma_start3A_53 = tpu.memref_slice %arg2[%arg1, %dma_start3A_51, %dma_start3A_52] : memref<16x158x128xi32, #tpu.memory_space<hbm>> -> memref<1x158x128xi32, #tpu.memory_space<hbm>>
      %dma_start3A_54 = tpu.memref_squeeze %dma_start3A_53 : memref<1x158x128xi32, #tpu.memory_space<hbm>> -> memref<158x128xi32, #tpu.memory_space<hbm>>
      %dma_start3A_55 = arith.constant 0 : i32
      %dma_start3A_56 = arith.constant 0 : i32
      %dma_start3A_57 = tpu.memref_slice %arg2[%arg1, %dma_start3A_55, %dma_start3A_56] : memref<16x158x128xi32, #tpu.memory_space<hbm>> -> memref<1x158x128xi32, #tpu.memory_space<hbm>>
      %dma_start3A_58 = tpu.memref_squeeze %dma_start3A_57 : memref<1x158x128xi32, #tpu.memory_space<hbm>> -> memref<158x128xi32, #tpu.memory_space<hbm>>
      tpu.enqueue_dma source(%dma_start3A_58 : memref<158x128xi32, #tpu.memory_space<hbm>>) target(%arg6 : memref<158x128xi32, #tpu.memory_space<vmem>>) target_semaphore(%run_scoped3A : memref<!tpu.dma_semaphore, #tpu.memory_space<semaphore_mem>>)
      %dma_wait3A = arith.constant 0 : i32
      %dma_wait3A_59 = arith.constant 0 : i32
      %dma_wait3A_60 = tpu.memref_slice %arg2[%arg1, %dma_wait3A, %dma_wait3A_59] : memref<16x158x128xi32, #tpu.memory_space<hbm>> -> memref<1x158x128xi32, #tpu.memory_space<hbm>>
      %dma_wait3A_61 = tpu.memref_squeeze %dma_wait3A_60 : memref<1x158x128xi32, #tpu.memory_space<hbm>> -> memref<158x128xi32, #tpu.memory_space<hbm>>
      %dma_wait3A_62 = arith.constant 0 : i32
      %dma_wait3A_63 = arith.constant 0 : i32
      %dma_wait3A_64 = tpu.memref_slice %arg2[%arg1, %dma_wait3A_62, %dma_wait3A_63] : memref<16x158x128xi32, #tpu.memory_space<hbm>> -> memref<1x158x128xi32, #tpu.memory_space<hbm>>
      %dma_wait3A_65 = tpu.memref_squeeze %dma_wait3A_64 : memref<1x158x128xi32, #tpu.memory_space<hbm>> -> memref<158x128xi32, #tpu.memory_space<hbm>>
      tpu.wait_dma2 semaphore(%run_scoped3A : memref<!tpu.dma_semaphore, #tpu.memory_space<semaphore_mem>>) src(%dma_wait3A_65 : memref<158x128xi32, #tpu.memory_space<hbm>>) dst(%arg6 : memref<158x128xi32, #tpu.memory_space<vmem>>)
      tpu.yield
    }) : () -> ()
    "tpu.region"() ({
      %run_scoped3A = tpu.sem_alloc : memref<!tpu.dma_semaphore, #tpu.memory_space<semaphore_mem>>
      %dma_start3A_51 = arith.constant 0 : i32
      %dma_start3A_52 = arith.constant 0 : i32
      %dma_start3A_53 = tpu.memref_slice %arg3[%arg1, %dma_start3A_51, %dma_start3A_52] : memref<16x158x128xi32, #tpu.memory_space<hbm>> -> memref<1x158x128xi32, #tpu.memory_space<hbm>>
      %dma_start3A_54 = tpu.memref_squeeze %dma_start3A_53 : memref<1x158x128xi32, #tpu.memory_space<hbm>> -> memref<158x128xi32, #tpu.memory_space<hbm>>
      %dma_start3A_55 = arith.constant 0 : i32
      %dma_start3A_56 = arith.constant 0 : i32
      %dma_start3A_57 = tpu.memref_slice %arg3[%arg1, %dma_start3A_55, %dma_start3A_56] : memref<16x158x128xi32, #tpu.memory_space<hbm>> -> memref<1x158x128xi32, #tpu.memory_space<hbm>>
      %dma_start3A_58 = tpu.memref_squeeze %dma_start3A_57 : memref<1x158x128xi32, #tpu.memory_space<hbm>> -> memref<158x128xi32, #tpu.memory_space<hbm>>
      tpu.enqueue_dma source(%dma_start3A_58 : memref<158x128xi32, #tpu.memory_space<hbm>>) target(%arg7 : memref<158x128xi32, #tpu.memory_space<vmem>>) target_semaphore(%run_scoped3A : memref<!tpu.dma_semaphore, #tpu.memory_space<semaphore_mem>>)
      %dma_wait3A = arith.constant 0 : i32
      %dma_wait3A_59 = arith.constant 0 : i32
      %dma_wait3A_60 = tpu.memref_slice %arg3[%arg1, %dma_wait3A, %dma_wait3A_59] : memref<16x158x128xi32, #tpu.memory_space<hbm>> -> memref<1x158x128xi32, #tpu.memory_space<hbm>>
      %dma_wait3A_61 = tpu.memref_squeeze %dma_wait3A_60 : memref<1x158x128xi32, #tpu.memory_space<hbm>> -> memref<158x128xi32, #tpu.memory_space<hbm>>
      %dma_wait3A_62 = arith.constant 0 : i32
      %dma_wait3A_63 = arith.constant 0 : i32
      %dma_wait3A_64 = tpu.memref_slice %arg3[%arg1, %dma_wait3A_62, %dma_wait3A_63] : memref<16x158x128xi32, #tpu.memory_space<hbm>> -> memref<1x158x128xi32, #tpu.memory_space<hbm>>
      %dma_wait3A_65 = tpu.memref_squeeze %dma_wait3A_64 : memref<1x158x128xi32, #tpu.memory_space<hbm>> -> memref<158x128xi32, #tpu.memory_space<hbm>>
      tpu.wait_dma2 semaphore(%run_scoped3A : memref<!tpu.dma_semaphore, #tpu.memory_space<semaphore_mem>>) src(%dma_wait3A_65 : memref<158x128xi32, #tpu.memory_space<hbm>>) dst(%arg7 : memref<158x128xi32, #tpu.memory_space<vmem>>)
      tpu.yield
    }) : () -> ()
    %mul3A = arith.constant 5120 : i32
    %mul3A_13 = arith.muli %arg0, %mul3A : i32
    %scan3A_14 = arith.constant 0 : i32
    %scan3A_15 = arith.constant 0 : i32
    %scan3A_16 = arith.constant 1264 : i32
    %scan3A_17 = arith.addi %scan3A_15, %scan3A_16 : i32
    %scan3A_18 = arith.constant 1 : i32
    %scan3A_19 = scf.for %scan3A_51 = %scan3A_15 to %scan3A_17 step %scan3A_18 iter_args(%scan3A_52 = %scan3A_14) -> (i32)  : i32 {
      %jit3A = arith.constant 8 : i32
      %div3A = arith.divsi %scan3A_51, %jit3A : i32
      %sign3A = arith.constant 0 : i32
      %sign3A_53 = arith.cmpi sgt, %scan3A_51, %sign3A : i32
      %sign3A_54 = arith.extui %sign3A_53 : i1 to i32
      %sign3A_55 = arith.constant 0 : i32
      %sign3A_56 = arith.cmpi slt, %scan3A_51, %sign3A_55 : i32
      %sign3A_57 = arith.extui %sign3A_56 : i1 to i32
      %sign3A_58 = arith.subi %sign3A_54, %sign3A_57 : i32
      %sign3A_59 = arith.constant 0 : i32
      %sign3A_60 = arith.cmpi sgt, %jit3A, %sign3A_59 : i32
      %sign3A_61 = arith.extui %sign3A_60 : i1 to i32
      %sign3A_62 = arith.constant 0 : i32
      %sign3A_63 = arith.cmpi slt, %jit3A, %sign3A_62 : i32
      %sign3A_64 = arith.extui %sign3A_63 : i1 to i32
      %sign3A_65 = arith.subi %sign3A_61, %sign3A_64 : i32
      %ne3A = arith.cmpi ne, %sign3A_58, %sign3A_65 : i32
      %rem3A = arith.remsi %scan3A_51, %jit3A : i32
      %ne3A_66 = arith.constant 0 : i32
      %ne3A_67 = arith.cmpi ne, %rem3A, %ne3A_66 : i32
      %and3A_68 = arith.andi %ne3A, %ne3A_67 : i1
      %sub3A = arith.constant 1 : i32
      %sub3A_69 = arith.subi %div3A, %sub3A : i32
      %select_n3A = arith.select %and3A_68, %sub3A_69, %div3A : i32
      %jit3A_70 = arith.constant 8 : i32
      %eq3A_71 = arith.constant 0 : i32
      %eq3A_72 = arith.cmpi eq, %jit3A_70, %eq3A_71 : i32
      %jit3A_73 = arith.constant 1 : i32
      %select_n3A_74 = arith.select %eq3A_72, %jit3A_73, %jit3A_70 : i32
      %rem3A_75 = arith.remsi %scan3A_51, %select_n3A_74 : i32
      %ne3A_76 = arith.constant 0 : i32
      %ne3A_77 = arith.cmpi ne, %rem3A_75, %ne3A_76 : i32
      %lt3A_78 = arith.constant 0 : i32
      %lt3A_79 = arith.cmpi slt, %rem3A_75, %lt3A_78 : i32
      %lt3A_80 = arith.constant 0 : i32
      %lt3A_81 = arith.cmpi slt, %select_n3A_74, %lt3A_80 : i32
      %ne3A_82 = arith.xori %lt3A_79, %lt3A_81 : i1
      %and3A_83 = arith.andi %ne3A_82, %ne3A_77 : i1
      %add3A = arith.addi %rem3A_75, %select_n3A_74 : i32
      %select_n3A_84 = arith.select %and3A_83, %add3A, %rem3A_75 : i32
      %mul3A_85 = arith.constant 16 : i32
      %mul3A_86 = arith.muli %select_n3A_84, %mul3A_85 : i32
      %get3A = arith.index_cast %select_n3A : i32 to index
      %get3A_87 = arith.index_cast %mul3A_86 : i32 to index
      %get3A_88 = tpu.vector_load %arg7[%get3A, %get3A_87] {strides = array<i32>} : memref<158x128xi32, #tpu.memory_space<vmem>>, vector<1x16xi32>,
      %get3A_89 = vector.shape_cast %get3A_88 : vector<1x16xi32> to vector<16xi32>
      %sub3A_90 = vector.broadcast %mul3A_13 : i32 to vector<16xi32>
      %sub3A_91 = arith.subi %get3A_89, %sub3A_90 : vector<16xi32>
      %ge3A = arith.constant 0 : i32
      %ge3A_92 = vector.broadcast %ge3A : i32 to vector<16xi32>
      %ge3A_93 = arith.cmpi sge, %sub3A_91, %ge3A_92 : vector<16xi32>
      %lt3A_94 = arith.constant 5128 : i32
      %lt3A_95 = vector.broadcast %lt3A_94 : i32 to vector<16xi32>
      %lt3A_96 = arith.cmpi slt, %sub3A_91, %lt3A_95 : vector<16xi32>
      %and3A_97 = arith.andi %ge3A_93, %lt3A_96 : vector<16xi1>
      %and3A_98 = arith.constant 63 : i32
      %and3A_99 = vector.broadcast %and3A_98 : i32 to vector<16xi32>
      %and3A_100 = arith.andi %sub3A_91, %and3A_99 : vector<16xi32>
      %add3A_101 = arith.constant 5120 : i32
      %add3A_102 = vector.broadcast %add3A_101 : i32 to vector<16xi32>
      %add3A_103 = arith.addi %add3A_102, %and3A_100 : vector<16xi32>
      %select_n3A_104 = arith.select %and3A_97, %sub3A_91, %add3A_103 : vector<16xi1>, vector<16xi32>
      %jit3A_105 = arith.constant 8 : i32
      %div3A_106 = arith.divsi %scan3A_51, %jit3A_105 : i32
      %sign3A_107 = arith.constant 0 : i32
      %sign3A_108 = arith.cmpi sgt, %scan3A_51, %sign3A_107 : i32
      %sign3A_109 = arith.extui %sign3A_108 : i1 to i32
      %sign3A_110 = arith.constant 0 : i32
      %sign3A_111 = arith.cmpi slt, %scan3A_51, %sign3A_110 : i32
      %sign3A_112 = arith.extui %sign3A_111 : i1 to i32
      %sign3A_113 = arith.subi %sign3A_109, %sign3A_112 : i32
      %sign3A_114 = arith.constant 0 : i32
      %sign3A_115 = arith.cmpi sgt, %jit3A_105, %sign3A_114 : i32
      %sign3A_116 = arith.extui %sign3A_115 : i1 to i32
      %sign3A_117 = arith.constant 0 : i32
      %sign3A_118 = arith.cmpi slt, %jit3A_105, %sign3A_117 : i32
      %sign3A_119 = arith.extui %sign3A_118 : i1 to i32
      %sign3A_120 = arith.subi %sign3A_116, %sign3A_119 : i32
      %ne3A_121 = arith.cmpi ne, %sign3A_113, %sign3A_120 : i32
      %rem3A_122 = arith.remsi %scan3A_51, %jit3A_105 : i32
      %ne3A_123 = arith.constant 0 : i32
      %ne3A_124 = arith.cmpi ne, %rem3A_122, %ne3A_123 : i32
      %and3A_125 = arith.andi %ne3A_121, %ne3A_124 : i1
      %sub3A_126 = arith.constant 1 : i32
      %sub3A_127 = arith.subi %div3A_106, %sub3A_126 : i32
      %select_n3A_128 = arith.select %and3A_125, %sub3A_127, %div3A_106 : i32
      %jit3A_129 = arith.constant 8 : i32
      %eq3A_130 = arith.constant 0 : i32
      %eq3A_131 = arith.cmpi eq, %jit3A_129, %eq3A_130 : i32
      %jit3A_132 = arith.constant 1 : i32
      %select_n3A_133 = arith.select %eq3A_131, %jit3A_132, %jit3A_129 : i32
      %rem3A_134 = arith.remsi %scan3A_51, %select_n3A_133 : i32
      %ne3A_135 = arith.constant 0 : i32
      %ne3A_136 = arith.cmpi ne, %rem3A_134, %ne3A_135 : i32
      %lt3A_137 = arith.constant 0 : i32
      %lt3A_138 = arith.cmpi slt, %rem3A_134, %lt3A_137 : i32
      %lt3A_139 = arith.constant 0 : i32
      %lt3A_140 = arith.cmpi slt, %select_n3A_133, %lt3A_139 : i32
      %ne3A_141 = arith.xori %lt3A_138, %lt3A_140 : i1
      %and3A_142 = arith.andi %ne3A_141, %ne3A_136 : i1
      %add3A_143 = arith.addi %rem3A_134, %select_n3A_133 : i32
      %select_n3A_144 = arith.select %and3A_142, %add3A_143, %rem3A_134 : i32
      %mul3A_145 = arith.constant 16 : i32
      %mul3A_146 = arith.muli %select_n3A_144, %mul3A_145 : i32
      %swap3A = arith.index_cast %select_n3A_128 : i32 to index
      %swap3A_147 = arith.index_cast %mul3A_146 : i32 to index
      %swap3A_148 = tpu.vector_load %arg7[%swap3A, %swap3A_147] {strides = array<i32>} : memref<158x128xi32, #tpu.memory_space<vmem>>, vector<1x16xi32>,
      %swap3A_149 = vector.shape_cast %swap3A_148 : vector<1x16xi32> to vector<16xi32>
      %swap3A_150 = vector.shape_cast %select_n3A_104 : vector<16xi32> to vector<1x16xi32>
      tpu.vector_store %arg7[%swap3A, %swap3A_147], %swap3A_150 {strides = array<i32>} : memref<158x128xi32, #tpu.memory_space<vmem>>, vector<1x16xi32>,
      %scan3A_151 = arith.constant 0 : i32
      scf.yield %scan3A_151 : i32
    }
    %scan3A_20 = arith.constant 1264 : i32
    %barrier3A = arith.constant 0 : index
    tpu.barrier barrier_id(%barrier3A)
    %dma_start3A = arith.constant 0 : i32
    %dma_start3A_21 = arith.constant 0 : i32
    %dma_start3A_22 = tpu.memref_slice %arg6[%dma_start3A, %dma_start3A_21] : memref<158x128xi32, #tpu.memory_space<vmem>> -> memref<1x128xi32, #tpu.memory_space<vmem>>
    %dma_start3A_23 = tpu.memref_squeeze %dma_start3A_22 : memref<1x128xi32, #tpu.memory_space<vmem>> -> memref<128xi32, #tpu.memory_space<vmem>>
    %dma_start3A_24 = arith.constant 0 : i32
    %dma_start3A_25 = arith.constant 0 : i32
    %dma_start3A_26 = tpu.memref_slice %arg4[%dma_start3A_24, %dma_start3A_25] : memref<10000x128xf32, #tpu.memory_space<hbm>> -> memref<10000x128xf32, #tpu.memory_space<hbm>>
    tpu.enqueue_indirect_dma source(%dma_start3A_26 : memref<10000x128xf32, #tpu.memory_space<hbm>>) target(%arg10 : memref<128x128xf32, #tpu.memory_space<vmem>>) offsets(%dma_start3A_23 : memref<128xi32, #tpu.memory_space<vmem>>) semaphore(%arg12 : memref<!tpu.dma_semaphore, #tpu.memory_space<semaphore_mem>>)
    %scan3A_27 = arith.constant 0 : i32
    %scan3A_28 = arith.constant 0 : i32
    %scan3A_29 = arith.constant 79 : i32
    %scan3A_30 = arith.addi %scan3A_28, %scan3A_29 : i32
    %scan3A_31 = arith.constant 1 : i32
    %scan3A_32 = scf.for %scan3A_51 = %scan3A_28 to %scan3A_30 step %scan3A_31 iter_args(%scan3A_52 = %scan3A_27) -> (i32)  : i32 {
      %mul3A_53 = arith.constant 2 : i32
      %mul3A_54 = arith.muli %scan3A_51, %mul3A_53 : i32
      %add3A = arith.constant 1 : i32
      %add3A_55 = arith.addi %mul3A_54, %add3A : i32
      %dma_start3A_56 = arith.constant 0 : i32
      %dma_start3A_57 = tpu.memref_slice %arg6[%add3A_55, %dma_start3A_56] : memref<158x128xi32, #tpu.memory_space<vmem>> -> memref<1x128xi32, #tpu.memory_space<vmem>>
      %dma_start3A_58 = tpu.memref_squeeze %dma_start3A_57 : memref<1x128xi32, #tpu.memory_space<vmem>> -> memref<128xi32, #tpu.memory_space<vmem>>
      %dma_start3A_59 = arith.constant 0 : i32
      %dma_start3A_60 = arith.constant 0 : i32
      %dma_start3A_61 = tpu.memref_slice %arg4[%dma_start3A_59, %dma_start3A_60] : memref<10000x128xf32, #tpu.memory_space<hbm>> -> memref<10000x128xf32, #tpu.memory_space<hbm>>
      tpu.enqueue_indirect_dma source(%dma_start3A_61 : memref<10000x128xf32, #tpu.memory_space<hbm>>) target(%arg11 : memref<128x128xf32, #tpu.memory_space<vmem>>) offsets(%dma_start3A_58 : memref<128xi32, #tpu.memory_space<vmem>>) semaphore(%arg13 : memref<!tpu.dma_semaphore, #tpu.memory_space<semaphore_mem>>)
      %dma_wait3A = arith.constant 0 : i32
      %dma_wait3A_62 = tpu.memref_slice %arg6[%mul3A_54, %dma_wait3A] : memref<158x128xi32, #tpu.memory_space<vmem>> -> memref<1x128xi32, #tpu.memory_space<vmem>>
      %dma_wait3A_63 = tpu.memref_squeeze %dma_wait3A_62 : memref<1x128xi32, #tpu.memory_space<vmem>> -> memref<128xi32, #tpu.memory_space<vmem>>
      %dma_wait3A_64 = arith.constant 0 : i32
      %dma_wait3A_65 = arith.constant 0 : i32
      %dma_wait3A_66 = tpu.memref_slice %arg4[%dma_wait3A_64, %dma_wait3A_65] : memref<10000x128xf32, #tpu.memory_space<hbm>> -> memref<10000x128xf32, #tpu.memory_space<hbm>>
      tpu.wait_indirect_dma semaphore(%arg12 : memref<!tpu.dma_semaphore, #tpu.memory_space<semaphore_mem>>) src(%dma_wait3A_66 : memref<10000x128xf32, #tpu.memory_space<hbm>>) dst(%arg10 : memref<128x128xf32, #tpu.memory_space<vmem>>)
      "tpu.region"() ({
        %run_scoped3A = tpu.sem_alloc : memref<!tpu.dma_semaphore, #tpu.memory_space<semaphore_mem>>
        %dma_start3A_85 = arith.constant 0 : i32
        %dma_start3A_86 = tpu.memref_slice %arg7[%mul3A_54, %dma_start3A_85] : memref<158x128xi32, #tpu.memory_space<vmem>> -> memref<1x128xi32, #tpu.memory_space<vmem>>
        %dma_start3A_87 = tpu.memref_squeeze %dma_start3A_86 : memref<1x128xi32, #tpu.memory_space<vmem>> -> memref<128xi32, #tpu.memory_space<vmem>>
        %dma_start3A_88 = arith.constant 0 : i32
        %dma_start3A_89 = arith.constant 0 : i32
        %dma_start3A_90 = tpu.memref_slice %arg9[%dma_start3A_88, %dma_start3A_89] : memref<5184x128xf32, #tpu.memory_space<vmem_shared>> -> memref<5184x128xf32, #tpu.memory_space<vmem_shared>>
        tpu.enqueue_indirect_dma source(%arg10 : memref<128x128xf32, #tpu.memory_space<vmem>>) target(%dma_start3A_90 : memref<5184x128xf32, #tpu.memory_space<vmem_shared>>) offsets(%dma_start3A_87 : memref<128xi32, #tpu.memory_space<vmem>>) semaphore(%run_scoped3A : memref<!tpu.dma_semaphore, #tpu.memory_space<semaphore_mem>>) {add = true}
        %dma_wait3A_91 = arith.constant 0 : i32
        %dma_wait3A_92 = tpu.memref_slice %arg7[%mul3A_54, %dma_wait3A_91] : memref<158x128xi32, #tpu.memory_space<vmem>> -> memref<1x128xi32, #tpu.memory_space<vmem>>
        %dma_wait3A_93 = tpu.memref_squeeze %dma_wait3A_92 : memref<1x128xi32, #tpu.memory_space<vmem>> -> memref<128xi32, #tpu.memory_space<vmem>>
        %dma_wait3A_94 = arith.constant 0 : i32
        %dma_wait3A_95 = arith.constant 0 : i32
        %dma_wait3A_96 = tpu.memref_slice %arg9[%dma_wait3A_94, %dma_wait3A_95] : memref<5184x128xf32, #tpu.memory_space<vmem_shared>> -> memref<5184x128xf32, #tpu.memory_space<vmem_shared>>
        tpu.wait_indirect_dma semaphore(%run_scoped3A : memref<!tpu.dma_semaphore, #tpu.memory_space<semaphore_mem>>) src(%arg10 : memref<128x128xf32, #tpu.memory_space<vmem>>) dst(%dma_wait3A_96 : memref<5184x128xf32, #tpu.memory_space<vmem_shared>>)
        tpu.yield
      }) : () -> ()
      %add3A_67 = arith.constant 2 : i32
      %add3A_68 = arith.addi %mul3A_54, %add3A_67 : i32
      %lt3A_69 = arith.constant 158 : i32
      %lt3A_70 = arith.cmpi slt, %add3A_68, %lt3A_69 : i32
      %convert_element_type3A_71 = arith.extui %lt3A_70 : i1 to i32
      %cond3A_72 = arith.constant 0 : i32
      %cond3A_73 = arith.cmpi ne, %convert_element_type3A_71, %cond3A_72 : i32
      scf.if %cond3A_73 {
        %add3A_85 = arith.constant 2 : i32
        %add3A_86 = arith.addi %mul3A_54, %add3A_85 : i32
        %dma_start3A_87 = arith.constant 0 : i32
        %dma_start3A_88 = tpu.memref_slice %arg6[%add3A_86, %dma_start3A_87] : memref<158x128xi32, #tpu.memory_space<vmem>> -> memref<1x128xi32, #tpu.memory_space<vmem>>
        %dma_start3A_89 = tpu.memref_squeeze %dma_start3A_88 : memref<1x128xi32, #tpu.memory_space<vmem>> -> memref<128xi32, #tpu.memory_space<vmem>>
        %dma_start3A_90 = arith.constant 0 : i32
        %dma_start3A_91 = arith.constant 0 : i32
        %dma_start3A_92 = tpu.memref_slice %arg4[%dma_start3A_90, %dma_start3A_91] : memref<10000x128xf32, #tpu.memory_space<hbm>> -> memref<10000x128xf32, #tpu.memory_space<hbm>>
        tpu.enqueue_indirect_dma source(%dma_start3A_92 : memref<10000x128xf32, #tpu.memory_space<hbm>>) target(%arg10 : memref<128x128xf32, #tpu.memory_space<vmem>>) offsets(%dma_start3A_89 : memref<128xi32, #tpu.memory_space<vmem>>) semaphore(%arg12 : memref<!tpu.dma_semaphore, #tpu.memory_space<semaphore_mem>>)
      } else {
      }
      %add3A_74 = arith.constant 1 : i32
      %add3A_75 = arith.addi %mul3A_54, %add3A_74 : i32
      %dma_wait3A_76 = arith.constant 0 : i32
      %dma_wait3A_77 = tpu.memref_slice %arg6[%add3A_75, %dma_wait3A_76] : memref<158x128xi32, #tpu.memory_space<vmem>> -> memref<1x128xi32, #tpu.memory_space<vmem>>
      %dma_wait3A_78 = tpu.memref_squeeze %dma_wait3A_77 : memref<1x128xi32, #tpu.memory_space<vmem>> -> memref<128xi32, #tpu.memory_space<vmem>>
      %dma_wait3A_79 = arith.constant 0 : i32
      %dma_wait3A_80 = arith.constant 0 : i32
      %dma_wait3A_81 = tpu.memref_slice %arg4[%dma_wait3A_79, %dma_wait3A_80] : memref<10000x128xf32, #tpu.memory_space<hbm>> -> memref<10000x128xf32, #tpu.memory_space<hbm>>
      tpu.wait_indirect_dma semaphore(%arg13 : memref<!tpu.dma_semaphore, #tpu.memory_space<semaphore_mem>>) src(%dma_wait3A_81 : memref<10000x128xf32, #tpu.memory_space<hbm>>) dst(%arg11 : memref<128x128xf32, #tpu.memory_space<vmem>>)
      %add3A_82 = arith.constant 1 : i32
      %add3A_83 = arith.addi %mul3A_54, %add3A_82 : i32
      "tpu.region"() ({
        %run_scoped3A = tpu.sem_alloc : memref<!tpu.dma_semaphore, #tpu.memory_space<semaphore_mem>>
        %dma_start3A_85 = arith.constant 0 : i32
        %dma_start3A_86 = tpu.memref_slice %arg7[%add3A_83, %dma_start3A_85] : memref<158x128xi32, #tpu.memory_space<vmem>> -> memref<1x128xi32, #tpu.memory_space<vmem>>
        %dma_start3A_87 = tpu.memref_squeeze %dma_start3A_86 : memref<1x128xi32, #tpu.memory_space<vmem>> -> memref<128xi32, #tpu.memory_space<vmem>>
        %dma_start3A_88 = arith.constant 0 : i32
        %dma_start3A_89 = arith.constant 0 : i32
        %dma_start3A_90 = tpu.memref_slice %arg9[%dma_start3A_88, %dma_start3A_89] : memref<5184x128xf32, #tpu.memory_space<vmem_shared>> -> memref<5184x128xf32, #tpu.memory_space<vmem_shared>>
        tpu.enqueue_indirect_dma source(%arg11 : memref<128x128xf32, #tpu.memory_space<vmem>>) target(%dma_start3A_90 : memref<5184x128xf32, #tpu.memory_space<vmem_shared>>) offsets(%dma_start3A_87 : memref<128xi32, #tpu.memory_space<vmem>>) semaphore(%run_scoped3A : memref<!tpu.dma_semaphore, #tpu.memory_space<semaphore_mem>>) {add = true}
        %dma_wait3A_91 = arith.constant 0 : i32
        %dma_wait3A_92 = tpu.memref_slice %arg7[%add3A_83, %dma_wait3A_91] : memref<158x128xi32, #tpu.memory_space<vmem>> -> memref<1x128xi32, #tpu.memory_space<vmem>>
        %dma_wait3A_93 = tpu.memref_squeeze %dma_wait3A_92 : memref<1x128xi32, #tpu.memory_space<vmem>> -> memref<128xi32, #tpu.memory_space<vmem>>
        %dma_wait3A_94 = arith.constant 0 : i32
        %dma_wait3A_95 = arith.constant 0 : i32
        %dma_wait3A_96 = tpu.memref_slice %arg9[%dma_wait3A_94, %dma_wait3A_95] : memref<5184x128xf32, #tpu.memory_space<vmem_shared>> -> memref<5184x128xf32, #tpu.memory_space<vmem_shared>>
        tpu.wait_indirect_dma semaphore(%run_scoped3A : memref<!tpu.dma_semaphore, #tpu.memory_space<semaphore_mem>>) src(%arg11 : memref<128x128xf32, #tpu.memory_space<vmem>>) dst(%dma_wait3A_96 : memref<5184x128xf32, #tpu.memory_space<vmem_shared>>)
        tpu.yield
      }) : () -> ()
      %scan3A_84 = arith.constant 0 : i32
      scf.yield %scan3A_84 : i32
    }
    %scan3A_33 = arith.constant 79 : i32
    %barrier3A_34 = arith.constant 0 : index
    tpu.barrier barrier_id(%barrier3A_34)
    %eq3A = arith.constant 0 : i32
    %eq3A_35 = arith.cmpi eq, %arg0, %eq3A : i32
    %convert_element_type3A = arith.extui %eq3A_35 : i1 to i32
    %cond3A = arith.constant 0 : i32
    %cond3A_36 = arith.cmpi ne, %convert_element_type3A, %cond3A : i32
    scf.if %cond3A_36 {
      %mul3A_51 = arith.constant 320 : i32
      %mul3A_52 = arith.muli %arg1, %mul3A_51 : i32
      %mul3A_53 = arith.constant 320 : i32
      %mul3A_54 = arith.muli %arg1, %mul3A_53 : i32
      "tpu.region"() ({
        %run_scoped3A = tpu.sem_alloc : memref<!tpu.dma_semaphore, #tpu.memory_space<semaphore_mem>>
        %dma_start3A_55 = arith.constant 0 : i32
        %dma_start3A_56 = tpu.memref_slice %arg5[%mul3A_54, %dma_start3A_55] : memref<10000x128xf32, #tpu.memory_space<hbm>> -> memref<320x128xf32, #tpu.memory_space<hbm>>
        %dma_start3A_57 = arith.constant 0 : i32
        %dma_start3A_58 = tpu.memref_slice %arg9[%mul3A_52, %dma_start3A_57] : memref<5184x128xf32, #tpu.memory_space<vmem_shared>> -> memref<320x128xf32, #tpu.memory_space<vmem_shared>>
        tpu.enqueue_dma source(%dma_start3A_58 : memref<320x128xf32, #tpu.memory_space<vmem_shared>>) target(%dma_start3A_56 : memref<320x128xf32, #tpu.memory_space<hbm>>) target_semaphore(%run_scoped3A : memref<!tpu.dma_semaphore, #tpu.memory_space<semaphore_mem>>)
        %dma_wait3A = arith.constant 0 : i32
        %dma_wait3A_59 = tpu.memref_slice %arg5[%mul3A_54, %dma_wait3A] : memref<10000x128xf32, #tpu.memory_space<hbm>> -> memref<320x128xf32, #tpu.memory_space<hbm>>
        %dma_wait3A_60 = arith.constant 0 : i32
        %dma_wait3A_61 = tpu.memref_slice %arg9[%mul3A_52, %dma_wait3A_60] : memref<5184x128xf32, #tpu.memory_space<vmem_shared>> -> memref<320x128xf32, #tpu.memory_space<vmem_shared>>
        tpu.wait_dma2 semaphore(%run_scoped3A : memref<!tpu.dma_semaphore, #tpu.memory_space<semaphore_mem>>) src(%dma_wait3A_61 : memref<320x128xf32, #tpu.memory_space<vmem_shared>>) dst(%dma_wait3A_59 : memref<320x128xf32, #tpu.memory_space<hbm>>)
        tpu.yield
      }) : () -> ()
    } else {
    }
    %eq3A_37 = arith.constant 1 : i32
    %eq3A_38 = arith.cmpi eq, %arg0, %eq3A_37 : i32
    %lt3A = arith.constant 12 : i32
    %lt3A_39 = arith.cmpi slt, %arg1, %lt3A : i32
    %and3A = arith.andi %eq3A_38, %lt3A_39 : i1
    %convert_element_type3A_40 = arith.extui %and3A : i1 to i32
    %cond3A_41 = arith.constant 0 : i32
    %cond3A_42 = arith.cmpi ne, %convert_element_type3A_40, %cond3A_41 : i32
    scf.if %cond3A_42 {
      %mul3A_51 = arith.constant 400 : i32
      %mul3A_52 = arith.muli %arg1, %mul3A_51 : i32
      %mul3A_53 = arith.constant 400 : i32
      %mul3A_54 = arith.muli %arg1, %mul3A_53 : i32
      %add3A = arith.constant 5120 : i32
      %add3A_55 = arith.addi %add3A, %mul3A_54 : i32
      "tpu.region"() ({
        %run_scoped3A = tpu.sem_alloc : memref<!tpu.dma_semaphore, #tpu.memory_space<semaphore_mem>>
        %dma_start3A_56 = arith.constant 0 : i32
        %dma_start3A_57 = tpu.memref_slice %arg5[%add3A_55, %dma_start3A_56] : memref<10000x128xf32, #tpu.memory_space<hbm>> -> memref<400x128xf32, #tpu.memory_space<hbm>>
        %dma_start3A_58 = arith.constant 0 : i32
        %dma_start3A_59 = tpu.memref_slice %arg9[%mul3A_52, %dma_start3A_58] : memref<5184x128xf32, #tpu.memory_space<vmem_shared>> -> memref<400x128xf32, #tpu.memory_space<vmem_shared>>
        tpu.enqueue_dma source(%dma_start3A_59 : memref<400x128xf32, #tpu.memory_space<vmem_shared>>) target(%dma_start3A_57 : memref<400x128xf32, #tpu.memory_space<hbm>>) target_semaphore(%run_scoped3A : memref<!tpu.dma_semaphore, #tpu.memory_space<semaphore_mem>>)
        %dma_wait3A = arith.constant 0 : i32
        %dma_wait3A_60 = tpu.memref_slice %arg5[%add3A_55, %dma_wait3A] : memref<10000x128xf32, #tpu.memory_space<hbm>> -> memref<400x128xf32, #tpu.memory_space<hbm>>
        %dma_wait3A_61 = arith.constant 0 : i32
        %dma_wait3A_62 = tpu.memref_slice %arg9[%mul3A_52, %dma_wait3A_61] : memref<5184x128xf32, #tpu.memory_space<vmem_shared>> -> memref<400x128xf32, #tpu.memory_space<vmem_shared>>
        tpu.wait_dma2 semaphore(%run_scoped3A : memref<!tpu.dma_semaphore, #tpu.memory_space<semaphore_mem>>) src(%dma_wait3A_62 : memref<400x128xf32, #tpu.memory_space<vmem_shared>>) dst(%dma_wait3A_60 : memref<400x128xf32, #tpu.memory_space<hbm>>)
        tpu.yield
      }) : () -> ()
    } else {
    }
    %eq3A_43 = arith.constant 1 : i32
    %eq3A_44 = arith.cmpi eq, %arg0, %eq3A_43 : i32
    %eq3A_45 = arith.constant 12 : i32
    %eq3A_46 = arith.cmpi eq, %arg1, %eq3A_45 : i32
    %and3A_47 = arith.andi %eq3A_44, %eq3A_46 : i1
    %convert_element_type3A_48 = arith.extui %and3A_47 : i1 to i32
    %cond3A_49 = arith.constant 0 : i32
    %cond3A_50 = arith.cmpi ne, %convert_element_type3A_48, %cond3A_49 : i32
    scf.if %cond3A_50 {
      "tpu.region"() ({
        %run_scoped3A = tpu.sem_alloc : memref<!tpu.dma_semaphore, #tpu.memory_space<semaphore_mem>>
        %dma_start3A_51 = arith.constant 9920 : i32
        %dma_start3A_52 = arith.constant 0 : i32
        %dma_start3A_53 = tpu.memref_slice %arg5[%dma_start3A_51, %dma_start3A_52] : memref<10000x128xf32, #tpu.memory_space<hbm>> -> memref<80x128xf32, #tpu.memory_space<hbm>>
        %dma_start3A_54 = arith.constant 4800 : i32
        %dma_start3A_55 = arith.constant 0 : i32
        %dma_start3A_56 = tpu.memref_slice %arg9[%dma_start3A_54, %dma_start3A_55] : memref<5184x128xf32, #tpu.memory_space<vmem_shared>> -> memref<80x128xf32, #tpu.memory_space<vmem_shared>>
        tpu.enqueue_dma source(%dma_start3A_56 : memref<80x128xf32, #tpu.memory_space<vmem_shared>>) target(%dma_start3A_53 : memref<80x128xf32, #tpu.memory_space<hbm>>) target_semaphore(%run_scoped3A : memref<!tpu.dma_semaphore, #tpu.memory_space<semaphore_mem>>)
        %dma_wait3A = arith.constant 9920 : i32
        %dma_wait3A_57 = arith.constant 0 : i32
        %dma_wait3A_58 = tpu.memref_slice %arg5[%dma_wait3A, %dma_wait3A_57] : memref<10000x128xf32, #tpu.memory_space<hbm>> -> memref<80x128xf32, #tpu.memory_space<hbm>>
        %dma_wait3A_59 = arith.constant 4800 : i32
        %dma_wait3A_60 = arith.constant 0 : i32
        %dma_wait3A_61 = tpu.memref_slice %arg9[%dma_wait3A_59, %dma_wait3A_60] : memref<5184x128xf32, #tpu.memory_space<vmem_shared>> -> memref<80x128xf32, #tpu.memory_space<vmem_shared>>
        tpu.wait_dma2 semaphore(%run_scoped3A : memref<!tpu.dma_semaphore, #tpu.memory_space<semaphore_mem>>) src(%dma_wait3A_61 : memref<80x128xf32, #tpu.memory_space<vmem_shared>>) dst(%dma_wait3A_58 : memref<80x128xf32, #tpu.memory_space<hbm>>)
        tpu.yield
      }) : () -> ()
    } else {
    }
    return
  }
}

#map = affine_map<(d0, d1) -> (0, 0, 0)>
#map1 = affine_map<(d0, d1) -> (0, 0)>
module attributes {stable_mosaic.version = 14 : i64} {
  func.func @prop_kernel(%arg0: i32, %arg1: i32, %arg2: memref<16x158x128xi32, #tpu.memory_space<hbm>>, %arg3: memref<16x158x128xi32, #tpu.memory_space<hbm>>, %arg4: memref<10000x128xf32, #tpu.memory_space<hbm>>, %arg5: memref<10000x128xf32, #tpu.memory_space<hbm>>, %arg6: memref<158x128xi32, #tpu.memory_space<vmem>>, %arg7: memref<158x128xi32, #tpu.memory_space<vmem>>, %arg8: memref<40x128xf32, #tpu.memory_space<vmem>>, %arg9: memref<5184x128xf32, #tpu.memory_space<vmem_shared>>, %arg10: memref<128x128xf32, #tpu.memory_space<vmem>>, %arg11: memref<128x128xf32, #tpu.memory_space<vmem>>, %arg12: memref<!tpu.dma_semaphore, #tpu.memory_space<semaphore_mem>>, %arg13: memref<!tpu.dma_semaphore, #tpu.memory_space<semaphore_mem>>) attributes {dimension_semantics = [#tpu.dimension_semantics<core_parallel>, #tpu.dimension_semantics<subcore_parallel>], iteration_bounds = array<i64: 2, 16>, scalar_prefetch = 0 : i64, scratch_operands = 8 : i64, tpu.core_type = #tpu.core_type<sc_vector_subcore>, window_params = [{transform_indices = #map}, {transform_indices = #map}, {transform_indices = #map1}, {transform_indices = #map1}]} {
    %scan3A = arith.constant 0 : i32
    %scan3A_0 = arith.constant 0 : i32
    %scan3A_1 = arith.constant 320 : i32
    %scan3A_2 = arith.addi %scan3A_0, %scan3A_1 : i32
    %scan3A_3 = arith.constant 1 : i32
    %scan3A_4 = scf.for %scan3A_51 = %scan3A_0 to %scan3A_2 step %scan3A_3 iter_args(%scan3A_52 = %scan3A) -> (i32)  : i32 {
      %broadcast_in_dim3A = arith.constant 0.000000e+00 : f32
      %broadcast_in_dim3A_53 = vector.broadcast %broadcast_in_dim3A : f32 to vector<16xf32>
      %jit3A = arith.constant 8 : i32
      %div3A = arith.divsi %scan3A_51, %jit3A : i32
      %sign3A = arith.constant 0 : i32
      %sign3A_54 = arith.cmpi sgt, %scan3A_51, %sign3A : i32
      %sign3A_55 = arith.extui %sign3A_54 : i1 to i32
      %sign3A_56 = arith.constant 0 : i32
      %sign3A_57 = arith.cmpi slt, %scan3A_51, %sign3A_56 : i32
      %sign3A_58 = arith.extui %sign3A_57 : i1 to i32
      %sign3A_59 = arith.subi %sign3A_55, %sign3A_58 : i32
      %sign3A_60 = arith.constant 0 : i32
      %sign3A_61 = arith.cmpi sgt, %jit3A, %sign3A_60 : i32
      %sign3A_62 = arith.extui %sign3A_61 : i1 to i32
      %sign3A_63 = arith.constant 0 : i32
      %sign3A_64 = arith.cmpi slt, %jit3A, %sign3A_63 : i32
      %sign3A_65 = arith.extui %sign3A_64 : i1 to i32
      %sign3A_66 = arith.subi %sign3A_62, %sign3A_65 : i32
      %ne3A = arith.cmpi ne, %sign3A_59, %sign3A_66 : i32
      %rem3A = arith.remsi %scan3A_51, %jit3A : i32
      %ne3A_67 = arith.constant 0 : i32
      %ne3A_68 = arith.cmpi ne, %rem3A, %ne3A_67 : i32
      %and3A_69 = arith.andi %ne3A, %ne3A_68 : i1
      %sub3A = arith.constant 1 : i32
      %sub3A_70 = arith.subi %div3A, %sub3A : i32
      %select_n3A = arith.select %and3A_69, %sub3A_70, %div3A : i32
      %jit3A_71 = arith.constant 8 : i32
      %eq3A_72 = arith.constant 0 : i32
      %eq3A_73 = arith.cmpi eq, %jit3A_71, %eq3A_72 : i32
      %jit3A_74 = arith.constant 1 : i32
      %select_n3A_75 = arith.select %eq3A_73, %jit3A_74, %jit3A_71 : i32
      %rem3A_76 = arith.remsi %scan3A_51, %select_n3A_75 : i32
      %ne3A_77 = arith.constant 0 : i32
      %ne3A_78 = arith.cmpi ne, %rem3A_76, %ne3A_77 : i32
      %lt3A_79 = arith.constant 0 : i32
      %lt3A_80 = arith.cmpi slt, %rem3A_76, %lt3A_79 : i32
      %lt3A_81 = arith.constant 0 : i32
      %lt3A_82 = arith.cmpi slt, %select_n3A_75, %lt3A_81 : i32
      %ne3A_83 = arith.xori %lt3A_80, %lt3A_82 : i1
      %and3A_84 = arith.andi %ne3A_83, %ne3A_78 : i1
      %add3A = arith.addi %rem3A_76, %select_n3A_75 : i32
      %select_n3A_85 = arith.select %and3A_84, %add3A, %rem3A_76 : i32
      %mul3A_86 = arith.constant 16 : i32
      %mul3A_87 = arith.muli %select_n3A_85, %mul3A_86 : i32
      %swap3A = arith.index_cast %select_n3A : i32 to index
      %swap3A_88 = arith.index_cast %mul3A_87 : i32 to index
      %swap3A_89 = tpu.vector_load %arg8[%swap3A, %swap3A_88] {strides = array<i32>} : memref<40x128xf32, #tpu.memory_space<vmem>>, vector<1x16xf32>,
      %swap3A_90 = vector.shape_cast %swap3A_89 : vector<1x16xf32> to vector<16xf32>
      %swap3A_91 = vector.shape_cast %broadcast_in_dim3A_53 : vector<16xf32> to vector<1x16xf32>
      tpu.vector_store %arg8[%swap3A, %swap3A_88], %swap3A_91 {strides = array<i32>} : memref<40x128xf32, #tpu.memory_space<vmem>>, vector<1x16xf32>,
      %scan3A_92 = arith.constant 0 : i32
      scf.yield %scan3A_92 : i32
    }
    %scan3A_5 = arith.constant 320 : i32
    %scan3A_6 = arith.constant 0 : i32
    %scan3A_7 = arith.constant 0 : i32
    %scan3A_8 = arith.constant 8 : i32
    %scan3A_9 = arith.addi %scan3A_7, %scan3A_8 : i32
    %scan3A_10 = arith.constant 1 : i32
    %scan3A_11 = scf.for %scan3A_51 = %scan3A_7 to %scan3A_9 step %scan3A_10 iter_args(%scan3A_52 = %scan3A_6) -> (i32)  : i32 {
      %mul3A_53 = arith.constant 8 : i32
      %mul3A_54 = arith.muli %arg1, %mul3A_53 : i32
      %mul3A_55 = arith.constant 40 : i32
      %mul3A_56 = arith.muli %mul3A_54, %mul3A_55 : i32
      %mul3A_57 = arith.constant 40 : i32
      %mul3A_58 = arith.muli %scan3A_51, %mul3A_57 : i32
      %add3A = arith.addi %mul3A_56, %mul3A_58 : i32
      "tpu.region"() ({
        %run_scoped3A = tpu.sem_alloc : memref<!tpu.dma_semaphore, #tpu.memory_space<semaphore_mem>>
        %dma_start3A_60 = arith.constant 0 : i32
        %dma_start3A_61 = tpu.memref_slice %arg9[%add3A, %dma_start3A_60] : memref<5184x128xf32, #tpu.memory_space<vmem_shared>> -> memref<40x128xf32, #tpu.memory_space<vmem_shared>>
        %dma_start3A_62 = arith.constant 0 : i32
        %dma_start3A_63 = tpu.memref_slice %arg9[%add3A, %dma_start3A_62] : memref<5184x128xf32, #tpu.memory_space<vmem_shared>> -> memref<40x128xf32, #tpu.memory_space<vmem_shared>>
        tpu.enqueue_dma source(%arg8 : memref<40x128xf32, #tpu.memory_space<vmem>>) target(%dma_start3A_63 : memref<40x128xf32, #tpu.memory_space<vmem_shared>>) target_semaphore(%run_scoped3A : memref<!tpu.dma_semaphore, #tpu.memory_space<semaphore_mem>>)
        %dma_wait3A = arith.constant 0 : i32
        %dma_wait3A_64 = tpu.memref_slice %arg9[%add3A, %dma_wait3A] : memref<5184x128xf32, #tpu.memory_space<vmem_shared>> -> memref<40x128xf32, #tpu.memory_space<vmem_shared>>
        %dma_wait3A_65 = arith.constant 0 : i32
        %dma_wait3A_66 = tpu.memref_slice %arg9[%add3A, %dma_wait3A_65] : memref<5184x128xf32, #tpu.memory_space<vmem_shared>> -> memref<40x128xf32, #tpu.memory_space<vmem_shared>>
        tpu.wait_dma2 semaphore(%run_scoped3A : memref<!tpu.dma_semaphore, #tpu.memory_space<semaphore_mem>>) src(%arg8 : memref<40x128xf32, #tpu.memory_space<vmem>>) dst(%dma_wait3A_66 : memref<40x128xf32, #tpu.memory_space<vmem_shared>>)
        tpu.yield
      }) : () -> ()
      %scan3A_59 = arith.constant 0 : i32
      scf.yield %scan3A_59 : i32
    }
    %scan3A_12 = arith.constant 8 : i32
    "tpu.region"() ({
      %run_scoped3A = tpu.sem_alloc : memref<!tpu.dma_semaphore, #tpu.memory_space<semaphore_mem>>
      %dma_start3A_51 = arith.constant 0 : i32
      %dma_start3A_52 = arith.constant 0 : i32
      %dma_start3A_53 = tpu.memref_slice %arg2[%arg1, %dma_start3A_51, %dma_start3A_52] : memref<16x158x128xi32, #tpu.memory_space<hbm>> -> memref<1x158x128xi32, #tpu.memory_space<hbm>>
      %dma_start3A_54 = tpu.memref_squeeze %dma_start3A_53 : memref<1x158x128xi32, #tpu.memory_space<hbm>> -> memref<158x128xi32, #tpu.memory_space<hbm>>
      %dma_start3A_55 = arith.constant 0 : i32
      %dma_start3A_56 = arith.constant 0 : i32
      %dma_start3A_57 = tpu.memref_slice %arg2[%arg1, %dma_start3A_55, %dma_start3A_56] : memref<16x158x128xi32, #tpu.memory_space<hbm>> -> memref<1x158x128xi32, #tpu.memory_space<hbm>>
      %dma_start3A_58 = tpu.memref_squeeze %dma_start3A_57 : memref<1x158x128xi32, #tpu.memory_space<hbm>> -> memref<158x128xi32, #tpu.memory_space<hbm>>
      tpu.enqueue_dma source(%dma_start3A_58 : memref<158x128xi32, #tpu.memory_space<hbm>>) target(%arg6 : memref<158x128xi32, #tpu.memory_space<vmem>>) target_semaphore(%run_scoped3A : memref<!tpu.dma_semaphore, #tpu.memory_space<semaphore_mem>>)
      %dma_wait3A = arith.constant 0 : i32
      %dma_wait3A_59 = arith.constant 0 : i32
      %dma_wait3A_60 = tpu.memref_slice %arg2[%arg1, %dma_wait3A, %dma_wait3A_59] : memref<16x158x128xi32, #tpu.memory_space<hbm>> -> memref<1x158x128xi32, #tpu.memory_space<hbm>>
      %dma_wait3A_61 = tpu.memref_squeeze %dma_wait3A_60 : memref<1x158x128xi32, #tpu.memory_space<hbm>> -> memref<158x128xi32, #tpu.memory_space<hbm>>
      %dma_wait3A_62 = arith.constant 0 : i32
      %dma_wait3A_63 = arith.constant 0 : i32
      %dma_wait3A_64 = tpu.memref_slice %arg2[%arg1, %dma_wait3A_62, %dma_wait3A_63] : memref<16x158x128xi32, #tpu.memory_space<hbm>> -> memref<1x158x128xi32, #tpu.memory_space<hbm>>
      %dma_wait3A_65 = tpu.memref_squeeze %dma_wait3A_64 : memref<1x158x128xi32, #tpu.memory_space<hbm>> -> memref<158x128xi32, #tpu.memory_space<hbm>>
      tpu.wait_dma2 semaphore(%run_scoped3A : memref<!tpu.dma_semaphore, #tpu.memory_space<semaphore_mem>>) src(%dma_wait3A_65 : memref<158x128xi32, #tpu.memory_space<hbm>>) dst(%arg6 : memref<158x128xi32, #tpu.memory_space<vmem>>)
      tpu.yield
    }) : () -> ()
    "tpu.region"() ({
      %run_scoped3A = tpu.sem_alloc : memref<!tpu.dma_semaphore, #tpu.memory_space<semaphore_mem>>
      %dma_start3A_51 = arith.constant 0 : i32
      %dma_start3A_52 = arith.constant 0 : i32
      %dma_start3A_53 = tpu.memref_slice %arg3[%arg1, %dma_start3A_51, %dma_start3A_52] : memref<16x158x128xi32, #tpu.memory_space<hbm>> -> memref<1x158x128xi32, #tpu.memory_space<hbm>>
      %dma_start3A_54 = tpu.memref_squeeze %dma_start3A_53 : memref<1x158x128xi32, #tpu.memory_space<hbm>> -> memref<158x128xi32, #tpu.memory_space<hbm>>
      %dma_start3A_55 = arith.constant 0 : i32
      %dma_start3A_56 = arith.constant 0 : i32
      %dma_start3A_57 = tpu.memref_slice %arg3[%arg1, %dma_start3A_55, %dma_start3A_56] : memref<16x158x128xi32, #tpu.memory_space<hbm>> -> memref<1x158x128xi32, #tpu.memory_space<hbm>>
      %dma_start3A_58 = tpu.memref_squeeze %dma_start3A_57 : memref<1x158x128xi32, #tpu.memory_space<hbm>> -> memref<158x128xi32, #tpu.memory_space<hbm>>
      tpu.enqueue_dma source(%dma_start3A_58 : memref<158x128xi32, #tpu.memory_space<hbm>>) target(%arg7 : memref<158x128xi32, #tpu.memory_space<vmem>>) target_semaphore(%run_scoped3A : memref<!tpu.dma_semaphore, #tpu.memory_space<semaphore_mem>>)
      %dma_wait3A = arith.constant 0 : i32
      %dma_wait3A_59 = arith.constant 0 : i32
      %dma_wait3A_60 = tpu.memref_slice %arg3[%arg1, %dma_wait3A, %dma_wait3A_59] : memref<16x158x128xi32, #tpu.memory_space<hbm>> -> memref<1x158x128xi32, #tpu.memory_space<hbm>>
      %dma_wait3A_61 = tpu.memref_squeeze %dma_wait3A_60 : memref<1x158x128xi32, #tpu.memory_space<hbm>> -> memref<158x128xi32, #tpu.memory_space<hbm>>
      %dma_wait3A_62 = arith.constant 0 : i32
      %dma_wait3A_63 = arith.constant 0 : i32
      %dma_wait3A_64 = tpu.memref_slice %arg3[%arg1, %dma_wait3A_62, %dma_wait3A_63] : memref<16x158x128xi32, #tpu.memory_space<hbm>> -> memref<1x158x128xi32, #tpu.memory_space<hbm>>
      %dma_wait3A_65 = tpu.memref_squeeze %dma_wait3A_64 : memref<1x158x128xi32, #tpu.memory_space<hbm>> -> memref<158x128xi32, #tpu.memory_space<hbm>>
      tpu.wait_dma2 semaphore(%run_scoped3A : memref<!tpu.dma_semaphore, #tpu.memory_space<semaphore_mem>>) src(%dma_wait3A_65 : memref<158x128xi32, #tpu.memory_space<hbm>>) dst(%arg7 : memref<158x128xi32, #tpu.memory_space<vmem>>)
      tpu.yield
    }) : () -> ()
    %mul3A = arith.constant 5120 : i32
    %mul3A_13 = arith.muli %arg0, %mul3A : i32
    %scan3A_14 = arith.constant 0 : i32
    %scan3A_15 = arith.constant 0 : i32
    %scan3A_16 = arith.constant 1264 : i32
    %scan3A_17 = arith.addi %scan3A_15, %scan3A_16 : i32
    %scan3A_18 = arith.constant 1 : i32
    %scan3A_19 = scf.for %scan3A_51 = %scan3A_15 to %scan3A_17 step %scan3A_18 iter_args(%scan3A_52 = %scan3A_14) -> (i32)  : i32 {
      %jit3A = arith.constant 8 : i32
      %div3A = arith.divsi %scan3A_51, %jit3A : i32
      %sign3A = arith.constant 0 : i32
      %sign3A_53 = arith.cmpi sgt, %scan3A_51, %sign3A : i32
      %sign3A_54 = arith.extui %sign3A_53 : i1 to i32
      %sign3A_55 = arith.constant 0 : i32
      %sign3A_56 = arith.cmpi slt, %scan3A_51, %sign3A_55 : i32
      %sign3A_57 = arith.extui %sign3A_56 : i1 to i32
      %sign3A_58 = arith.subi %sign3A_54, %sign3A_57 : i32
      %sign3A_59 = arith.constant 0 : i32
      %sign3A_60 = arith.cmpi sgt, %jit3A, %sign3A_59 : i32
      %sign3A_61 = arith.extui %sign3A_60 : i1 to i32
      %sign3A_62 = arith.constant 0 : i32
      %sign3A_63 = arith.cmpi slt, %jit3A, %sign3A_62 : i32
      %sign3A_64 = arith.extui %sign3A_63 : i1 to i32
      %sign3A_65 = arith.subi %sign3A_61, %sign3A_64 : i32
      %ne3A = arith.cmpi ne, %sign3A_58, %sign3A_65 : i32
      %rem3A = arith.remsi %scan3A_51, %jit3A : i32
      %ne3A_66 = arith.constant 0 : i32
      %ne3A_67 = arith.cmpi ne, %rem3A, %ne3A_66 : i32
      %and3A_68 = arith.andi %ne3A, %ne3A_67 : i1
      %sub3A = arith.constant 1 : i32
      %sub3A_69 = arith.subi %div3A, %sub3A : i32
      %select_n3A = arith.select %and3A_68, %sub3A_69, %div3A : i32
      %jit3A_70 = arith.constant 8 : i32
      %eq3A_71 = arith.constant 0 : i32
      %eq3A_72 = arith.cmpi eq, %jit3A_70, %eq3A_71 : i32
      %jit3A_73 = arith.constant 1 : i32
      %select_n3A_74 = arith.select %eq3A_72, %jit3A_73, %jit3A_70 : i32
      %rem3A_75 = arith.remsi %scan3A_51, %select_n3A_74 : i32
      %ne3A_76 = arith.constant 0 : i32
      %ne3A_77 = arith.cmpi ne, %rem3A_75, %ne3A_76 : i32
      %lt3A_78 = arith.constant 0 : i32
      %lt3A_79 = arith.cmpi slt, %rem3A_75, %lt3A_78 : i32
      %lt3A_80 = arith.constant 0 : i32
      %lt3A_81 = arith.cmpi slt, %select_n3A_74, %lt3A_80 : i32
      %ne3A_82 = arith.xori %lt3A_79, %lt3A_81 : i1
      %and3A_83 = arith.andi %ne3A_82, %ne3A_77 : i1
      %add3A = arith.addi %rem3A_75, %select_n3A_74 : i32
      %select_n3A_84 = arith.select %and3A_83, %add3A, %rem3A_75 : i32
      %mul3A_85 = arith.constant 16 : i32
      %mul3A_86 = arith.muli %select_n3A_84, %mul3A_85 : i32
      %get3A = arith.index_cast %select_n3A : i32 to index
      %get3A_87 = arith.index_cast %mul3A_86 : i32 to index
      %get3A_88 = tpu.vector_load %arg7[%get3A, %get3A_87] {strides = array<i32>} : memref<158x128xi32, #tpu.memory_space<vmem>>, vector<1x16xi32>,
      %get3A_89 = vector.shape_cast %get3A_88 : vector<1x16xi32> to vector<16xi32>
      %sub3A_90 = vector.broadcast %mul3A_13 : i32 to vector<16xi32>
      %sub3A_91 = arith.subi %get3A_89, %sub3A_90 : vector<16xi32>
      %ge3A = arith.constant 0 : i32
      %ge3A_92 = vector.broadcast %ge3A : i32 to vector<16xi32>
      %ge3A_93 = arith.cmpi sge, %sub3A_91, %ge3A_92 : vector<16xi32>
      %lt3A_94 = arith.constant 5128 : i32
      %lt3A_95 = vector.broadcast %lt3A_94 : i32 to vector<16xi32>
      %lt3A_96 = arith.cmpi slt, %sub3A_91, %lt3A_95 : vector<16xi32>
      %and3A_97 = arith.andi %ge3A_93, %lt3A_96 : vector<16xi1>
      %and3A_98 = arith.constant 63 : i32
      %and3A_99 = vector.broadcast %and3A_98 : i32 to vector<16xi32>
      %and3A_100 = arith.andi %sub3A_91, %and3A_99 : vector<16xi32>
      %add3A_101 = arith.constant 5120 : i32
      %add3A_102 = vector.broadcast %add3A_101 : i32 to vector<16xi32>
      %add3A_103 = arith.addi %add3A_102, %and3A_100 : vector<16xi32>
      %select_n3A_104 = arith.select %and3A_97, %sub3A_91, %add3A_103 : vector<16xi1>, vector<16xi32>
      %jit3A_105 = arith.constant 8 : i32
      %div3A_106 = arith.divsi %scan3A_51, %jit3A_105 : i32
      %sign3A_107 = arith.constant 0 : i32
      %sign3A_108 = arith.cmpi sgt, %scan3A_51, %sign3A_107 : i32
      %sign3A_109 = arith.extui %sign3A_108 : i1 to i32
      %sign3A_110 = arith.constant 0 : i32
      %sign3A_111 = arith.cmpi slt, %scan3A_51, %sign3A_110 : i32
      %sign3A_112 = arith.extui %sign3A_111 : i1 to i32
      %sign3A_113 = arith.subi %sign3A_109, %sign3A_112 : i32
      %sign3A_114 = arith.constant 0 : i32
      %sign3A_115 = arith.cmpi sgt, %jit3A_105, %sign3A_114 : i32
      %sign3A_116 = arith.extui %sign3A_115 : i1 to i32
      %sign3A_117 = arith.constant 0 : i32
      %sign3A_118 = arith.cmpi slt, %jit3A_105, %sign3A_117 : i32
      %sign3A_119 = arith.extui %sign3A_118 : i1 to i32
      %sign3A_120 = arith.subi %sign3A_116, %sign3A_119 : i32
      %ne3A_121 = arith.cmpi ne, %sign3A_113, %sign3A_120 : i32
      %rem3A_122 = arith.remsi %scan3A_51, %jit3A_105 : i32
      %ne3A_123 = arith.constant 0 : i32
      %ne3A_124 = arith.cmpi ne, %rem3A_122, %ne3A_123 : i32
      %and3A_125 = arith.andi %ne3A_121, %ne3A_124 : i1
      %sub3A_126 = arith.constant 1 : i32
      %sub3A_127 = arith.subi %div3A_106, %sub3A_126 : i32
      %select_n3A_128 = arith.select %and3A_125, %sub3A_127, %div3A_106 : i32
      %jit3A_129 = arith.constant 8 : i32
      %eq3A_130 = arith.constant 0 : i32
      %eq3A_131 = arith.cmpi eq, %jit3A_129, %eq3A_130 : i32
      %jit3A_132 = arith.constant 1 : i32
      %select_n3A_133 = arith.select %eq3A_131, %jit3A_132, %jit3A_129 : i32
      %rem3A_134 = arith.remsi %scan3A_51, %select_n3A_133 : i32
      %ne3A_135 = arith.constant 0 : i32
      %ne3A_136 = arith.cmpi ne, %rem3A_134, %ne3A_135 : i32
      %lt3A_137 = arith.constant 0 : i32
      %lt3A_138 = arith.cmpi slt, %rem3A_134, %lt3A_137 : i32
      %lt3A_139 = arith.constant 0 : i32
      %lt3A_140 = arith.cmpi slt, %select_n3A_133, %lt3A_139 : i32
      %ne3A_141 = arith.xori %lt3A_138, %lt3A_140 : i1
      %and3A_142 = arith.andi %ne3A_141, %ne3A_136 : i1
      %add3A_143 = arith.addi %rem3A_134, %select_n3A_133 : i32
      %select_n3A_144 = arith.select %and3A_142, %add3A_143, %rem3A_134 : i32
      %mul3A_145 = arith.constant 16 : i32
      %mul3A_146 = arith.muli %select_n3A_144, %mul3A_145 : i32
      %swap3A = arith.index_cast %select_n3A_128 : i32 to index
      %swap3A_147 = arith.index_cast %mul3A_146 : i32 to index
      %swap3A_148 = tpu.vector_load %arg7[%swap3A, %swap3A_147] {strides = array<i32>} : memref<158x128xi32, #tpu.memory_space<vmem>>, vector<1x16xi32>,
      %swap3A_149 = vector.shape_cast %swap3A_148 : vector<1x16xi32> to vector<16xi32>
      %swap3A_150 = vector.shape_cast %select_n3A_104 : vector<16xi32> to vector<1x16xi32>
      tpu.vector_store %arg7[%swap3A, %swap3A_147], %swap3A_150 {strides = array<i32>} : memref<158x128xi32, #tpu.memory_space<vmem>>, vector<1x16xi32>,
      %scan3A_151 = arith.constant 0 : i32
      scf.yield %scan3A_151 : i32
    }
    %scan3A_20 = arith.constant 1264 : i32
    %barrier3A = arith.constant 0 : index
    tpu.barrier barrier_id(%barrier3A)
    %dma_start3A = arith.constant 0 : i32
    %dma_start3A_21 = arith.constant 0 : i32
    %dma_start3A_22 = tpu.memref_slice %arg6[%dma_start3A, %dma_start3A_21] : memref<158x128xi32, #tpu.memory_space<vmem>> -> memref<1x128xi32, #tpu.memory_space<vmem>>
    %dma_start3A_23 = tpu.memref_squeeze %dma_start3A_22 : memref<1x128xi32, #tpu.memory_space<vmem>> -> memref<128xi32, #tpu.memory_space<vmem>>
    %dma_start3A_24 = arith.constant 0 : i32
    %dma_start3A_25 = arith.constant 0 : i32
    %dma_start3A_26 = tpu.memref_slice %arg4[%dma_start3A_24, %dma_start3A_25] : memref<10000x128xf32, #tpu.memory_space<hbm>> -> memref<10000x128xf32, #tpu.memory_space<hbm>>
    tpu.enqueue_indirect_dma source(%dma_start3A_26 : memref<10000x128xf32, #tpu.memory_space<hbm>>) target(%arg10 : memref<128x128xf32, #tpu.memory_space<vmem>>) offsets(%dma_start3A_23 : memref<128xi32, #tpu.memory_space<vmem>>) semaphore(%arg12 : memref<!tpu.dma_semaphore, #tpu.memory_space<semaphore_mem>>)
    %scan3A_27 = arith.constant 0 : i32
    %scan3A_28 = arith.constant 0 : i32
    %scan3A_29 = arith.constant 79 : i32
    %scan3A_30 = arith.addi %scan3A_28, %scan3A_29 : i32
    %scan3A_31 = arith.constant 1 : i32
    %scan3A_32 = scf.for %scan3A_51 = %scan3A_28 to %scan3A_30 step %scan3A_31 iter_args(%scan3A_52 = %scan3A_27) -> (i32)  : i32 {
      %mul3A_53 = arith.constant 2 : i32
      %mul3A_54 = arith.muli %scan3A_51, %mul3A_53 : i32
      %add3A = arith.constant 1 : i32
      %add3A_55 = arith.addi %mul3A_54, %add3A : i32
      %dma_start3A_56 = arith.constant 0 : i32
      %dma_start3A_57 = tpu.memref_slice %arg6[%add3A_55, %dma_start3A_56] : memref<158x128xi32, #tpu.memory_space<vmem>> -> memref<1x128xi32, #tpu.memory_space<vmem>>
      %dma_start3A_58 = tpu.memref_squeeze %dma_start3A_57 : memref<1x128xi32, #tpu.memory_space<vmem>> -> memref<128xi32, #tpu.memory_space<vmem>>
      %dma_start3A_59 = arith.constant 0 : i32
      %dma_start3A_60 = arith.constant 0 : i32
      %dma_start3A_61 = tpu.memref_slice %arg4[%dma_start3A_59, %dma_start3A_60] : memref<10000x128xf32, #tpu.memory_space<hbm>> -> memref<10000x128xf32, #tpu.memory_space<hbm>>
      tpu.enqueue_indirect_dma source(%dma_start3A_61 : memref<10000x128xf32, #tpu.memory_space<hbm>>) target(%arg11 : memref<128x128xf32, #tpu.memory_space<vmem>>) offsets(%dma_start3A_58 : memref<128xi32, #tpu.memory_space<vmem>>) semaphore(%arg13 : memref<!tpu.dma_semaphore, #tpu.memory_space<semaphore_mem>>)
      %dma_wait3A = arith.constant 0 : i32
      %dma_wait3A_62 = tpu.memref_slice %arg6[%mul3A_54, %dma_wait3A] : memref<158x128xi32, #tpu.memory_space<vmem>> -> memref<1x128xi32, #tpu.memory_space<vmem>>
      %dma_wait3A_63 = tpu.memref_squeeze %dma_wait3A_62 : memref<1x128xi32, #tpu.memory_space<vmem>> -> memref<128xi32, #tpu.memory_space<vmem>>
      %dma_wait3A_64 = arith.constant 0 : i32
      %dma_wait3A_65 = arith.constant 0 : i32
      %dma_wait3A_66 = tpu.memref_slice %arg4[%dma_wait3A_64, %dma_wait3A_65] : memref<10000x128xf32, #tpu.memory_space<hbm>> -> memref<10000x128xf32, #tpu.memory_space<hbm>>
      tpu.wait_indirect_dma semaphore(%arg12 : memref<!tpu.dma_semaphore, #tpu.memory_space<semaphore_mem>>) src(%dma_wait3A_66 : memref<10000x128xf32, #tpu.memory_space<hbm>>) dst(%arg10 : memref<128x128xf32, #tpu.memory_space<vmem>>)
      "tpu.region"() ({
        %run_scoped3A = tpu.sem_alloc : memref<!tpu.dma_semaphore, #tpu.memory_space<semaphore_mem>>
        %dma_start3A_85 = arith.constant 0 : i32
        %dma_start3A_86 = tpu.memref_slice %arg7[%mul3A_54, %dma_start3A_85] : memref<158x128xi32, #tpu.memory_space<vmem>> -> memref<1x128xi32, #tpu.memory_space<vmem>>
        %dma_start3A_87 = tpu.memref_squeeze %dma_start3A_86 : memref<1x128xi32, #tpu.memory_space<vmem>> -> memref<128xi32, #tpu.memory_space<vmem>>
        %dma_start3A_88 = arith.constant 0 : i32
        %dma_start3A_89 = arith.constant 0 : i32
        %dma_start3A_90 = tpu.memref_slice %arg9[%dma_start3A_88, %dma_start3A_89] : memref<5184x128xf32, #tpu.memory_space<vmem_shared>> -> memref<5184x128xf32, #tpu.memory_space<vmem_shared>>
        tpu.enqueue_indirect_dma source(%arg10 : memref<128x128xf32, #tpu.memory_space<vmem>>) target(%dma_start3A_90 : memref<5184x128xf32, #tpu.memory_space<vmem_shared>>) offsets(%dma_start3A_87 : memref<128xi32, #tpu.memory_space<vmem>>) semaphore(%run_scoped3A : memref<!tpu.dma_semaphore, #tpu.memory_space<semaphore_mem>>) {add = true}
        %dma_wait3A_91 = arith.constant 0 : i32
        %dma_wait3A_92 = tpu.memref_slice %arg7[%mul3A_54, %dma_wait3A_91] : memref<158x128xi32, #tpu.memory_space<vmem>> -> memref<1x128xi32, #tpu.memory_space<vmem>>
        %dma_wait3A_93 = tpu.memref_squeeze %dma_wait3A_92 : memref<1x128xi32, #tpu.memory_space<vmem>> -> memref<128xi32, #tpu.memory_space<vmem>>
        %dma_wait3A_94 = arith.constant 0 : i32
        %dma_wait3A_95 = arith.constant 0 : i32
        %dma_wait3A_96 = tpu.memref_slice %arg9[%dma_wait3A_94, %dma_wait3A_95] : memref<5184x128xf32, #tpu.memory_space<vmem_shared>> -> memref<5184x128xf32, #tpu.memory_space<vmem_shared>>
        tpu.wait_indirect_dma semaphore(%run_scoped3A : memref<!tpu.dma_semaphore, #tpu.memory_space<semaphore_mem>>) src(%arg10 : memref<128x128xf32, #tpu.memory_space<vmem>>) dst(%dma_wait3A_96 : memref<5184x128xf32, #tpu.memory_space<vmem_shared>>)
        tpu.yield
      }) : () -> ()
      %add3A_67 = arith.constant 2 : i32
      %add3A_68 = arith.addi %mul3A_54, %add3A_67 : i32
      %lt3A_69 = arith.constant 158 : i32
      %lt3A_70 = arith.cmpi slt, %add3A_68, %lt3A_69 : i32
      %convert_element_type3A_71 = arith.extui %lt3A_70 : i1 to i32
      %cond3A_72 = arith.constant 0 : i32
      %cond3A_73 = arith.cmpi ne, %convert_element_type3A_71, %cond3A_72 : i32
      scf.if %cond3A_73 {
        %add3A_85 = arith.constant 2 : i32
        %add3A_86 = arith.addi %mul3A_54, %add3A_85 : i32
        %dma_start3A_87 = arith.constant 0 : i32
        %dma_start3A_88 = tpu.memref_slice %arg6[%add3A_86, %dma_start3A_87] : memref<158x128xi32, #tpu.memory_space<vmem>> -> memref<1x128xi32, #tpu.memory_space<vmem>>
        %dma_start3A_89 = tpu.memref_squeeze %dma_start3A_88 : memref<1x128xi32, #tpu.memory_space<vmem>> -> memref<128xi32, #tpu.memory_space<vmem>>
        %dma_start3A_90 = arith.constant 0 : i32
        %dma_start3A_91 = arith.constant 0 : i32
        %dma_start3A_92 = tpu.memref_slice %arg4[%dma_start3A_90, %dma_start3A_91] : memref<10000x128xf32, #tpu.memory_space<hbm>> -> memref<10000x128xf32, #tpu.memory_space<hbm>>
        tpu.enqueue_indirect_dma source(%dma_start3A_92 : memref<10000x128xf32, #tpu.memory_space<hbm>>) target(%arg10 : memref<128x128xf32, #tpu.memory_space<vmem>>) offsets(%dma_start3A_89 : memref<128xi32, #tpu.memory_space<vmem>>) semaphore(%arg12 : memref<!tpu.dma_semaphore, #tpu.memory_space<semaphore_mem>>)
      } else {
      }
      %add3A_74 = arith.constant 1 : i32
      %add3A_75 = arith.addi %mul3A_54, %add3A_74 : i32
      %dma_wait3A_76 = arith.constant 0 : i32
      %dma_wait3A_77 = tpu.memref_slice %arg6[%add3A_75, %dma_wait3A_76] : memref<158x128xi32, #tpu.memory_space<vmem>> -> memref<1x128xi32, #tpu.memory_space<vmem>>
      %dma_wait3A_78 = tpu.memref_squeeze %dma_wait3A_77 : memref<1x128xi32, #tpu.memory_space<vmem>> -> memref<128xi32, #tpu.memory_space<vmem>>
      %dma_wait3A_79 = arith.constant 0 : i32
      %dma_wait3A_80 = arith.constant 0 : i32
      %dma_wait3A_81 = tpu.memref_slice %arg4[%dma_wait3A_79, %dma_wait3A_80] : memref<10000x128xf32, #tpu.memory_space<hbm>> -> memref<10000x128xf32, #tpu.memory_space<hbm>>
      tpu.wait_indirect_dma semaphore(%arg13 : memref<!tpu.dma_semaphore, #tpu.memory_space<semaphore_mem>>) src(%dma_wait3A_81 : memref<10000x128xf32, #tpu.memory_space<hbm>>) dst(%arg11 : memref<128x128xf32, #tpu.memory_space<vmem>>)
      %add3A_82 = arith.constant 1 : i32
      %add3A_83 = arith.addi %mul3A_54, %add3A_82 : i32
      "tpu.region"() ({
        %run_scoped3A = tpu.sem_alloc : memref<!tpu.dma_semaphore, #tpu.memory_space<semaphore_mem>>
        %dma_start3A_85 = arith.constant 0 : i32
        %dma_start3A_86 = tpu.memref_slice %arg7[%add3A_83, %dma_start3A_85] : memref<158x128xi32, #tpu.memory_space<vmem>> -> memref<1x128xi32, #tpu.memory_space<vmem>>
        %dma_start3A_87 = tpu.memref_squeeze %dma_start3A_86 : memref<1x128xi32, #tpu.memory_space<vmem>> -> memref<128xi32, #tpu.memory_space<vmem>>
        %dma_start3A_88 = arith.constant 0 : i32
        %dma_start3A_89 = arith.constant 0 : i32
        %dma_start3A_90 = tpu.memref_slice %arg9[%dma_start3A_88, %dma_start3A_89] : memref<5184x128xf32, #tpu.memory_space<vmem_shared>> -> memref<5184x128xf32, #tpu.memory_space<vmem_shared>>
        tpu.enqueue_indirect_dma source(%arg11 : memref<128x128xf32, #tpu.memory_space<vmem>>) target(%dma_start3A_90 : memref<5184x128xf32, #tpu.memory_space<vmem_shared>>) offsets(%dma_start3A_87 : memref<128xi32, #tpu.memory_space<vmem>>) semaphore(%run_scoped3A : memref<!tpu.dma_semaphore, #tpu.memory_space<semaphore_mem>>) {add = true}
        %dma_wait3A_91 = arith.constant 0 : i32
        %dma_wait3A_92 = tpu.memref_slice %arg7[%add3A_83, %dma_wait3A_91] : memref<158x128xi32, #tpu.memory_space<vmem>> -> memref<1x128xi32, #tpu.memory_space<vmem>>
        %dma_wait3A_93 = tpu.memref_squeeze %dma_wait3A_92 : memref<1x128xi32, #tpu.memory_space<vmem>> -> memref<128xi32, #tpu.memory_space<vmem>>
        %dma_wait3A_94 = arith.constant 0 : i32
        %dma_wait3A_95 = arith.constant 0 : i32
        %dma_wait3A_96 = tpu.memref_slice %arg9[%dma_wait3A_94, %dma_wait3A_95] : memref<5184x128xf32, #tpu.memory_space<vmem_shared>> -> memref<5184x128xf32, #tpu.memory_space<vmem_shared>>
        tpu.wait_indirect_dma semaphore(%run_scoped3A : memref<!tpu.dma_semaphore, #tpu.memory_space<semaphore_mem>>) src(%arg11 : memref<128x128xf32, #tpu.memory_space<vmem>>) dst(%dma_wait3A_96 : memref<5184x128xf32, #tpu.memory_space<vmem_shared>>)
        tpu.yield
      }) : () -> ()
      %scan3A_84 = arith.constant 0 : i32
      scf.yield %scan3A_84 : i32
    }
    %scan3A_33 = arith.constant 79 : i32
    %barrier3A_34 = arith.constant 0 : index
    tpu.barrier barrier_id(%barrier3A_34)
    %eq3A = arith.constant 0 : i32
    %eq3A_35 = arith.cmpi eq, %arg0, %eq3A : i32
    %convert_element_type3A = arith.extui %eq3A_35 : i1 to i32
    %cond3A = arith.constant 0 : i32
    %cond3A_36 = arith.cmpi ne, %convert_element_type3A, %cond3A : i32
    scf.if %cond3A_36 {
      %mul3A_51 = arith.constant 320 : i32
      %mul3A_52 = arith.muli %arg1, %mul3A_51 : i32
      %mul3A_53 = arith.constant 320 : i32
      %mul3A_54 = arith.muli %arg1, %mul3A_53 : i32
      "tpu.region"() ({
        %run_scoped3A = tpu.sem_alloc : memref<!tpu.dma_semaphore, #tpu.memory_space<semaphore_mem>>
        %dma_start3A_55 = arith.constant 0 : i32
        %dma_start3A_56 = tpu.memref_slice %arg5[%mul3A_54, %dma_start3A_55] : memref<10000x128xf32, #tpu.memory_space<hbm>> -> memref<320x128xf32, #tpu.memory_space<hbm>>
        %dma_start3A_57 = arith.constant 0 : i32
        %dma_start3A_58 = tpu.memref_slice %arg9[%mul3A_52, %dma_start3A_57] : memref<5184x128xf32, #tpu.memory_space<vmem_shared>> -> memref<320x128xf32, #tpu.memory_space<vmem_shared>>
        tpu.enqueue_dma source(%dma_start3A_58 : memref<320x128xf32, #tpu.memory_space<vmem_shared>>) target(%dma_start3A_56 : memref<320x128xf32, #tpu.memory_space<hbm>>) target_semaphore(%run_scoped3A : memref<!tpu.dma_semaphore, #tpu.memory_space<semaphore_mem>>)
        %dma_wait3A = arith.constant 0 : i32
        %dma_wait3A_59 = tpu.memref_slice %arg5[%mul3A_54, %dma_wait3A] : memref<10000x128xf32, #tpu.memory_space<hbm>> -> memref<320x128xf32, #tpu.memory_space<hbm>>
        %dma_wait3A_60 = arith.constant 0 : i32
        %dma_wait3A_61 = tpu.memref_slice %arg9[%mul3A_52, %dma_wait3A_60] : memref<5184x128xf32, #tpu.memory_space<vmem_shared>> -> memref<320x128xf32, #tpu.memory_space<vmem_shared>>
        tpu.wait_dma2 semaphore(%run_scoped3A : memref<!tpu.dma_semaphore, #tpu.memory_space<semaphore_mem>>) src(%dma_wait3A_61 : memref<320x128xf32, #tpu.memory_space<vmem_shared>>) dst(%dma_wait3A_59 : memref<320x128xf32, #tpu.memory_space<hbm>>)
        tpu.yield
      }) : () -> ()
    } else {
    }
    %eq3A_37 = arith.constant 1 : i32
    %eq3A_38 = arith.cmpi eq, %arg0, %eq3A_37 : i32
    %lt3A = arith.constant 12 : i32
    %lt3A_39 = arith.cmpi slt, %arg1, %lt3A : i32
    %and3A = arith.andi %eq3A_38, %lt3A_39 : i1
    %convert_element_type3A_40 = arith.extui %and3A : i1 to i32
    %cond3A_41 = arith.constant 0 : i32
    %cond3A_42 = arith.cmpi ne, %convert_element_type3A_40, %cond3A_41 : i32
    scf.if %cond3A_42 {
      %mul3A_51 = arith.constant 400 : i32
      %mul3A_52 = arith.muli %arg1, %mul3A_51 : i32
      %mul3A_53 = arith.constant 400 : i32
      %mul3A_54 = arith.muli %arg1, %mul3A_53 : i32
      %add3A = arith.constant 5120 : i32
      %add3A_55 = arith.addi %add3A, %mul3A_54 : i32
      "tpu.region"() ({
        %run_scoped3A = tpu.sem_alloc : memref<!tpu.dma_semaphore, #tpu.memory_space<semaphore_mem>>
        %dma_start3A_56 = arith.constant 0 : i32
        %dma_start3A_57 = tpu.memref_slice %arg5[%add3A_55, %dma_start3A_56] : memref<10000x128xf32, #tpu.memory_space<hbm>> -> memref<400x128xf32, #tpu.memory_space<hbm>>
        %dma_start3A_58 = arith.constant 0 : i32
        %dma_start3A_59 = tpu.memref_slice %arg9[%mul3A_52, %dma_start3A_58] : memref<5184x128xf32, #tpu.memory_space<vmem_shared>> -> memref<400x128xf32, #tpu.memory_space<vmem_shared>>
        tpu.enqueue_dma source(%dma_start3A_59 : memref<400x128xf32, #tpu.memory_space<vmem_shared>>) target(%dma_start3A_57 : memref<400x128xf32, #tpu.memory_space<hbm>>) target_semaphore(%run_scoped3A : memref<!tpu.dma_semaphore, #tpu.memory_space<semaphore_mem>>)
        %dma_wait3A = arith.constant 0 : i32
        %dma_wait3A_60 = tpu.memref_slice %arg5[%add3A_55, %dma_wait3A] : memref<10000x128xf32, #tpu.memory_space<hbm>> -> memref<400x128xf32, #tpu.memory_space<hbm>>
        %dma_wait3A_61 = arith.constant 0 : i32
        %dma_wait3A_62 = tpu.memref_slice %arg9[%mul3A_52, %dma_wait3A_61] : memref<5184x128xf32, #tpu.memory_space<vmem_shared>> -> memref<400x128xf32, #tpu.memory_space<vmem_shared>>
        tpu.wait_dma2 semaphore(%run_scoped3A : memref<!tpu.dma_semaphore, #tpu.memory_space<semaphore_mem>>) src(%dma_wait3A_62 : memref<400x128xf32, #tpu.memory_space<vmem_shared>>) dst(%dma_wait3A_60 : memref<400x128xf32, #tpu.memory_space<hbm>>)
        tpu.yield
      }) : () -> ()
    } else {
    }
    %eq3A_43 = arith.constant 1 : i32
    %eq3A_44 = arith.cmpi eq, %arg0, %eq3A_43 : i32
    %eq3A_45 = arith.constant 12 : i32
    %eq3A_46 = arith.cmpi eq, %arg1, %eq3A_45 : i32
    %and3A_47 = arith.andi %eq3A_44, %eq3A_46 : i1
    %convert_element_type3A_48 = arith.extui %and3A_47 : i1 to i32
    %cond3A_49 = arith.constant 0 : i32
    %cond3A_50 = arith.cmpi ne, %convert_element_type3A_48, %cond3A_49 : i32
    scf.if %cond3A_50 {
      "tpu.region"() ({
        %run_scoped3A = tpu.sem_alloc : memref<!tpu.dma_semaphore, #tpu.memory_space<semaphore_mem>>
        %dma_start3A_51 = arith.constant 9920 : i32
        %dma_start3A_52 = arith.constant 0 : i32
        %dma_start3A_53 = tpu.memref_slice %arg5[%dma_start3A_51, %dma_start3A_52] : memref<10000x128xf32, #tpu.memory_space<hbm>> -> memref<80x128xf32, #tpu.memory_space<hbm>>
        %dma_start3A_54 = arith.constant 4800 : i32
        %dma_start3A_55 = arith.constant 0 : i32
        %dma_start3A_56 = tpu.memref_slice %arg9[%dma_start3A_54, %dma_start3A_55] : memref<5184x128xf32, #tpu.memory_space<vmem_shared>> -> memref<80x128xf32, #tpu.memory_space<vmem_shared>>
        tpu.enqueue_dma source(%dma_start3A_56 : memref<80x128xf32, #tpu.memory_space<vmem_shared>>) target(%dma_start3A_53 : memref<80x128xf32, #tpu.memory_space<hbm>>) target_semaphore(%run_scoped3A : memref<!tpu.dma_semaphore, #tpu.memory_space<semaphore_mem>>)
        %dma_wait3A = arith.constant 9920 : i32
        %dma_wait3A_57 = arith.constant 0 : i32
        %dma_wait3A_58 = tpu.memref_slice %arg5[%dma_wait3A, %dma_wait3A_57] : memref<10000x128xf32, #tpu.memory_space<hbm>> -> memref<80x128xf32, #tpu.memory_space<hbm>>
        %dma_wait3A_59 = arith.constant 4800 : i32
        %dma_wait3A_60 = arith.constant 0 : i32
        %dma_wait3A_61 = tpu.memref_slice %arg9[%dma_wait3A_59, %dma_wait3A_60] : memref<5184x128xf32, #tpu.memory_space<vmem_shared>> -> memref<80x128xf32, #tpu.memory_space<vmem_shared>>
        tpu.wait_dma2 semaphore(%run_scoped3A : memref<!tpu.dma_semaphore, #tpu.memory_space<semaphore_mem>>) src(%dma_wait3A_61 : memref<80x128xf32, #tpu.memory_space<vmem_shared>>) dst(%dma_wait3A_58 : memref<80x128xf32, #tpu.memory_space<hbm>>)
        tpu.yield
      }) : () -> ()
    } else {
    }
    return
  }
}

module attributes {stable_mosaic.version = 14 : i64} {
  func.func @body(%arg0: i32, %arg1: memref<1000x1xf32, #tpu.memory_space<vmem>>, %arg2: memref<1000x128xf32, #tpu.memory_space<vmem>>, %arg3: memref<128x64xf32, #tpu.memory_space<vmem>>, %arg4: memref<1000x1xf32, #tpu.memory_space<vmem>>, %arg5: memref<1000x128xf32, #tpu.memory_space<vmem>>) attributes {dimension_semantics = [#tpu.dimension_semantics<arbitrary>], iteration_bounds = array<i64: 10>, scalar_prefetch = 0 : i64, scratch_operands = 0 : i64, tpu.core_type = #tpu.core_type<tc>, window_params = [{transform_indices = @transform_0, window_bounds = array<i64: 1000, 1>}, {transform_indices = @transform_1, window_bounds = array<i64: 1000, 128>}, {pipeline_mode = #tpu.pipeline_mode<synchronous>, transform_indices = @transform_2, window_bounds = array<i64: 128, 64>}, {transform_indices = @transform_3, window_bounds = array<i64: 1000, 1>}, {transform_indices = @transform_4, window_bounds = array<i64: 1000, 128>}]} {
    %get3A = arith.constant 0 : index
    %get3A_0 = arith.constant 0 : index
    %get3A_1 = vector.load %arg1[%get3A, %get3A_0] : memref<1000x1xf32, #tpu.memory_space<vmem>>, vector<1000x1xf32>
    %add3A = arith.constant 1.000000e+00 : f32
    %add3A_2 = vector.broadcast %add3A : f32 to vector<1000x1xf32>
    %add3A_3 = arith.addf %get3A_1, %add3A_2 : vector<1000x1xf32>
    %rsqrt3A = math.rsqrt %add3A_3 : vector<1000x1xf32>
    %get3A_4 = arith.constant 0 : index
    %get3A_5 = arith.constant 0 : index
    %get3A_6 = vector.load %arg2[%get3A_4, %get3A_5] : memref<1000x128xf32, #tpu.memory_space<vmem>>, vector<1000x128xf32>
    %get3A_7 = arith.constant 0 : index
    %get3A_8 = arith.constant 0 : index
    %get3A_9 = vector.load %arg3[%get3A_7, %get3A_8] : memref<128x64xf32, #tpu.memory_space<vmem>>, vector<128x64xf32>
    %dot_general3A = arith.constant dense<0.000000e+00> : vector<1000x64xf32>
    %dot_general3A_10 = tpu.matmul %get3A_6, %get3A_9, %dot_general3A {dimension_numbers = #tpu.dot_dimension_numbers<[1], [0], [0], [1], [0, 0, 1, 1], [], []>, transpose_lhs_hint = false} : vector<1000x128xf32>, vector<128x64xf32>, vector<1000x64xf32> -> vector<1000x64xf32>
    %mul3A = vector.broadcast %rsqrt3A : vector<1000x1xf32> to vector<1000x64xf32>
    %mul3A_11 = arith.mulf %dot_general3A_10, %mul3A : vector<1000x64xf32>
    %swap3A = arith.constant 0 : index
    %swap3A_12 = arith.constant 0 : index
    %swap3A_13 = vector.load %arg4[%swap3A, %swap3A_12] : memref<1000x1xf32, #tpu.memory_space<vmem>>, vector<1000x1xf32>
    tpu.vector_store %arg4[%swap3A, %swap3A_12], %rsqrt3A {strides = array<i32>} : memref<1000x1xf32, #tpu.memory_space<vmem>>, vector<1000x1xf32>,
    %broadcast_in_dim3A = arith.constant 0.000000e+00 : f32
    %broadcast_in_dim3A_14 = vector.broadcast %broadcast_in_dim3A : f32 to vector<1000x64xf32>
    %concatenate3A = tpu.concatenate %mul3A_11, %broadcast_in_dim3A_14 in 1 : vector<1000x64xf32>, vector<1000x64xf32> -> vector<1000x128xf32>
    %swap3A_15 = arith.constant 0 : index
    %swap3A_16 = arith.constant 0 : index
    %swap3A_17 = vector.load %arg5[%swap3A_15, %swap3A_16] : memref<1000x128xf32, #tpu.memory_space<vmem>>, vector<1000x128xf32>
    tpu.vector_store %arg5[%swap3A_15, %swap3A_16], %concatenate3A {strides = array<i32>} : memref<1000x128xf32, #tpu.memory_space<vmem>>, vector<1000x128xf32>,
    return
  }
  func.func @transform_0(%arg0: i32) -> (i32, i32) {
    %c0_i32 = arith.constant 0 : i32
    %c0_i32_0 = arith.constant 0 : i32
    return %arg0, %c0_i32 : i32, i32
  }
  func.func @transform_1(%arg0: i32) -> (i32, i32) {
    %c0_i32 = arith.constant 0 : i32
    %c0_i32_0 = arith.constant 0 : i32
    return %arg0, %c0_i32 : i32, i32
  }
  func.func @transform_2(%arg0: i32) -> (i32, i32) {
    %c0_i32 = arith.constant 0 : i32
    %c0_i32_0 = arith.constant 0 : i32
    %c0_i32_1 = arith.constant 0 : i32
    return %c0_i32, %c0_i32_0 : i32, i32
  }
  func.func @transform_3(%arg0: i32) -> (i32, i32) {
    %c0_i32 = arith.constant 0 : i32
    %c0_i32_0 = arith.constant 0 : i32
    return %arg0, %c0_i32 : i32, i32
  }
  func.func @transform_4(%arg0: i32) -> (i32, i32) {
    %c0_i32 = arith.constant 0 : i32
    %c0_i32_0 = arith.constant 0 : i32
    return %arg0, %c0_i32 : i32, i32
  }
}

module attributes {stable_mosaic.version = 14 : i64} {
  func.func @body(%arg0: i32, %arg1: memref<1000x128xf32, #tpu.memory_space<vmem>>, %arg2: memref<1000x128xf32, #tpu.memory_space<vmem>>, %arg3: memref<1000x1xf32, #tpu.memory_space<vmem>>, %arg4: memref<1x64xf32, #tpu.memory_space<vmem>>, %arg5: memref<1x64xf32, #tpu.memory_space<vmem>>, %arg6: memref<1x64xf32, #tpu.memory_space<vmem>>, %arg7: memref<64x128xf32, #tpu.memory_space<vmem>>, %arg8: memref<1000x128xf32, #tpu.memory_space<vmem>>) attributes {dimension_semantics = [#tpu.dimension_semantics<arbitrary>], iteration_bounds = array<i64: 10>, scalar_prefetch = 0 : i64, scratch_operands = 0 : i64, tpu.core_type = #tpu.core_type<tc>, window_params = [{transform_indices = @transform_0, window_bounds = array<i64: 1000, 128>}, {transform_indices = @transform_1, window_bounds = array<i64: 1000, 128>}, {transform_indices = @transform_2, window_bounds = array<i64: 1000, 1>}, {pipeline_mode = #tpu.pipeline_mode<synchronous>, transform_indices = @transform_3, window_bounds = array<i64: 1, 64>}, {pipeline_mode = #tpu.pipeline_mode<synchronous>, transform_indices = @transform_4, window_bounds = array<i64: 1, 64>}, {pipeline_mode = #tpu.pipeline_mode<synchronous>, transform_indices = @transform_5, window_bounds = array<i64: 1, 64>}, {pipeline_mode = #tpu.pipeline_mode<synchronous>, transform_indices = @transform_6, window_bounds = array<i64: 64, 128>}, {transform_indices = @transform_7, window_bounds = array<i64: 1000, 128>}]} {
    %get3A = arith.constant 0 : index
    %get3A_0 = arith.constant 0 : index
    %get3A_1 = vector.load %arg1[%get3A, %get3A_0] : memref<1000x128xf32, #tpu.memory_space<vmem>>, vector<1000x128xf32>
    %get3A_2 = arith.constant 0 : index
    %get3A_3 = arith.constant 0 : index
    %get3A_4 = vector.load %arg2[%get3A_2, %get3A_3] : memref<1000x128xf32, #tpu.memory_space<vmem>>, vector<1000x128xf32>
    %add3A = arith.addf %get3A_1, %get3A_4 : vector<1000x128xf32>
    %slice3A = vector.extract_strided_slice %add3A {offsets = [0, 0], sizes = [1000, 64], strides = [1, 1]} : vector<1000x128xf32> to vector<1000x64xf32>
    %get3A_5 = arith.constant 0 : index
    %get3A_6 = arith.constant 0 : index
    %get3A_7 = vector.load %arg3[%get3A_5, %get3A_6] : memref<1000x1xf32, #tpu.memory_space<vmem>>, vector<1000x1xf32>
    %mul3A = vector.broadcast %get3A_7 : vector<1000x1xf32> to vector<1000x64xf32>
    %mul3A_8 = arith.mulf %mul3A, %slice3A : vector<1000x64xf32>
    %get3A_9 = arith.constant 0 : index
    %get3A_10 = arith.constant 0 : index
    %get3A_11 = vector.load %arg4[%get3A_9, %get3A_10] : memref<1x64xf32, #tpu.memory_space<vmem>>, vector<1x64xf32>
    %add3A_12 = vector.broadcast %get3A_11 : vector<1x64xf32> to vector<1000x64xf32>
    %add3A_13 = arith.addf %mul3A_8, %add3A_12 : vector<1000x64xf32>
    %get3A_14 = arith.constant 0 : index
    %get3A_15 = arith.constant 0 : index
    %get3A_16 = vector.load %arg5[%get3A_14, %get3A_15] : memref<1x64xf32, #tpu.memory_space<vmem>>, vector<1x64xf32>
    %mul3A_17 = arith.constant 0.999994993 : f32
    %mul3A_18 = vector.broadcast %mul3A_17 : f32 to vector<1x64xf32>
    %mul3A_19 = arith.mulf %get3A_16, %mul3A_18 : vector<1x64xf32>
    %mul3A_20 = vector.broadcast %mul3A_19 : vector<1x64xf32> to vector<1000x64xf32>
    %mul3A_21 = arith.mulf %add3A_13, %mul3A_20 : vector<1000x64xf32>
    %get3A_22 = arith.constant 0 : index
    %get3A_23 = arith.constant 0 : index
    %get3A_24 = vector.load %arg6[%get3A_22, %get3A_23] : memref<1x64xf32, #tpu.memory_space<vmem>>, vector<1x64xf32>
    %add3A_25 = vector.broadcast %get3A_24 : vector<1x64xf32> to vector<1000x64xf32>
    %add3A_26 = arith.addf %mul3A_21, %add3A_25 : vector<1000x64xf32>
    %ge3A = arith.constant 0.000000e+00 : f32
    %ge3A_27 = vector.broadcast %ge3A : f32 to vector<1000x64xf32>
    %ge3A_28 = arith.cmpf oge, %add3A_26, %ge3A_27 : vector<1000x64xf32>
    %mul3A_29 = arith.constant 2.000000e-02 : f32
    %mul3A_30 = vector.broadcast %mul3A_29 : f32 to vector<1000x64xf32>
    %mul3A_31 = arith.mulf %mul3A_30, %add3A_26 : vector<1000x64xf32>
    %select_n3A = arith.select %ge3A_28, %add3A_26, %mul3A_31 : vector<1000x64xi1>, vector<1000x64xf32>
    %get3A_32 = arith.constant 0 : index
    %get3A_33 = arith.constant 0 : index
    %get3A_34 = vector.load %arg7[%get3A_32, %get3A_33] : memref<64x128xf32, #tpu.memory_space<vmem>>, vector<64x128xf32>
    %dot_general3A = arith.constant dense<0.000000e+00> : vector<1000x128xf32>
    %dot_general3A_35 = tpu.matmul %select_n3A, %get3A_34, %dot_general3A {dimension_numbers = #tpu.dot_dimension_numbers<[1], [0], [0], [1], [0, 0, 1, 1], [], []>, transpose_lhs_hint = false} : vector<1000x64xf32>, vector<64x128xf32>, vector<1000x128xf32> -> vector<1000x128xf32>
    %mul3A_36 = vector.broadcast %get3A_7 : vector<1000x1xf32> to vector<1000x128xf32>
    %mul3A_37 = arith.mulf %dot_general3A_35, %mul3A_36 : vector<1000x128xf32>
    %swap3A = arith.constant 0 : index
    %swap3A_38 = arith.constant 0 : index
    %swap3A_39 = vector.load %arg8[%swap3A, %swap3A_38] : memref<1000x128xf32, #tpu.memory_space<vmem>>, vector<1000x128xf32>
    tpu.vector_store %arg8[%swap3A, %swap3A_38], %mul3A_37 {strides = array<i32>} : memref<1000x128xf32, #tpu.memory_space<vmem>>, vector<1000x128xf32>,
    return
  }
  func.func @transform_0(%arg0: i32) -> (i32, i32) {
    %c0_i32 = arith.constant 0 : i32
    %c0_i32_0 = arith.constant 0 : i32
    return %arg0, %c0_i32 : i32, i32
  }
  func.func @transform_1(%arg0: i32) -> (i32, i32) {
    %c0_i32 = arith.constant 0 : i32
    %c0_i32_0 = arith.constant 0 : i32
    return %arg0, %c0_i32 : i32, i32
  }
  func.func @transform_2(%arg0: i32) -> (i32, i32) {
    %c0_i32 = arith.constant 0 : i32
    %c0_i32_0 = arith.constant 0 : i32
    return %arg0, %c0_i32 : i32, i32
  }
  func.func @transform_3(%arg0: i32) -> (i32, i32) {
    %c0_i32 = arith.constant 0 : i32
    %c0_i32_0 = arith.constant 0 : i32
    %c0_i32_1 = arith.constant 0 : i32
    return %c0_i32, %c0_i32_0 : i32, i32
  }
  func.func @transform_4(%arg0: i32) -> (i32, i32) {
    %c0_i32 = arith.constant 0 : i32
    %c0_i32_0 = arith.constant 0 : i32
    %c0_i32_1 = arith.constant 0 : i32
    return %c0_i32, %c0_i32_0 : i32, i32
  }
  func.func @transform_5(%arg0: i32) -> (i32, i32) {
    %c0_i32 = arith.constant 0 : i32
    %c0_i32_0 = arith.constant 0 : i32
    %c0_i32_1 = arith.constant 0 : i32
    return %c0_i32, %c0_i32_0 : i32, i32
  }
  func.func @transform_6(%arg0: i32) -> (i32, i32) {
    %c0_i32 = arith.constant 0 : i32
    %c0_i32_0 = arith.constant 0 : i32
    %c0_i32_1 = arith.constant 0 : i32
    return %c0_i32, %c0_i32_0 : i32, i32
  }
  func.func @transform_7(%arg0: i32) -> (i32, i32) {
    %c0_i32 = arith.constant 0 : i32
    %c0_i32_0 = arith.constant 0 : i32
    return %arg0, %c0_i32 : i32, i32
  }
}

module attributes {stable_mosaic.version = 14 : i64} {
  func.func @body(%arg0: i32, %arg1: memref<1000x128xf32, #tpu.memory_space<vmem>>, %arg2: memref<1000x128xf32, #tpu.memory_space<vmem>>, %arg3: memref<1000x1xf32, #tpu.memory_space<vmem>>, %arg4: memref<1x128xf32, #tpu.memory_space<vmem>>, %arg5: memref<1x128xf32, #tpu.memory_space<vmem>>, %arg6: memref<1x128xf32, #tpu.memory_space<vmem>>, %arg7: memref<128x256xf32, #tpu.memory_space<vmem>>, %arg8: memref<1000x128xf32, #tpu.memory_space<vmem>>, %arg9: memref<1000x128xf32, #tpu.memory_space<vmem>>, %arg10: memref<1000x128xf32, #tpu.memory_space<vmem>>) attributes {dimension_semantics = [#tpu.dimension_semantics<arbitrary>], iteration_bounds = array<i64: 10>, scalar_prefetch = 0 : i64, scratch_operands = 0 : i64, tpu.core_type = #tpu.core_type<tc>, window_params = [{transform_indices = @transform_0, window_bounds = array<i64: 1000, 128>}, {transform_indices = @transform_1, window_bounds = array<i64: 1000, 128>}, {transform_indices = @transform_2, window_bounds = array<i64: 1000, 1>}, {pipeline_mode = #tpu.pipeline_mode<synchronous>, transform_indices = @transform_3, window_bounds = array<i64: 1, 128>}, {pipeline_mode = #tpu.pipeline_mode<synchronous>, transform_indices = @transform_4, window_bounds = array<i64: 1, 128>}, {pipeline_mode = #tpu.pipeline_mode<synchronous>, transform_indices = @transform_5, window_bounds = array<i64: 1, 128>}, {pipeline_mode = #tpu.pipeline_mode<synchronous>, transform_indices = @transform_6, window_bounds = array<i64: 128, 256>}, {transform_indices = @transform_7, window_bounds = array<i64: 1000, 128>}, {transform_indices = @transform_8, window_bounds = array<i64: 1000, 128>}, {transform_indices = @transform_9, window_bounds = array<i64: 1000, 128>}]} {
    %get3A = arith.constant 0 : index
    %get3A_0 = arith.constant 0 : index
    %get3A_1 = vector.load %arg1[%get3A, %get3A_0] : memref<1000x128xf32, #tpu.memory_space<vmem>>, vector<1000x128xf32>
    %get3A_2 = arith.constant 0 : index
    %get3A_3 = arith.constant 0 : index
    %get3A_4 = vector.load %arg2[%get3A_2, %get3A_3] : memref<1000x128xf32, #tpu.memory_space<vmem>>, vector<1000x128xf32>
    %add3A = arith.addf %get3A_1, %get3A_4 : vector<1000x128xf32>
    %get3A_5 = arith.constant 0 : index
    %get3A_6 = arith.constant 0 : index
    %get3A_7 = vector.load %arg3[%get3A_5, %get3A_6] : memref<1000x1xf32, #tpu.memory_space<vmem>>, vector<1000x1xf32>
    %mul3A = vector.broadcast %get3A_7 : vector<1000x1xf32> to vector<1000x128xf32>
    %mul3A_8 = arith.mulf %mul3A, %add3A : vector<1000x128xf32>
    %get3A_9 = arith.constant 0 : index
    %get3A_10 = arith.constant 0 : index
    %get3A_11 = vector.load %arg4[%get3A_9, %get3A_10] : memref<1x128xf32, #tpu.memory_space<vmem>>, vector<1x128xf32>
    %add3A_12 = vector.broadcast %get3A_11 : vector<1x128xf32> to vector<1000x128xf32>
    %add3A_13 = arith.addf %mul3A_8, %add3A_12 : vector<1000x128xf32>
    %get3A_14 = arith.constant 0 : index
    %get3A_15 = arith.constant 0 : index
    %get3A_16 = vector.load %arg5[%get3A_14, %get3A_15] : memref<1x128xf32, #tpu.memory_space<vmem>>, vector<1x128xf32>
    %mul3A_17 = arith.constant 0.999994993 : f32
    %mul3A_18 = vector.broadcast %mul3A_17 : f32 to vector<1x128xf32>
    %mul3A_19 = arith.mulf %get3A_16, %mul3A_18 : vector<1x128xf32>
    %mul3A_20 = vector.broadcast %mul3A_19 : vector<1x128xf32> to vector<1000x128xf32>
    %mul3A_21 = arith.mulf %add3A_13, %mul3A_20 : vector<1000x128xf32>
    %get3A_22 = arith.constant 0 : index
    %get3A_23 = arith.constant 0 : index
    %get3A_24 = vector.load %arg6[%get3A_22, %get3A_23] : memref<1x128xf32, #tpu.memory_space<vmem>>, vector<1x128xf32>
    %add3A_25 = vector.broadcast %get3A_24 : vector<1x128xf32> to vector<1000x128xf32>
    %add3A_26 = arith.addf %mul3A_21, %add3A_25 : vector<1000x128xf32>
    %swap3A = arith.constant 0 : index
    %swap3A_27 = arith.constant 0 : index
    %swap3A_28 = vector.load %arg8[%swap3A, %swap3A_27] : memref<1000x128xf32, #tpu.memory_space<vmem>>, vector<1000x128xf32>
    tpu.vector_store %arg8[%swap3A, %swap3A_27], %add3A_26 {strides = array<i32>} : memref<1000x128xf32, #tpu.memory_space<vmem>>, vector<1000x128xf32>,
    %get3A_29 = arith.constant 0 : index
    %get3A_30 = arith.constant 0 : index
    %get3A_31 = vector.load %arg7[%get3A_29, %get3A_30] : memref<128x256xf32, #tpu.memory_space<vmem>>, vector<128x256xf32>
    %dot_general3A = arith.constant dense<0.000000e+00> : vector<1000x256xf32>
    %dot_general3A_32 = tpu.matmul %add3A_26, %get3A_31, %dot_general3A {dimension_numbers = #tpu.dot_dimension_numbers<[1], [0], [0], [1], [0, 0, 1, 1], [], []>, transpose_lhs_hint = false} : vector<1000x128xf32>, vector<128x256xf32>, vector<1000x256xf32> -> vector<1000x256xf32>
    %mul3A_33 = vector.broadcast %get3A_7 : vector<1000x1xf32> to vector<1000x256xf32>
    %mul3A_34 = arith.mulf %dot_general3A_32, %mul3A_33 : vector<1000x256xf32>
    %slice3A = vector.extract_strided_slice %mul3A_34 {offsets = [0, 0], sizes = [1000, 128], strides = [1, 1]} : vector<1000x256xf32> to vector<1000x128xf32>
    %swap3A_35 = arith.constant 0 : index
    %swap3A_36 = arith.constant 0 : index
    %swap3A_37 = vector.load %arg9[%swap3A_35, %swap3A_36] : memref<1000x128xf32, #tpu.memory_space<vmem>>, vector<1000x128xf32>
    tpu.vector_store %arg9[%swap3A_35, %swap3A_36], %slice3A {strides = array<i32>} : memref<1000x128xf32, #tpu.memory_space<vmem>>, vector<1000x128xf32>,
    %slice3A_38 = vector.extract_strided_slice %mul3A_34 {offsets = [0, 128], sizes = [1000, 128], strides = [1, 1]} : vector<1000x256xf32> to vector<1000x128xf32>
    %swap3A_39 = arith.constant 0 : index
    %swap3A_40 = arith.constant 0 : index
    %swap3A_41 = vector.load %arg10[%swap3A_39, %swap3A_40] : memref<1000x128xf32, #tpu.memory_space<vmem>>, vector<1000x128xf32>
    tpu.vector_store %arg10[%swap3A_39, %swap3A_40], %slice3A_38 {strides = array<i32>} : memref<1000x128xf32, #tpu.memory_space<vmem>>, vector<1000x128xf32>,
    return
  }
  func.func @transform_0(%arg0: i32) -> (i32, i32) {
    %c0_i32 = arith.constant 0 : i32
    %c0_i32_0 = arith.constant 0 : i32
    return %arg0, %c0_i32 : i32, i32
  }
  func.func @transform_1(%arg0: i32) -> (i32, i32) {
    %c0_i32 = arith.constant 0 : i32
    %c0_i32_0 = arith.constant 0 : i32
    return %arg0, %c0_i32 : i32, i32
  }
  func.func @transform_2(%arg0: i32) -> (i32, i32) {
    %c0_i32 = arith.constant 0 : i32
    %c0_i32_0 = arith.constant 0 : i32
    return %arg0, %c0_i32 : i32, i32
  }
  func.func @transform_3(%arg0: i32) -> (i32, i32) {
    %c0_i32 = arith.constant 0 : i32
    %c0_i32_0 = arith.constant 0 : i32
    %c0_i32_1 = arith.constant 0 : i32
    return %c0_i32, %c0_i32_0 : i32, i32
  }
  func.func @transform_4(%arg0: i32) -> (i32, i32) {
    %c0_i32 = arith.constant 0 : i32
    %c0_i32_0 = arith.constant 0 : i32
    %c0_i32_1 = arith.constant 0 : i32
    return %c0_i32, %c0_i32_0 : i32, i32
  }
  func.func @transform_5(%arg0: i32) -> (i32, i32) {
    %c0_i32 = arith.constant 0 : i32
    %c0_i32_0 = arith.constant 0 : i32
    %c0_i32_1 = arith.constant 0 : i32
    return %c0_i32, %c0_i32_0 : i32, i32
  }
  func.func @transform_6(%arg0: i32) -> (i32, i32) {
    %c0_i32 = arith.constant 0 : i32
    %c0_i32_0 = arith.constant 0 : i32
    %c0_i32_1 = arith.constant 0 : i32
    return %c0_i32, %c0_i32_0 : i32, i32
  }
  func.func @transform_7(%arg0: i32) -> (i32, i32) {
    %c0_i32 = arith.constant 0 : i32
    %c0_i32_0 = arith.constant 0 : i32
    return %arg0, %c0_i32 : i32, i32
  }
  func.func @transform_8(%arg0: i32) -> (i32, i32) {
    %c0_i32 = arith.constant 0 : i32
    %c0_i32_0 = arith.constant 0 : i32
    return %arg0, %c0_i32 : i32, i32
  }
  func.func @transform_9(%arg0: i32) -> (i32, i32) {
    %c0_i32 = arith.constant 0 : i32
    %c0_i32_0 = arith.constant 0 : i32
    return %arg0, %c0_i32 : i32, i32
  }
}

module attributes {stable_mosaic.version = 14 : i64} {
  func.func @body(%arg0: i32, %arg1: memref<1000x128xf32, #tpu.memory_space<vmem>>, %arg2: memref<1000x128xf32, #tpu.memory_space<vmem>>, %arg3: memref<1000x128xf32, #tpu.memory_space<vmem>>, %arg4: memref<1000x128xf32, #tpu.memory_space<vmem>>, %arg5: memref<1000x1xf32, #tpu.memory_space<vmem>>, %arg6: memref<1x256xf32, #tpu.memory_space<vmem>>, %arg7: memref<1000x256xf32, #tpu.memory_space<vmem>>) attributes {dimension_semantics = [#tpu.dimension_semantics<arbitrary>], iteration_bounds = array<i64: 10>, scalar_prefetch = 0 : i64, scratch_operands = 0 : i64, tpu.core_type = #tpu.core_type<tc>, window_params = [{transform_indices = @transform_0, window_bounds = array<i64: 1000, 128>}, {transform_indices = @transform_1, window_bounds = array<i64: 1000, 128>}, {transform_indices = @transform_2, window_bounds = array<i64: 1000, 128>}, {transform_indices = @transform_3, window_bounds = array<i64: 1000, 128>}, {transform_indices = @transform_4, window_bounds = array<i64: 1000, 1>}, {pipeline_mode = #tpu.pipeline_mode<synchronous>, transform_indices = @transform_5, window_bounds = array<i64: 1, 256>}, {transform_indices = @transform_6, window_bounds = array<i64: 1000, 256>}]} {
    %get3A = arith.constant 0 : index
    %get3A_0 = arith.constant 0 : index
    %get3A_1 = vector.load %arg1[%get3A, %get3A_0] : memref<1000x128xf32, #tpu.memory_space<vmem>>, vector<1000x128xf32>
    %get3A_2 = arith.constant 0 : index
    %get3A_3 = arith.constant 0 : index
    %get3A_4 = vector.load %arg3[%get3A_2, %get3A_3] : memref<1000x128xf32, #tpu.memory_space<vmem>>, vector<1000x128xf32>
    %add3A = arith.addf %get3A_1, %get3A_4 : vector<1000x128xf32>
    %get3A_5 = arith.constant 0 : index
    %get3A_6 = arith.constant 0 : index
    %get3A_7 = vector.load %arg2[%get3A_5, %get3A_6] : memref<1000x128xf32, #tpu.memory_space<vmem>>, vector<1000x128xf32>
    %get3A_8 = arith.constant 0 : index
    %get3A_9 = arith.constant 0 : index
    %get3A_10 = vector.load %arg4[%get3A_8, %get3A_9] : memref<1000x128xf32, #tpu.memory_space<vmem>>, vector<1000x128xf32>
    %add3A_11 = arith.addf %get3A_7, %get3A_10 : vector<1000x128xf32>
    %concatenate3A = tpu.concatenate %add3A, %add3A_11 in 1 : vector<1000x128xf32>, vector<1000x128xf32> -> vector<1000x256xf32>
    %get3A_12 = arith.constant 0 : index
    %get3A_13 = arith.constant 0 : index
    %get3A_14 = vector.load %arg5[%get3A_12, %get3A_13] : memref<1000x1xf32, #tpu.memory_space<vmem>>, vector<1000x1xf32>
    %mul3A = vector.broadcast %get3A_14 : vector<1000x1xf32> to vector<1000x256xf32>
    %mul3A_15 = arith.mulf %mul3A, %concatenate3A : vector<1000x256xf32>
    %get3A_16 = arith.constant 0 : index
    %get3A_17 = arith.constant 0 : index
    %get3A_18 = vector.load %arg6[%get3A_16, %get3A_17] : memref<1x256xf32, #tpu.memory_space<vmem>>, vector<1x256xf32>
    %add3A_19 = vector.broadcast %get3A_18 : vector<1x256xf32> to vector<1000x256xf32>
    %add3A_20 = arith.addf %mul3A_15, %add3A_19 : vector<1000x256xf32>
    %swap3A = arith.constant 0 : index
    %swap3A_21 = arith.constant 0 : index
    %swap3A_22 = vector.load %arg7[%swap3A, %swap3A_21] : memref<1000x256xf32, #tpu.memory_space<vmem>>, vector<1000x256xf32>
    tpu.vector_store %arg7[%swap3A, %swap3A_21], %add3A_20 {strides = array<i32>} : memref<1000x256xf32, #tpu.memory_space<vmem>>, vector<1000x256xf32>,
    return
  }
  func.func @transform_0(%arg0: i32) -> (i32, i32) {
    %c0_i32 = arith.constant 0 : i32
    %c0_i32_0 = arith.constant 0 : i32
    return %arg0, %c0_i32 : i32, i32
  }
  func.func @transform_1(%arg0: i32) -> (i32, i32) {
    %c0_i32 = arith.constant 0 : i32
    %c0_i32_0 = arith.constant 0 : i32
    return %arg0, %c0_i32 : i32, i32
  }
  func.func @transform_2(%arg0: i32) -> (i32, i32) {
    %c0_i32 = arith.constant 0 : i32
    %c0_i32_0 = arith.constant 0 : i32
    return %arg0, %c0_i32 : i32, i32
  }
  func.func @transform_3(%arg0: i32) -> (i32, i32) {
    %c0_i32 = arith.constant 0 : i32
    %c0_i32_0 = arith.constant 0 : i32
    return %arg0, %c0_i32 : i32, i32
  }
  func.func @transform_4(%arg0: i32) -> (i32, i32) {
    %c0_i32 = arith.constant 0 : i32
    %c0_i32_0 = arith.constant 0 : i32
    return %arg0, %c0_i32 : i32, i32
  }
  func.func @transform_5(%arg0: i32) -> (i32, i32) {
    %c0_i32 = arith.constant 0 : i32
    %c0_i32_0 = arith.constant 0 : i32
    %c0_i32_1 = arith.constant 0 : i32
    return %c0_i32, %c0_i32_0 : i32, i32
  }
  func.func @transform_6(%arg0: i32) -> (i32, i32) {
    %c0_i32 = arith.constant 0 : i32
    %c0_i32_0 = arith.constant 0 : i32
    return %arg0, %c0_i32 : i32, i32
  }
}

</mosaic_0001>

<sc_bundles>
// kernel: kernel.10.cloned.1.call-start
scs
__scs_entry_jumppad:
0x0: {  	(pc) =	sbr.rel $0x88, $3  }
0x1: {  	(tag) =	ssettag $0x0;
	lr =	simm.s32 $0x1  }
0x2: {  	[smem:$0x3F95] =	sst lr;
	_ =	strace $0xD0000000  }
0x3: {  	_ = 	snop  }
0x4: {  	_ = 	snop  }
0x5: {  	_ = 	snop  }
0x6: {  	_ = 	snop  }
0x7: {  	_ = 	snop  }
__scs_overlays_trampoline_lowered:
0x8: {  	[smem:$0x3FA4] =	sst s0  }
0x9: {  	[smem:$0x3FA5] =	sst s1  }
0xa: {  	[smem:$0x3FA6] =	sst s2  }
0xb: {  	[smem:$0x3FA7] =	sst s3  }
0xc: {  	[smem:$0x3FA8] =	sst s4  }
0xd: {  	[smem:$0x3FA9] =	sst s5  }
0xe: {  	[smem:$0x3FAA] =	sst s6  }
0xf: {  	[smem:$0x3FAB] =	sst s7  }
0x10: {  	[smem:$0x3FAC] =	sst s8  }
0x11: {  	[smem:$0x3FAD] =	sst s9;
	s0 =	simm.s32 @!p0 $0x0  }
0x12: {  	s1 =	sld [smem:$0x3F93];
	s0 =	simm.s32 @p0 $0x1  }
0x13: {  	[smem:$0x3FAE] =	sst s0;
	s0 =	simm.s32 @!p1 $0x0  }
0x14: {  	s2 =	sld [smem:$0x3F92];
	s0 =	simm.s32 @p1 $0x1  }
0x15: {  	[smem:$0x3FAF] =	sst s0;
	s0 =	simm.s32 @!p2 $0x0  }
0x16: {  	s3 =	sld [smem:$0x3FDB];
	s0 =	simm.s32 @p2 $0x1  }
0x17: {  	s4 =	simm.s32 $0x1BF5;
	[smem:$0x3FB1] =	sst s0  }
0x18: {  	s0 =	sld [smem:$0x3F94];
	_ =	swait.ge [sflag:s4], $0x0  }
0x19: {  	s7 =	sld [smem:$0x3F95]  }
0x1a: {  	s8 =	sadd.s32 $0xFFFFE003, lr  }
0x1b: {  	s9 =	sadd.s32 $0xFFFFFEF7, lr;
	s5 =	simm.s32 $0xFFFFFFFF;
	p2 =	slt.u32 s8, $0xFFFFF086  }
0x1c: {  	p1 =	slt.u32 s9, $0xF7A;
	s5 =	simm.s32 @!p2 $0x0  }
0x1d: {  	s5 =	simm.s32 @p1 $0x1;
	p0 =	seq.s32 s7, s2  }
0x1e: {  	s7 =	smul.u32 @!p0 $0xF7A, s2;
	p2 =	seq.s32 @!p0 s5, $0x0  }
0x1f: {  	s9 =	smul.u32 $0xF7A, s1;
	s8 =	simm.s32 @!p0 $0x1BF5;
	p2 =	por !p2, p0  }
0x20: {  	[sflag:s8] =	ssyncset.s32 @!p0 $0xFFFFF086;
	s6 =	sadd.s32 @!p0 s3, s7;
	s7 =	simm.s32 @!p0 $0x108  }
0x21: {  	s3 =	sadd.s32 s3, s9;
	s6 =	sadd.s32 @!p0 $0x88, s6;
	s7 =	simm.s32 @p2 $0x1082  }
0x22: {  	[simem:s7], [sflag:s8] =	dma.local @!p0 [hbm:s6], $0xF7A  }
0x23: {  	s9 =	sor.u32 $0xD0000000, s2;
	s6 =	simm.s32 $0x108;
	_ =	swait.ge @!p0 [sflag:s8], $0x0  }
0x24: {  	s3 =	sadd.s32 $0x88, s3;
	s6 =	simm.s32 @!p1 $0x1082;
	[sflag:s4] =	ssyncset.s32 $0xFFFFF086  }
0x25: {  	[simem:s6], [sflag:s4] =	dma.local [hbm:s3], $0xF7A  }
0x26: {  	[smem:$0x3F95] =	sst s1;
	(tag) =	ssettag s2;
	_ =	strace s9  }
0x27: {  	s1 =	sld [smem:$0x3FA5]  }
0x28: {  	s2 =	sld [smem:$0x3FA6]  }
0x29: {  	s4 =	sld [smem:$0x3FA8]  }
0x2a: {  	p0 =	seq.s32 s5, $0x0;
	s5 =	sld [smem:$0x3FA9]  }
0x2b: {  	s6 =	sld [smem:$0x3FAA]  }
0x2c: {  	s7 =	sld [smem:$0x3FAB]  }
0x2d: {  	s3 =	simm.s32 $0x108;
	s8 =	sld [smem:$0x3FAC]  }
0x2e: {  	s3 =	simm.s32 @!p0 $0x1082;
	s9 =	sld [smem:$0x3FAD]  }
0x2f: {  	lr =	sadd.s32 s0, s3;
	s0 =	sld [smem:$0x3FA4]  }
0x30: {  	s3 =	sld [smem:$0x3FA7]  }
0x31: {  	[smem:$0x3FB0] =	sst s10  }
0x32: {  	s10 =	sld [smem:$0x3FAE];
	_ =	sdelay $0x3  }
0x33: {  	p0 =	seq.s32 s10, $0x1;
	s10 =	sld [smem:$0x3FB0];
	_ =	sdelay $0x3  }
0x34: {  	[smem:$0x3FB0] =	sst s10  }
0x35: {  	s10 =	sld [smem:$0x3FAF];
	_ =	sdelay $0x3  }
0x36: {  	p1 =	seq.s32 s10, $0x1;
	s10 =	sld [smem:$0x3FB0];
	_ =	sdelay $0x3  }
0x37: {  	[smem:$0x3FB0] =	sst s10  }
0x38: {  	s10 =	sld [smem:$0x3FB1]  }
0x39: {  	_ = 	snop;
	(pc) =	sbr.ind lr, $3  }
0x3a: {  	_ = 	snop  }
0x3b: {  	_ = 	snop  }
0x3c: {  	p2 =	seq.s32 s10, $0x1;
	s10 =	sld [smem:$0x3FB0]  }
0x3d: {  	_ =	shalt  }
0x3e: {  	_ =	shalt  }
0x3f: {  	_ =	shalt  }
0x40: {  	_ =	shalt  }
0x41: {  	_ =	shalt  }
0x42: {  	_ =	shalt  }
0x43: {  	_ =	shalt  }
0x44: {  	_ =	shalt  }
0x45: {  	_ =	shalt  }
0x46: {  	_ =	shalt  }
0x47: {  	_ =	shalt  }
0x48: {  	_ =	shalt  }
0x49: {  	_ =	shalt  }
0x4a: {  	_ =	shalt  }
0x4b: {  	_ =	shalt  }
0x4c: {  	_ =	shalt  }
0x4d: {  	_ =	shalt  }
0x4e: {  	_ =	shalt  }
0x4f: {  	_ =	shalt  }
0x50: {  	_ =	shalt  }
0x51: {  	_ =	shalt  }
0x52: {  	_ =	shalt  }
0x53: {  	_ =	shalt  }
0x54: {  	_ =	shalt  }
0x55: {  	_ =	shalt  }
0x56: {  	_ =	shalt  }
0x57: {  	_ =	shalt  }
0x58: {  	_ =	shalt  }
0x59: {  	_ =	shalt  }
0x5a: {  	_ =	shalt  }
0x5b: {  	_ =	shalt  }
0x5c: {  	_ =	shalt  }
0x5d: {  	_ =	shalt  }
0x5e: {  	_ =	shalt  }
0x5f: {  	_ =	shalt  }
0x60: {  	_ =	shalt  }
0x61: {  	_ =	shalt  }
0x62: {  	_ =	shalt  }
0x63: {  	_ =	shalt  }
0x64: {  	_ =	shalt  }
0x65: {  	_ =	shalt  }
0x66: {  	_ =	shalt  }
0x67: {  	_ =	shalt  }
0x68: {  	_ =	shalt  }
0x69: {  	_ =	shalt  }
0x6a: {  	_ =	shalt  }
0x6b: {  	_ =	shalt  }
0x6c: {  	_ =	shalt  }
0x6d: {  	_ =	shalt  }
0x6e: {  	_ =	shalt  }
0x6f: {  	_ =	shalt  }
0x70: {  	_ =	shalt  }
0x71: {  	_ =	shalt  }
0x72: {  	_ =	shalt  }
0x73: {  	_ =	shalt  }
0x74: {  	_ =	shalt  }
0x75: {  	_ =	shalt  }
0x76: {  	_ =	shalt  }
0x77: {  	_ =	shalt  }
0x78: {  	_ =	shalt  }
0x79: {  	_ =	shalt  }
0x7a: {  	_ =	shalt  }
0x7b: {  	_ =	shalt  }
0x7c: {  	_ =	shalt  }
0x7d: {  	_ =	shalt  }
0x7e: {  	_ =	shalt  }
0x7f: {  	_ =	shalt  }
0x80: {  	_ =	shalt  }
0x81: {  	_ =	shalt  }
0x82: {  	_ =	shalt  }
0x83: {  	_ =	shalt  }
0x84: {  	_ =	shalt  }
0x85: {  	_ =	shalt  }
0x86: {  	_ =	shalt  }
0x87: {  	_ =	shalt  }
.Lfunc_end0:
.L_simem_size_0:
called_computation_lowered:
.L_overlay_start_0:
0x88: {  	s2 =	sld [smem:$0x3FD9]  }
0x89: {  	s3 =	sld [smem:$0x3FFE];
	_ =	sdelay $0x1  }
0x8a: {  	s1 =	srdreg.scid  }
0x8b: {  	s0 =	sand.u32 $0x1, s1  }
0x8c: {  	s14 =	sshll.u32 s0, $0xA;
	s2 =	sadd.s32 s3, s2  }
0x8d: {  	s2 =	sadd.s32 s2, s14  }
0x8e: {  	[smem:$0x3FBC] =	sst s2  }
0x8f: {  	_ = 	snop  }
0x90: {  	s2 =	sld [smem:$0x3FD0];
	_ =	sdelay $0x2  }
0x91: {  	s15 =	simm.s32 $0xA;
	s4 =	simm.s32 $0x10  }
0x92: {  	[smem:s4], [sflag:s15] =	dma.local [hbm:s2], $0x1  }
0x93: {  	_ =	swait.eq [sflag:s15], $0x1  }
0x94: {  	[sflag:s15] =	ssyncset.done $0x0  }
0x95: {  	[sflag:s15] =	ssyncadd.s32 $0xFFFFFFFF  }
0x96: {  	s16 =	sld [smem:$0x10];
	(tm) =	ssettm $0x1  }
0x97: {  	s17 =	sld [smem:$0x3FFB];
	_ =	sdelay $0x3  }
0x98: {  	_ =	strace s17  }
0x99: {  	s3 =	sld [smem:$0x3FFC];
	_ =	sdelay $0x3  }
0x9a: {  	_ =	strace s3  }
0x9b: {  	s3 =	sld [smem:$0x3FFD];
	_ =	sdelay $0x3  }
0x9c: {  	_ =	strace s3  }
0x9d: {  	_ =	strace $0x8FFFFFFF  }
0x9e: {  	s18 =	sld [smem:$0x3FDB];
	_ =	sdelay $0x1  }
0x9f: {  	s19 =	simm.s32 $_scs_section_size  }
0xa0: {  	s5 =	simm.s32 $_size__tile_overlayer_lowered;
	s6 =	simm.s32 $_tile_overlayer_lowered  }
0xa1: {  	s22 =	simm.s32 $0x1BFF;
	s21 =	sshll.u32 s6, $0x1;
	s3 =	sadd.s32 s19, s18  }
0xa2: {  	s7 =	simm.s32 $0x0;
	s20 =	sshll.u32 s5, $0x1;
	s5 =	sadd.s32 s21, s3  }
0xa3: {  	[timem:s7], [sflag:s22] =	dma.local [hbm:s5], s20  }
0xa4: {  	_ =	swait.ge [sflag:s22], s20  }
0xa5: {  	s4 =	ssub.s32 $0x0, s20;
	[sflag:s22] =	ssyncset.done $0x0  }
0xa6: {  	[sflag:s22] =	ssyncadd.s32 s4;
	_ =	sdelay $0x1  }
0xa7: {  	s23 =	simm.s32 $0x1B8B  }
0xa8: {  	_ =	swait.ge [sflag:s23], $0x1  }
0xa9: {  	[sflag:s23] =	ssyncset.done $0x0  }
0xaa: {  	s25 =	simm.s32 $0x1B8E;
	s24 =	sld [smem:$0x3FFE];
	[sflag:s23] =	ssyncadd.s32 $0xFFFFFFFF  }
0xab: {  	s26 =	simm.s32 $execute0_lowered;
	[smem:$0x3FD2] =	sst s25  }
0xac: {  	s5 =	sshll.u32 s26, $0x1;
	_ =	strace $0x80000046;
	[dreg:$0x1] =	wrdreg $0xFFFFFFFF  }
0xad: {  	s28 =	simm.s32 $_size_execute0_lowered;
	s3 =	sadd.s32 s3, s5;
	[dreg:$0x0] =	wrdreg $0x0  }
0xae: {  	s5 =	sshll.u32 s28, $0x1;
	[dreg:$0x2] =	wrdreg s3  }
0xaf: {  	[dreg:$0x3] =	wrdreg s5  }
0xb0: {  	[dreg:$0x4] =	wrdreg $0xC0  }
0xb1: {  	_ =	task [dreg:s7], $0x5FFFF  }
0xb2: {  	[dreg:$0x1] =	wrdreg $0xFFFFFFFF  }
0xb3: {  	[dreg:$0x0] =	wrdreg $0x60  }
0xb4: {  	[dreg:$0x2] =	wrdreg s24  }
0xb5: {  	[dreg:$0x3] =	wrdreg s16  }
0xb6: {  	[dreg:$0x4] =	wrdreg $0x58800  }
0xb7: {  	[dreg:$0x5] =	wrdreg $0x9  }
0xb8: {  	_ =	task.clear_ibuf [dreg:s7], $0x6FFFF;
	_ =	strace $0x90000046  }
0xb9: {  	s29 =	simm.s32 $0x9;
	_ =	strace $0x80000048  }
0xba: {  	_ =	swait.ge [sflag:s29], $0x1  }
0xbb: {  	[sflag:s29] =	ssyncadd.s32 $0xFFFFFFFF  }
0xbc: {  	_ =	strace $0x90000048  }
0xbd: {  	_ =	sfence  }
0xbe: {  	s30 =	sld [smem:$0x0];
	_ =	sdelay $0x2  }
0xbf: {  	s31 =	sshll.u32 s1, $0xD;
	s1 =	sshrl.u32 s1, $0x2  }
0xc0: {  	s3 =	sand.u32 $0x4000, s31;
	s1 =	sadd.s32 s1, s30  }
0xc1: {  	s0 =	sor.u32 s3, s0;
	s1 =	sshll.u32 s1, $0x11  }
0xc2: {  	s0 =	sor.u32 s1, s0  }
0xc3: {  	s0 =	sadd.s32 $0x8F2B, s0  }
0xc4: {  	[sflag:s0] =	ssyncadd.remote.s32 $0x1  }
0xc5: {  	_ =	sfence.sel $0xFFFF  }
0xc6: {  	[dreg:$0x0] =	wrdreg $0xFFFFFFFF;
	(pc) =	sbr.abs _section_cstart, $3  }
0xc7: {  	[dreg:$0x1] =	wrdreg $0xFFFFFFFF  }
0xc8: {  	_ =	task.clear_ibuf [dreg:s7], $0x2FFFF;
	_ =	strace $0x9FFFFFFF  }
0xc9: {  	(tm) =	ssettm $0x7FFFFFFF  }
tec
execute0_lowered:
.L_overlay_start_1:
0x0: {  	(tag) =	ssettag $0x1  }
0x1: {  	s1 =	srdreg.scid  }
0x2: {  	s1 =	sand.u32 $0x1, s1  }
0x3: {  	p0 =	seq.s32 s1, $0x1  }
.Ltmp0:
0x4: {  	s4 =	rddreg [dreg:$0x0];
	(pc) =	sbr.rel @p0 .LBB2_6-.Ltmp0, $4  }
0x5: {  	s3 =	rddreg [dreg:$0x1]  }
0x6: {  	s2 =	rddreg [dreg:$0x2];
	s5 =	simm.s32 $0x0  }
0x7: {  	[smem:$0x7FF] =	sst s5  }
0x8: {  	s0 =	rddreg [dreg:$0x3];
	_ =	strace $0x80000047;
	s1 =	stileid.u32  }
0x9: {  	v0 =	vimm.f32 $1.000000000e+00  }
0xa: {  	[tilespmem:$0x5000] =	vst v0  }
0xb: {  	[tilespmem:$0x5010] =	vst v0  }
0xc: {  	s5 =	smul.u32 $0xFA0, s1;
	[tilespmem:$0x5020] =	vst v0  }
0xd: {  	s6 =	smul.u32 $0xA00, s1;
	[tilespmem:$0x5030] =	vst v0  }
0xe: {  	s7 =	smul.u32 $0x3E8, s1;
	[tilespmem:$0x5040] =	vst v0;
	s5 =	sshrl.u32 s5, $0x2  }
0xf: {  	[tilespmem:$0x5050] =	vst v0;
	s4 =	sadd.s32 s6, s4;
	s6 =	sadd.s32 s5, s2  }
0x10: {  	[tilespmem:$0x5060] =	vst v0;
	s5 =	sadd.s32 $0x4600, s4;
	s4 =	sadd.s32 s7, s2;
	s7 =	sshrl.u32 s7, $0x3  }
0x11: {  	s8 =	simm.s32 $0x0;
	[tilespmem:$0x5070] =	vst v0;
	v0 =	vimm.f32 $0.0e+00;
	s3 =	sadd.s32 s3, s7;
	s7 =	simm.s32 $0x40  }
.LBB2_2:
0x12: {  	p0 =	sne.s32 s7, $0xFC0;
	[tilespmem:s8+$0x5080] =	vst v0;
	s8 =	smov.u32 s7;
	s7 =	sadd.s32 $0x40, s7  }
.Ltmp1:
0x13: {  	(pc) =	sbr.rel @p0 .LBB2_2-.Ltmp1, $2  }
0x14: {  	_ =	sdelay $0x2  }
0x15: {  	s8 =	sshra.s32 s8, $0x2  }
0x16: {  	p0 =	sgt.u32 s1, $0x9  }
0x17: {  	[tilespmem:s8+$0x5080] =	vst v0;
	s7 =	simm.s32 @!p0 $0x5080  }
0x18: {  	[spmem:s6] =	stream.linear.scatter @!p0 [tilespmem:s7], [sflag:$0x1], $0x3E8, $0x38;
	[tilespmem:$0x5AF8] =	vst v63  }
0x19: {  	s6 =	simm.s32 @!p0 $0x1  }
0x1a: {  	_ =	swait.ge @!p0 [sflag:s6], $0x3E8  }
0x1b: {  	[sflag:s6] =	ssyncset.done @!p0 $0x0  }
0x1c: {  	[sflag:s6] =	ssyncadd.s32 @!p0 $0xFFFFFC18  }
0x1d: {  	s30 =	simm.s32 $0x0;
	[bflag:$0x0] =	sbarrier.arrive $0xFFFF  }
0x1e: {  	[tilespmem:s30], [sflag:$0x1] =	stream.linear.gather [hbm4b:s5+s30], $0x4F00, $0x38;
	[tilespmem:$0x5AF8] =	vst v63  }
0x1f: {  	s5 =	simm.s32 $0x1  }
0x20: {  	_ =	swait.ge [sflag:s5], $0x4F00  }
0x21: {  	s31 =	simm.s32 $0x0;
	[sflag:s5] =	ssyncset.done $0x0  }
0x22: {  	s7 =	simm.s32 $0x5000;
	s6 =	simm.s32 $0x80;
	[sflag:s5] =	ssyncadd.s32 $0xFFFFB100  }
0x23: {  	[spmem:s2] =	stream.indirect.scatter.add.f32 [tilespmem:s7], [sflag:$0x1], $0x1, s31, s6, $0xb8;
	[tilespmem:$0x5AF8] =	vst v63  }
0x24: {  	_ =	swait.ge [sflag:s5], $0x80  }
0x25: {  	s8 =	simm.s32 $0x200;
	[sflag:s5] =	ssyncset.done $0x0  }
.LBB2_4:
0x26: {  	s9 =	sshra.s32 s8, $0x2;
	[sflag:s5] =	ssyncadd.s32 $0xFFFFFF80;
	p1 =	sne.s32 s8, $0x13A00  }
0x27: {  	[spmem:s2] =	stream.indirect.scatter.add.f32 [tilespmem:s7], [sflag:$0x1], $0x1, s9, s6, $0xb8;
	[tilespmem:$0x5AF8] =	vst v63  }
.Ltmp2:
0x28: {  	_ = 	snop;
	(pc) =	sbr.rel @p1 .LBB2_4-.Ltmp2, $4  }
0x29: {  	_ = 	snop  }
0x2a: {  	s8 =	sadd.s32 $0x200, s8  }
0x2b: {  	_ =	swait.ge [sflag:s5], $0x80  }
0x2c: {  	[sflag:s5] =	ssyncset.done $0x0  }
0x2d: {  	[sflag:s5] =	ssyncadd.s32 $0xFFFFFF80  }
0x2e: {  	s2 =	simm.s32 @!p0 $0x5480;
	[bflag:$0x0] =	sbarrier.arrive $0xFFFF  }
0x2f: {  	[tilespmem:s2], [sflag:$0x1] =	stream.linear.gather @!p0 [spmem:s4], $0x3E8, $0x38;
	[tilespmem:$0x5AF8] =	vst v63  }
0x30: {  	s4 =	simm.s32 @!p0 $0x1  }
0x31: {  	_ =	swait.ge @!p0 [sflag:s4], $0x3E8  }
0x32: {  	[sflag:s4] =	ssyncset.done @!p0 $0x0  }
0x33: {  	s5 =	simm.s32 @!p0 $0x0;
	[sflag:s4] =	ssyncadd.s32 @!p0 $0xFFFFFC18  }
0x34: {  	[hbm4b:s3+s5] =	stream.linear.scatter @!p0 [tilespmem:s2], [sflag:$0x1], $0x3E8, $0x38;
	[tilespmem:$0x5AF8] =	vst v63  }
0x35: {  	_ =	swait.ge @!p0 [sflag:s4], $0x3E8  }
0x36: {  	[sflag:s4] =	ssyncset.done @!p0 $0x0  }
0x37: {  	[sflag:s4] =	ssyncadd.s32 @!p0 $0xFFFFFC18  }
.LBB2_6:
0x38: {  	_ =	sfence.sel $0x180000  }
0x39: {  	[bflag:$0x0] =	sbarrier.arrive $0xFFFF  }
0x3a: {  	p0 =	sne.s32 s1, $0x0;
	_ =	strace $0x90000047  }
0x3b: {  	s0 =	sadd.s32 @!p0 $0x100000, s0;
	[bflag:$0x2] =	sbarrier.arrive $0xFFFF  }
0x3c: {  	[sflag:s0] =	ssyncadd.tile.s32 @!p0 $0x1;
	_ =	shalt  }
.Lfunc_end2:
_tile_overlayer_lowered:
.L_overlay_start_2:
0x3d: {  	(tag) =	ssettag $0x2  }
0x3e: {  	s0 =	rddreg [dreg:$0x0];
	s2 =	stileid.u32  }
0x3f: {  	s1 =	rddreg [dreg:$0x1];
	p0 =	sne.s32 s2, $0x0  }
0x40: {  	s3 =	rddreg [dreg:$0x2];
	[bflag:$0x3] =	sbarrier.arrive $0xFFFF;
	s2 =	simm.s32 @!p0 $0x1C01  }
0x41: {  	[timem:s3], [sflag:s2] =	dma.local @!p0 [hbm:s0], s1  }
0x42: {  	s0 =	simm.s32 @!p0 $0x1  }
0x43: {  	_ =	swait.ge @!p0 [sflag:s0], s1  }
0x44: {  	s1 =	ssub.s32 @!p0 $0x0, s1;
	[sflag:s0] =	ssyncset.done @!p0 $0x0  }
0x45: {  	[sflag:s0] =	ssyncadd.s32 @!p0 s1  }
0x46: {  	[bflag:$0x3] =	sbarrier.arrive $0xFFFF  }
0x47: {  	_ =	shalt  }

// kernel: kernel.13.cloned.1.call-start
scs
__scs_entry_jumppad:
0x0: {  	(pc) =	sbr.rel $0x88, $3  }
0x1: {  	(tag) =	ssettag $0x0;
	lr =	simm.s32 $0x1  }
0x2: {  	[smem:$0x3F95] =	sst lr;
	_ =	strace $0xD0000000  }
0x3: {  	_ = 	snop  }
0x4: {  	_ = 	snop  }
0x5: {  	_ = 	snop  }
0x6: {  	_ = 	snop  }
0x7: {  	_ = 	snop  }
__scs_overlays_trampoline_lowered:
0x8: {  	[smem:$0x3FA4] =	sst s0  }
0x9: {  	[smem:$0x3FA5] =	sst s1  }
0xa: {  	[smem:$0x3FA6] =	sst s2  }
0xb: {  	[smem:$0x3FA7] =	sst s3  }
0xc: {  	[smem:$0x3FA8] =	sst s4  }
0xd: {  	[smem:$0x3FA9] =	sst s5  }
0xe: {  	[smem:$0x3FAA] =	sst s6  }
0xf: {  	[smem:$0x3FAB] =	sst s7  }
0x10: {  	[smem:$0x3FAC] =	sst s8  }
0x11: {  	[smem:$0x3FAD] =	sst s9;
	s0 =	simm.s32 @!p0 $0x0  }
0x12: {  	s1 =	sld [smem:$0x3F93];
	s0 =	simm.s32 @p0 $0x1  }
0x13: {  	[smem:$0x3FAE] =	sst s0;
	s0 =	simm.s32 @!p1 $0x0  }
0x14: {  	s2 =	sld [smem:$0x3F92];
	s0 =	simm.s32 @p1 $0x1  }
0x15: {  	[smem:$0x3FAF] =	sst s0;
	s0 =	simm.s32 @!p2 $0x0  }
0x16: {  	s3 =	sld [smem:$0x3FDB];
	s0 =	simm.s32 @p2 $0x1  }
0x17: {  	s4 =	simm.s32 $0x1BF5;
	[smem:$0x3FB1] =	sst s0  }
0x18: {  	s0 =	sld [smem:$0x3F94];
	_ =	swait.ge [sflag:s4], $0x0  }
0x19: {  	s7 =	sld [smem:$0x3F95]  }
0x1a: {  	s8 =	sadd.s32 $0xFFFFE003, lr  }
0x1b: {  	s9 =	sadd.s32 $0xFFFFFEF7, lr;
	s5 =	simm.s32 $0xFFFFFFFF;
	p2 =	slt.u32 s8, $0xFFFFF086  }
0x1c: {  	p1 =	slt.u32 s9, $0xF7A;
	s5 =	simm.s32 @!p2 $0x0  }
0x1d: {  	s5 =	simm.s32 @p1 $0x1;
	p0 =	seq.s32 s7, s2  }
0x1e: {  	s7 =	smul.u32 @!p0 $0xF7A, s2;
	p2 =	seq.s32 @!p0 s5, $0x0  }
0x1f: {  	s9 =	smul.u32 $0xF7A, s1;
	s8 =	simm.s32 @!p0 $0x1BF5;
	p2 =	por !p2, p0  }
0x20: {  	[sflag:s8] =	ssyncset.s32 @!p0 $0xFFFFF086;
	s6 =	sadd.s32 @!p0 s3, s7;
	s7 =	simm.s32 @!p0 $0x108  }
0x21: {  	s3 =	sadd.s32 s3, s9;
	s6 =	sadd.s32 @!p0 $0x88, s6;
	s7 =	simm.s32 @p2 $0x1082  }
0x22: {  	[simem:s7], [sflag:s8] =	dma.local @!p0 [hbm:s6], $0xF7A  }
0x23: {  	s9 =	sor.u32 $0xD0000000, s2;
	s6 =	simm.s32 $0x108;
	_ =	swait.ge @!p0 [sflag:s8], $0x0  }
0x24: {  	s3 =	sadd.s32 $0x88, s3;
	s6 =	simm.s32 @!p1 $0x1082;
	[sflag:s4] =	ssyncset.s32 $0xFFFFF086  }
0x25: {  	[simem:s6], [sflag:s4] =	dma.local [hbm:s3], $0xF7A  }
0x26: {  	[smem:$0x3F95] =	sst s1;
	(tag) =	ssettag s2;
	_ =	strace s9  }
0x27: {  	s1 =	sld [smem:$0x3FA5]  }
0x28: {  	s2 =	sld [smem:$0x3FA6]  }
0x29: {  	s4 =	sld [smem:$0x3FA8]  }
0x2a: {  	p0 =	seq.s32 s5, $0x0;
	s5 =	sld [smem:$0x3FA9]  }
0x2b: {  	s6 =	sld [smem:$0x3FAA]  }
0x2c: {  	s7 =	sld [smem:$0x3FAB]  }
0x2d: {  	s3 =	simm.s32 $0x108;
	s8 =	sld [smem:$0x3FAC]  }
0x2e: {  	s3 =	simm.s32 @!p0 $0x1082;
	s9 =	sld [smem:$0x3FAD]  }
0x2f: {  	lr =	sadd.s32 s0, s3;
	s0 =	sld [smem:$0x3FA4]  }
0x30: {  	s3 =	sld [smem:$0x3FA7]  }
0x31: {  	[smem:$0x3FB0] =	sst s10  }
0x32: {  	s10 =	sld [smem:$0x3FAE];
	_ =	sdelay $0x3  }
0x33: {  	p0 =	seq.s32 s10, $0x1;
	s10 =	sld [smem:$0x3FB0];
	_ =	sdelay $0x3  }
0x34: {  	[smem:$0x3FB0] =	sst s10  }
0x35: {  	s10 =	sld [smem:$0x3FAF];
	_ =	sdelay $0x3  }
0x36: {  	p1 =	seq.s32 s10, $0x1;
	s10 =	sld [smem:$0x3FB0];
	_ =	sdelay $0x3  }
0x37: {  	[smem:$0x3FB0] =	sst s10  }
0x38: {  	s10 =	sld [smem:$0x3FB1]  }
0x39: {  	_ = 	snop;
	(pc) =	sbr.ind lr, $3  }
0x3a: {  	_ = 	snop  }
0x3b: {  	_ = 	snop  }
0x3c: {  	p2 =	seq.s32 s10, $0x1;
	s10 =	sld [smem:$0x3FB0]  }
0x3d: {  	_ =	shalt  }
0x3e: {  	_ =	shalt  }
0x3f: {  	_ =	shalt  }
0x40: {  	_ =	shalt  }
0x41: {  	_ =	shalt  }
0x42: {  	_ =	shalt  }
0x43: {  	_ =	shalt  }
0x44: {  	_ =	shalt  }
0x45: {  	_ =	shalt  }
0x46: {  	_ =	shalt  }
0x47: {  	_ =	shalt  }
0x48: {  	_ =	shalt  }
0x49: {  	_ =	shalt  }
0x4a: {  	_ =	shalt  }
0x4b: {  	_ =	shalt  }
0x4c: {  	_ =	shalt  }
0x4d: {  	_ =	shalt  }
0x4e: {  	_ =	shalt  }
0x4f: {  	_ =	shalt  }
0x50: {  	_ =	shalt  }
0x51: {  	_ =	shalt  }
0x52: {  	_ =	shalt  }
0x53: {  	_ =	shalt  }
0x54: {  	_ =	shalt  }
0x55: {  	_ =	shalt  }
0x56: {  	_ =	shalt  }
0x57: {  	_ =	shalt  }
0x58: {  	_ =	shalt  }
0x59: {  	_ =	shalt  }
0x5a: {  	_ =	shalt  }
0x5b: {  	_ =	shalt  }
0x5c: {  	_ =	shalt  }
0x5d: {  	_ =	shalt  }
0x5e: {  	_ =	shalt  }
0x5f: {  	_ =	shalt  }
0x60: {  	_ =	shalt  }
0x61: {  	_ =	shalt  }
0x62: {  	_ =	shalt  }
0x63: {  	_ =	shalt  }
0x64: {  	_ =	shalt  }
0x65: {  	_ =	shalt  }
0x66: {  	_ =	shalt  }
0x67: {  	_ =	shalt  }
0x68: {  	_ =	shalt  }
0x69: {  	_ =	shalt  }
0x6a: {  	_ =	shalt  }
0x6b: {  	_ =	shalt  }
0x6c: {  	_ =	shalt  }
0x6d: {  	_ =	shalt  }
0x6e: {  	_ =	shalt  }
0x6f: {  	_ =	shalt  }
0x70: {  	_ =	shalt  }
0x71: {  	_ =	shalt  }
0x72: {  	_ =	shalt  }
0x73: {  	_ =	shalt  }
0x74: {  	_ =	shalt  }
0x75: {  	_ =	shalt  }
0x76: {  	_ =	shalt  }
0x77: {  	_ =	shalt  }
0x78: {  	_ =	shalt  }
0x79: {  	_ =	shalt  }
0x7a: {  	_ =	shalt  }
0x7b: {  	_ =	shalt  }
0x7c: {  	_ =	shalt  }
0x7d: {  	_ =	shalt  }
0x7e: {  	_ =	shalt  }
0x7f: {  	_ =	shalt  }
0x80: {  	_ =	shalt  }
0x81: {  	_ =	shalt  }
0x82: {  	_ =	shalt  }
0x83: {  	_ =	shalt  }
0x84: {  	_ =	shalt  }
0x85: {  	_ =	shalt  }
0x86: {  	_ =	shalt  }
0x87: {  	_ =	shalt  }
.Lfunc_end0:
.L_simem_size_0:
called_computation.1_lowered:
.L_overlay_start_0:
0x88: {  	s2 =	sld [smem:$0x3FD9]  }
0x89: {  	s3 =	sld [smem:$0x3FFE];
	_ =	sdelay $0x1  }
0x8a: {  	s1 =	srdreg.scid  }
0x8b: {  	s0 =	sand.u32 $0x1, s1  }
0x8c: {  	s14 =	sshll.u32 s0, $0xA;
	s2 =	sadd.s32 s3, s2  }
0x8d: {  	s2 =	sadd.s32 s2, s14  }
0x8e: {  	[smem:$0x3FBC] =	sst s2  }
0x8f: {  	_ = 	snop  }
0x90: {  	s2 =	sld [smem:$0x3FD0];
	_ =	sdelay $0x2  }
0x91: {  	s15 =	simm.s32 $0xA;
	s4 =	simm.s32 $0x10  }
0x92: {  	[smem:s4], [sflag:s15] =	dma.local [hbm:s2], $0x1  }
0x93: {  	_ =	swait.eq [sflag:s15], $0x1  }
0x94: {  	[sflag:s15] =	ssyncset.done $0x0  }
0x95: {  	s16 =	sld [smem:$0x10];
	[sflag:s15] =	ssyncadd.s32 $0xFFFFFFFF  }
0x96: {  	s17 =	sld [smem:$0x11];
	(tm) =	ssettm $0x1  }
0x97: {  	s18 =	sld [smem:$0x3FFB];
	_ =	sdelay $0x3  }
0x98: {  	_ =	strace s18  }
0x99: {  	s4 =	sld [smem:$0x3FFC];
	_ =	sdelay $0x3  }
0x9a: {  	_ =	strace s4  }
0x9b: {  	s4 =	sld [smem:$0x3FFD];
	_ =	sdelay $0x3  }
0x9c: {  	_ =	strace s4  }
0x9d: {  	_ =	strace $0x8FFFFFFF  }
0x9e: {  	s19 =	sld [smem:$0x3FDB];
	_ =	sdelay $0x1  }
0x9f: {  	s5 =	simm.s32 $_scs_section_size  }
0xa0: {  	s6 =	simm.s32 $_size__tile_overlayer_lowered;
	s7 =	simm.s32 $_tile_overlayer_lowered  }
0xa1: {  	s22 =	simm.s32 $0x1BFF;
	s21 =	sshll.u32 s7, $0x1;
	s4 =	sadd.s32 s5, s19  }
0xa2: {  	s8 =	simm.s32 $0x0;
	s20 =	sshll.u32 s6, $0x1;
	s6 =	sadd.s32 s21, s4  }
0xa3: {  	[timem:s8], [sflag:s22] =	dma.local [hbm:s6], s20  }
0xa4: {  	_ =	swait.ge [sflag:s22], s20  }
0xa5: {  	s5 =	ssub.s32 $0x0, s20;
	[sflag:s22] =	ssyncset.done $0x0  }
0xa6: {  	[sflag:s22] =	ssyncadd.s32 s5;
	_ =	sdelay $0x1  }
0xa7: {  	s23 =	simm.s32 $0x1B8B  }
0xa8: {  	_ =	swait.ge [sflag:s23], $0x1  }
0xa9: {  	[sflag:s23] =	ssyncset.done $0x0  }
0xaa: {  	s25 =	simm.s32 $0x1B8E;
	s24 =	sld [smem:$0x3FFE];
	[sflag:s23] =	ssyncadd.s32 $0xFFFFFFFF  }
0xab: {  	s26 =	simm.s32 $execute0_lowered;
	[smem:$0x3FD2] =	sst s25  }
0xac: {  	s6 =	sshll.u32 s26, $0x1;
	_ =	strace $0x80000049;
	[dreg:$0x1] =	wrdreg $0xFFFFFFFF  }
0xad: {  	s28 =	simm.s32 $_size_execute0_lowered;
	s4 =	sadd.s32 s4, s6;
	[dreg:$0x0] =	wrdreg $0x0  }
0xae: {  	s6 =	sshll.u32 s28, $0x1;
	[dreg:$0x2] =	wrdreg s4  }
0xaf: {  	[dreg:$0x3] =	wrdreg s6  }
0xb0: {  	[dreg:$0x4] =	wrdreg $0xC0  }
0xb1: {  	_ =	task [dreg:s8], $0x5FFFF  }
0xb2: {  	[dreg:$0x1] =	wrdreg $0xFFFFFFFF  }
0xb3: {  	[dreg:$0x0] =	wrdreg $0x60  }
0xb4: {  	[dreg:$0x2] =	wrdreg s24  }
0xb5: {  	[dreg:$0x3] =	wrdreg s16  }
0xb6: {  	[dreg:$0x4] =	wrdreg s17  }
0xb7: {  	[dreg:$0x5] =	wrdreg $0xB4000  }
0xb8: {  	[dreg:$0x6] =	wrdreg $0x9  }
0xb9: {  	_ =	task.clear_ibuf [dreg:s8], $0x7FFFF;
	_ =	strace $0x90000049  }
0xba: {  	s29 =	simm.s32 $0x9;
	_ =	strace $0x8000004B  }
0xbb: {  	_ =	swait.ge [sflag:s29], $0x1  }
0xbc: {  	[sflag:s29] =	ssyncadd.s32 $0xFFFFFFFF  }
0xbd: {  	_ =	strace $0x9000004B  }
0xbe: {  	_ =	sfence  }
0xbf: {  	s30 =	sld [smem:$0x0];
	_ =	sdelay $0x2  }
0xc0: {  	s31 =	sshll.u32 s1, $0xD;
	s1 =	sshrl.u32 s1, $0x2  }
0xc1: {  	s3 =	sand.u32 $0x4000, s31;
	s1 =	sadd.s32 s1, s30  }
0xc2: {  	s0 =	sor.u32 s3, s0;
	s1 =	sshll.u32 s1, $0x11  }
0xc3: {  	s0 =	sor.u32 s1, s0  }
0xc4: {  	s0 =	sadd.s32 $0x8F2B, s0  }
0xc5: {  	[sflag:s0] =	ssyncadd.remote.s32 $0x1  }
0xc6: {  	_ =	sfence.sel $0xFFFF  }
0xc7: {  	[dreg:$0x0] =	wrdreg $0xFFFFFFFF;
	(pc) =	sbr.abs _section_cstart, $3  }
0xc8: {  	[dreg:$0x1] =	wrdreg $0xFFFFFFFF  }
0xc9: {  	_ =	task.clear_ibuf [dreg:s8], $0x2FFFF;
	_ =	strace $0x9FFFFFFF  }
0xca: {  	(tm) =	ssettm $0x7FFFFFFF  }
0xcb: {  	_ =	shalt  }
tec
execute0_lowered:
.L_overlay_start_1:
0x0: {  	(tag) =	ssettag $0x1  }
0x1: {  	s0 =	rddreg [dreg:$0x0]  }
0x2: {  	s1 =	rddreg [dreg:$0x1]  }
0x3: {  	s4 =	rddreg [dreg:$0x2]  }
0x4: {  	s3 =	rddreg [dreg:$0x3];
	s6 =	simm.s32 $0x0;
	s2 =	stileid.u32  }
0x5: {  	s5 =	srdreg.scid;
	s19 =	simm.s32 $0xA000;
	s25 =	smul.u32 $0xA00, s2  }
0x6: {  	s20 =	simm.s32 $0x3;
	s22 =	simm.s32 $0x80;
	s7 =	smul.u32 $0x28000, s2  }
0x7: {  	s28 =	simm.s32 $0x1;
	s29 =	simm.s32 $0x2;
	s8 =	smul.u32 $0x1400, s2  }
0x8: {  	[smem:$0x7FF] =	sst s6;
	s21 =	sand.u32 $0x1, s5;
	s9 =	smul.u32 $0xC800, s2  }
0x9: {  	p1 =	slt.u32 s2, $0xC;
	p2 =	seq.s32 s2, $0xC;
	s10 =	smul.u32 $0x32000, s2  }
0xa: {  	s23 =	sadd.s32 $0x96000, s3;
	_ =	strace $0x8000004A;
	s5 =	ssub.s32 $0x2, s21  }
0xb: {  	s31 =	smul.u32 $0xFFFFEC00, s21;
	p0 =	seq.s32 s21, $0x1;
	s0 =	sadd.s32 s25, s0  }
0xc: {  	s26 =	sshrl.u32 s5, $0x1;
	s7 =	sshrl.u32 s7, $0x2;
	s8 =	sadd.s32 s4, s8  }
0xd: {  	p1 =	por !p1, !p0;
	p2 =	por !p2, !p0;
	s9 =	sshrl.u32 s9, $0x3  }
0xe: {  	s10 =	sshrl.u32 s10, $0x2;
	s25 =	simm.s32 $0x15600;
	s11 =	ssub.s32 s5, s26  }
0xf: {  	s30 =	sadd.s32 $0xE600, s0;
	s6 =	sadd.s32 $0x4600, s0;
	s7 =	sadd.s32 s7, s3  }
0x10: {  	p0 =	por !p1, !p1;
	p6 =	por !p2, !p2;
	s12 =	sadd.s32 s4, s9  }
0x11: {  	s9 =	sadd.s32 $0x26C00, s4;
	s4 =	sadd.s32 s10, s3;
	p2 =	sne.s32 s21, $0x0  }
0x12: {  	s26 =	simm.s32 $0x19600;
	s21 =	simm.s32 $0x0;
	[dreg:$0x5] =	wrdreg s30  }
0x13: {  	s10 =	sadd.s32 $0x14000, s12;
	s11 =	smax.u32 s11, $0x1;
	s12 =	sadd.s32 $0x1400, s7  }
0x14: {  	s13 =	sadd.s32 $0x2800, s7;
	s14 =	sadd.s32 $0x3C00, s7;
	s15 =	sadd.s32 $0x5000, s7  }
0x15: {  	s16 =	sadd.s32 $0x6400, s7;
	s17 =	sadd.s32 $0x7800, s7;
	p1 =	por !p6, p0  }
0x16: {  	v1 =	vimm.f32 $0.0e+00;
	v0 =	vmov s31;
	s18 =	sadd.s32 $0x8C00, s7;
	s24 =	sshrl.u32 @p0 s4, $0x3;
	s23 =	sshrl.u32 @!p1 s23, $0x3  }
.LBB2_1:
0x17: {  	s4 =	simm.s32 $0x0  }
0x18: {  	s0 =	sand.u32 $0x7E00, s4  }
0x19: {  	s4 =	sand.u32 $0x70, s4;
	s30 =	sshrl.u32 s0, $0x2  }
0x1a: {  	s0 =	simm.s32 $0x40;
	s4 =	sor.u32 s4, s30;
	s30 =	simm.s32 $0x0  }
.LBB2_2:
0x1b: {  	p3 =	sne.s32 s0, $0x4FC0  }
0x1c: {  	[tilespmem:s4+$0xA000] =	vst v1;
	s30 =	sadd.s32 $0x10, s30;
	s4 =	smov.u32 s0;
	s0 =	sadd.s32 $0x40, s0  }
.Ltmp0:
0x1d: {  	(pc) =	sbr.rel @p3 .LBB2_2-.Ltmp0, $4  }
0x1e: {  	_ = 	snop  }
0x1f: {  	s4 =	sand.u32 $0x7E00, s4  }
0x20: {  	s31 =	sand.u32 $0x70, s30;
	s4 =	sshrl.u32 s4, $0x2  }
0x21: {  	s4 =	sor.u32 s31, s4  }
0x22: {  	[tilespmem:s4+$0xA000] =	vst v1  }
0x23: {  	[spmem:s7] =	stream.linear.scatter [tilespmem:s19], [sflag:$0x3], $0x1400, $0x38;
	[tilespmem:$0x1D600] =	vst v63  }
0x24: {  	_ =	swait.ge [sflag:s20], $0x1400  }
0x25: {  	[sflag:s20] =	ssyncset.done $0x0  }
0x26: {  	[sflag:s20] =	ssyncadd.s32 $0xFFFFEC00  }
0x27: {  	[spmem:s12] =	stream.linear.scatter [tilespmem:s19], [sflag:$0x3], $0x1400, $0x38;
	[tilespmem:$0x1D600] =	vst v63  }
0x28: {  	_ =	swait.ge [sflag:s20], $0x1400  }
0x29: {  	[sflag:s20] =	ssyncset.done $0x0  }
0x2a: {  	[sflag:s20] =	ssyncadd.s32 $0xFFFFEC00  }
0x2b: {  	[spmem:s13] =	stream.linear.scatter [tilespmem:s19], [sflag:$0x3], $0x1400, $0x38;
	[tilespmem:$0x1D600] =	vst v63  }
0x2c: {  	_ =	swait.ge [sflag:s20], $0x1400  }
0x2d: {  	[sflag:s20] =	ssyncset.done $0x0  }
0x2e: {  	[sflag:s20] =	ssyncadd.s32 $0xFFFFEC00  }
0x2f: {  	[spmem:s14] =	stream.linear.scatter [tilespmem:s19], [sflag:$0x3], $0x1400, $0x38;
	[tilespmem:$0x1D600] =	vst v63  }
0x30: {  	_ =	swait.ge [sflag:s20], $0x1400  }
0x31: {  	[sflag:s20] =	ssyncset.done $0x0  }
0x32: {  	[sflag:s20] =	ssyncadd.s32 $0xFFFFEC00  }
0x33: {  	[spmem:s15] =	stream.linear.scatter [tilespmem:s19], [sflag:$0x3], $0x1400, $0x38;
	[tilespmem:$0x1D600] =	vst v63  }
0x34: {  	_ =	swait.ge [sflag:s20], $0x1400  }
0x35: {  	[sflag:s20] =	ssyncset.done $0x0  }
0x36: {  	[sflag:s20] =	ssyncadd.s32 $0xFFFFEC00  }
0x37: {  	[spmem:s16] =	stream.linear.scatter [tilespmem:s19], [sflag:$0x3], $0x1400, $0x38;
	[tilespmem:$0x1D600] =	vst v63  }
0x38: {  	_ =	swait.ge [sflag:s20], $0x1400  }
0x39: {  	[sflag:s20] =	ssyncset.done $0x0  }
0x3a: {  	[sflag:s20] =	ssyncadd.s32 $0xFFFFEC00  }
0x3b: {  	[spmem:s17] =	stream.linear.scatter [tilespmem:s19], [sflag:$0x3], $0x1400, $0x38;
	[tilespmem:$0x1D600] =	vst v63  }
0x3c: {  	_ =	swait.ge [sflag:s20], $0x1400  }
0x3d: {  	[sflag:s20] =	ssyncset.done $0x0  }
0x3e: {  	[sflag:s20] =	ssyncadd.s32 $0xFFFFEC00  }
0x3f: {  	[spmem:s18] =	stream.linear.scatter [tilespmem:s19], [sflag:$0x3], $0x1400, $0x38;
	[tilespmem:$0x1D600] =	vst v63  }
0x40: {  	_ =	swait.ge [sflag:s20], $0x1400  }
0x41: {  	[sflag:s20] =	ssyncset.done $0x0  }
0x42: {  	s0 =	simm.s32 $0x0;
	s5 =	rddreg [dreg:$0x5];
	[sflag:s20] =	ssyncadd.s32 $0xFFFFEC00  }
0x43: {  	[tilespmem:s0], [sflag:$0x3] =	stream.linear.gather [hbm4b:s5+s0], $0x4F00, $0x38;
	[tilespmem:$0x1D600] =	vst v63  }
0x44: {  	_ =	swait.ge [sflag:s20], $0x4F00  }
0x45: {  	[sflag:s20] =	ssyncset.done $0x0  }
0x46: {  	s5 =	simm.s32 $0x5000;
	[sflag:s20] =	ssyncadd.s32 $0xFFFFB100  }
0x47: {  	[tilespmem:s5], [sflag:$0x3] =	stream.linear.gather [hbm4b:s6+s0], $0x4F00, $0x38;
	[tilespmem:$0x1D600] =	vst v63  }
0x48: {  	s5 =	sand.u32 $0x1FE00, s0;
	_ =	swait.ge [sflag:s20], $0x4F00  }
0x49: {  	s0 =	sand.u32 $0x70, s0;
	s4 =	sshrl.u32 s5, $0x2;
	[sflag:s20] =	ssyncset.done $0x0  }
0x4a: {  	s30 =	sor.u32 s0, s4;
	[sflag:s20] =	ssyncadd.s32 $0xFFFFB100  }
0x4b: {  	v3 =	vld [tilespmem:s30+$0x5000];
	_ =	sdelay $0x4  }
0x4c: {  	s5 =	simm.s32 $0x40;
	v2 =	vadd.s32 v0, v3;
	v3 =	vand.u32 $0x3F, v3  }
0x4d: {  	s31 =	simm.s32 $0x80;
	s4 =	sand.u32 $0x1FE00, s5;
	s0 =	simm.s32 $0x10;
	vm0 =	vlt.u32 v2, $0x1408;
	v3 =	vor.u32 $0x1400, v3  }
.LBB2_4:
0x4e: {  	p3 =	sne.s32 s31, $0x13BC0;
	s5 =	sand.u32 $0x70, s0;
	s4 =	sshrl.u32 s4, $0x2;
	v2 =	vsel vm0, v2, v3  }
0x4f: {  	[tilespmem:s30+$0x5000] =	vst v2;
	s30 =	sor.u32 s5, s4  }
0x50: {  	v3 =	vld [tilespmem:s30+$0x5000];
	_ =	sdelay $0x1  }
.Ltmp1:
0x51: {  	(pc) =	sbr.rel @p3 .LBB2_4-.Ltmp1, $3  }
0x52: {  	_ =	sdelay $0x1  }
0x53: {  	v2 =	vadd.s32 v0, v3;
	v3 =	vand.u32 $0x3F, v3  }
0x54: {  	s0 =	sadd.s32 $0x10, s0;
	s4 =	sand.u32 $0x1FE00, s31;
	s31 =	sadd.s32 $0x40, s31;
	vm0 =	vlt.u32 v2, $0x1408;
	v3 =	vor.u32 $0x1400, v3  }
0x55: {  	s0 =	sand.u32 $0x70, s0;
	s4 =	sshrl.u32 s4, $0x2;
	v2 =	vsel vm0, v2, v3  }
0x56: {  	s0 =	sor.u32 s0, s4;
	[tilespmem:s30+$0x5000] =	vst v2  }
0x57: {  	v2 =	vld [tilespmem:s0+$0x5000];
	_ =	sdelay $0x4  }
0x58: {  	v3 =	vadd.s32 v0, v2;
	v2 =	vand.u32 $0x3F, v2  }
0x59: {  	vm15 =	vlt.u32 v3, $0x1408;
	v2 =	vor.u32 $0x1400, v2  }
0x5a: {  	v2 =	vsel vm15, v3, v2  }
0x5b: {  	[tilespmem:s0+$0x5000] =	vst v2  }
0x5c: {  	s5 =	simm.s32 $0x0;
	[bflag:$0x0] =	sbarrier.arrive $0xFFFF  }
0x5d: {  	[tilespmem:s25], [sflag:$0x1] =	stream.indirect.gather [hbm4b:s1+s22], $0x80, s5, s22, $0xb8;
	[tilespmem:$0x1D600] =	vst v63  }
0x5e: {  	s31 =	simm.s32 $0x80  }
0x5f: {  	[tilespmem:s26], [sflag:$0x2] =	stream.indirect.gather [hbm4b:s1+s22], $0x80, s31, s22, $0xb8;
	[tilespmem:$0x1D600] =	vst v63  }
0x60: {  	_ =	swait.ge [sflag:s28], $0x4000  }
0x61: {  	[sflag:s28] =	ssyncset.done $0x0  }
0x62: {  	s4 =	simm.s32 $0x5000;
	[sflag:s28] =	ssyncadd.s32 $0xFFFFC000  }
0x63: {  	[spmem:s3] =	stream.indirect.scatter.add.f32 [tilespmem:s25], [sflag:$0x3], $0x80, s4, s22, $0xb8;
	[tilespmem:$0x1D600] =	vst v63  }
0x64: {  	_ =	swait.ge [sflag:s20], $0x4000  }
0x65: {  	[sflag:s20] =	ssyncset.done $0x0  }
0x66: {  	s5 =	simm.s32 $0x100;
	[sflag:s20] =	ssyncadd.s32 $0xFFFFC000  }
0x67: {  	[tilespmem:s25], [sflag:$0x1] =	stream.indirect.gather [hbm4b:s1+s22], $0x80, s5, s22, $0xb8;
	[tilespmem:$0x1D600] =	vst v63  }
0x68: {  	_ =	swait.ge [sflag:s29], $0x4000  }
0x69: {  	[sflag:s29] =	ssyncset.done $0x0  }
0x6a: {  	s31 =	simm.s32 $0x5080;
	[sflag:s29] =	ssyncadd.s32 $0xFFFFC000  }
0x6b: {  	[spmem:s3] =	stream.indirect.scatter.add.f32 [tilespmem:s26], [sflag:$0x3], $0x80, s31, s22, $0xb8;
	[tilespmem:$0x1D600] =	vst v63  }
0x6c: {  	_ =	swait.ge [sflag:s20], $0x4000  }
0x6d: {  	s30 =	simm.s32 $0x100;
	s0 =	simm.s32 $0x800;
	[sflag:s20] =	ssyncset.done $0x0  }
.LBB2_6:
0x6e: {  	s4 =	sadd.s32 $0x80, s30  }
0x6f: {  	[sflag:s20] =	ssyncadd.s32 $0xFFFFC000;
	s5 =	smov.u32 s0;
	s31 =	sadd.s32 $0x400, s0  }
0x70: {  	[tilespmem:s26], [sflag:$0x2] =	stream.indirect.gather [hbm4b:s1+s22], $0x80, s4, s22, $0xb8;
	[tilespmem:$0x1D600] =	vst v63  }
0x71: {  	p3 =	sne.s32 s0, $0x13400;
	_ =	swait.ge [sflag:s28], $0x4000  }
0x72: {  	[sflag:s28] =	ssyncset.done $0x0  }
0x73: {  	s0 =	sadd.s32 $0x5000, s30;
	[sflag:s28] =	ssyncadd.s32 $0xFFFFC000  }
0x74: {  	[spmem:s3] =	stream.indirect.scatter.add.f32 [tilespmem:s25], [sflag:$0x3], $0x80, s0, s22, $0xb8;
	[tilespmem:$0x1D600] =	vst v63  }
0x75: {  	_ =	swait.ge [sflag:s20], $0x4000  }
0x76: {  	[sflag:s20] =	ssyncset.done $0x0  }
0x77: {  	s0 =	sadd.s32 $0x100, s30;
	[sflag:s20] =	ssyncadd.s32 $0xFFFFC000  }
0x78: {  	[tilespmem:s25], [sflag:$0x1] =	stream.indirect.gather [hbm4b:s1+s22], $0x80, s0, s22, $0xb8;
	[tilespmem:$0x1D600] =	vst v63  }
0x79: {  	_ =	swait.ge [sflag:s29], $0x4000  }
.Ltmp2:
0x7a: {  	[sflag:s29] =	ssyncset.done $0x0;
	(pc) =	sbr.rel @p3 .LBB2_6-.Ltmp2, $4  }
0x7b: {  	s0 =	sadd.s32 $0x5080, s30;
	[sflag:s29] =	ssyncadd.s32 $0xFFFFC000  }
0x7c: {  	[spmem:s3] =	stream.indirect.scatter.add.f32 [tilespmem:s26], [sflag:$0x3], $0x80, s0, s22, $0xb8;
	[tilespmem:$0x1D600] =	vst v63  }
0x7d: {  	_ =	swait.ge [sflag:s20], $0x4000  }
0x7e: {  	s30 =	sshra.s32 s5, $0x2;
	s0 =	smov.u32 s31;
	[sflag:s20] =	ssyncset.done $0x0  }
0x7f: {  	s0 =	sadd.s32 $0x80, s30;
	[sflag:s20] =	ssyncadd.s32 $0xFFFFC000  }
0x80: {  	[tilespmem:s26], [sflag:$0x2] =	stream.indirect.gather [hbm4b:s1+s22], $0x80, s0, s22, $0xb8;
	[tilespmem:$0x1D600] =	vst v63  }
0x81: {  	_ =	swait.ge [sflag:s28], $0x4000  }
0x82: {  	[sflag:s28] =	ssyncset.done $0x0  }
0x83: {  	s5 =	sadd.s32 $0x5000, s30;
	[sflag:s28] =	ssyncadd.s32 $0xFFFFC000  }
0x84: {  	[spmem:s3] =	stream.indirect.scatter.add.f32 [tilespmem:s25], [sflag:$0x3], $0x80, s5, s22, $0xb8;
	[tilespmem:$0x1D600] =	vst v63  }
0x85: {  	_ =	swait.ge [sflag:s20], $0x4000  }
0x86: {  	[sflag:s20] =	ssyncset.done $0x0  }
0x87: {  	s31 =	sadd.s32 $0x100, s30;
	[sflag:s20] =	ssyncadd.s32 $0xFFFFC000  }
0x88: {  	[tilespmem:s25], [sflag:$0x1] =	stream.indirect.gather [hbm4b:s1+s22], $0x80, s31, s22, $0xb8;
	[tilespmem:$0x1D600] =	vst v63  }
0x89: {  	_ =	swait.ge [sflag:s29], $0x4000  }
0x8a: {  	[sflag:s29] =	ssyncset.done $0x0  }
0x8b: {  	s4 =	sadd.s32 $0x5080, s30;
	[sflag:s29] =	ssyncadd.s32 $0xFFFFC000  }
0x8c: {  	[spmem:s3] =	stream.indirect.scatter.add.f32 [tilespmem:s26], [sflag:$0x3], $0x80, s4, s22, $0xb8;
	[tilespmem:$0x1D600] =	vst v63  }
0x8d: {  	_ =	swait.ge [sflag:s20], $0x4000  }
0x8e: {  	[sflag:s20] =	ssyncset.done $0x0  }
0x8f: {  	s5 =	simm.s32 $0x4E80;
	[sflag:s20] =	ssyncadd.s32 $0xFFFFC000  }
0x90: {  	[tilespmem:s26], [sflag:$0x2] =	stream.indirect.gather [hbm4b:s1+s22], $0x80, s5, s22, $0xb8;
	[tilespmem:$0x1D600] =	vst v63  }
0x91: {  	_ =	swait.ge [sflag:s28], $0x4000  }
0x92: {  	[sflag:s28] =	ssyncset.done $0x0  }
0x93: {  	s30 =	simm.s32 $0x9E00;
	[sflag:s28] =	ssyncadd.s32 $0xFFFFC000  }
0x94: {  	[spmem:s3] =	stream.indirect.scatter.add.f32 [tilespmem:s25], [sflag:$0x3], $0x80, s30, s22, $0xb8;
	[tilespmem:$0x1D600] =	vst v63  }
0x95: {  	_ =	swait.ge [sflag:s20], $0x4000  }
0x96: {  	[sflag:s20] =	ssyncset.done $0x0  }
0x97: {  	[sflag:s20] =	ssyncadd.s32 $0xFFFFC000  }
0x98: {  	_ =	swait.ge [sflag:s29], $0x4000  }
0x99: {  	[sflag:s29] =	ssyncset.done $0x0  }
0x9a: {  	s31 =	simm.s32 $0x9E80;
	[sflag:s29] =	ssyncadd.s32 $0xFFFFC000  }
0x9b: {  	[spmem:s3] =	stream.indirect.scatter.add.f32 [tilespmem:s26], [sflag:$0x3], $0x80, s31, s22, $0xb8;
	[tilespmem:$0x1D600] =	vst v63  }
0x9c: {  	_ =	swait.ge [sflag:s20], $0x4000  }
0x9d: {  	[sflag:s20] =	ssyncset.done $0x0  }
0x9e: {  	s0 =	sshll.u32 @!p2 s2, $0x6;
	[sflag:s20] =	ssyncadd.s32 $0xFFFFC000  }
0x9f: {  	s0 =	sor.u32 @!p2 $0x1C03, s0;
	s4 =	sshrl.u32 @!p2 s7, $0x3;
	[bflag:$0x0] =	sbarrier.arrive $0xFFFF  }
0xa0: {  	[hbm:s8], [sflag:s0] =	dma.local @!p2 [spmem:s4], $0x1400  }
0xa1: {  	s0 =	simm.s32 @!p2 $0x3  }
0xa2: {  	_ =	swait.ge @!p2 [sflag:s0], $0x1400  }
0xa3: {  	[sflag:s0] =	ssyncset.done @!p2 $0x0  }
0xa4: {  	[sflag:s0] =	ssyncadd.s32 @!p2 $0xFFFFEC00;
	s0 =	simm.s32 @!p1 $0x1F03  }
0xa5: {  	[hbm:s9], [sflag:s0] =	dma.local @!p1 [spmem:s23], $0x500  }
0xa6: {  	s0 =	simm.s32 @!p1 $0x3  }
0xa7: {  	_ =	swait.ge @!p1 [sflag:s0], $0x500  }
0xa8: {  	s21 =	sadd.s32 $0x1, s21;
	s4 =	sshll.u32 @p0 s2, $0x6;
	[sflag:s0] =	ssyncset.done @!p1 $0x0  }
0xa9: {  	p3 =	sne.s32 s21, s11;
	[sflag:s0] =	ssyncadd.s32 @!p1 $0xFFFFFB00;
	s0 =	sor.u32 @p0 $0x1C03, s4  }
0xaa: {  	[hbm:s10], [sflag:s0] =	dma.local @p0 [spmem:s24], $0x1900  }
.Ltmp3:
0xab: {  	_ = 	snop;
	(pc) =	sbr.rel @p3 .LBB2_1-.Ltmp3, $4  }
0xac: {  	s0 =	simm.s32 @p0 $0x3  }
0xad: {  	_ =	swait.ge @p0 [sflag:s0], $0x1900  }
0xae: {  	[sflag:s0] =	ssyncset.done @p0 $0x0  }
0xaf: {  	[sflag:s0] =	ssyncadd.s32 @p0 $0xFFFFE700  }
0xb0: {  	_ =	sfence.sel $0x180000  }
0xb1: {  	[bflag:$0x0] =	sbarrier.arrive $0xFFFF  }
0xb2: {  	_ =	strace $0x9000004A  }
0xb3: {  	[bflag:$0x2] =	sbarrier.arrive $0xFFFF  }
0xb4: {  	p0 =	sne.s32 s2, $0x0;
	s0 =	rddreg [dreg:$0x4]  }
0xb5: {  	s0 =	sadd.s32 @!p0 $0x100000, s0  }
0xb6: {  	[sflag:s0] =	ssyncadd.tile.s32 @!p0 $0x1;
	_ =	shalt  }
.Lfunc_end2:
_tile_overlayer_lowered:
.L_overlay_start_2:
0xb7: {  	(tag) =	ssettag $0x2  }
0xb8: {  	s0 =	rddreg [dreg:$0x0];
	s2 =	stileid.u32  }
0xb9: {  	s1 =	rddreg [dreg:$0x1];
	p0 =	sne.s32 s2, $0x0  }
0xba: {  	s3 =	rddreg [dreg:$0x2];
	[bflag:$0x3] =	sbarrier.arrive $0xFFFF;
	s2 =	simm.s32 @!p0 $0x1C03  }
0xbb: {  	[timem:s3], [sflag:s2] =	dma.local @!p0 [hbm:s0], s1  }
0xbc: {  	s0 =	simm.s32 @!p0 $0x3  }
0xbd: {  	_ =	swait.ge @!p0 [sflag:s0], s1  }
0xbe: {  	s1 =	ssub.s32 @!p0 $0x0, s1;
	[sflag:s0] =	ssyncset.done @!p0 $0x0  }
0xbf: {  	[sflag:s0] =	ssyncadd.s32 @!p0 s1  }
0xc0: {  	[bflag:$0x3] =	sbarrier.arrive $0xFFFF  }
0xc1: {  	_ =	shalt  }

// kernel: kernel.16.cloned.1.call-start
scs
__scs_entry_jumppad:
0x0: {  	(pc) =	sbr.rel $0x88, $3  }
0x1: {  	(tag) =	ssettag $0x0;
	lr =	simm.s32 $0x1  }
0x2: {  	[smem:$0x3F95] =	sst lr;
	_ =	strace $0xD0000000  }
0x3: {  	_ = 	snop  }
0x4: {  	_ = 	snop  }
0x5: {  	_ = 	snop  }
0x6: {  	_ = 	snop  }
0x7: {  	_ = 	snop  }
__scs_overlays_trampoline_lowered:
0x8: {  	[smem:$0x3FA4] =	sst s0  }
0x9: {  	[smem:$0x3FA5] =	sst s1  }
0xa: {  	[smem:$0x3FA6] =	sst s2  }
0xb: {  	[smem:$0x3FA7] =	sst s3  }
0xc: {  	[smem:$0x3FA8] =	sst s4  }
0xd: {  	[smem:$0x3FA9] =	sst s5  }
0xe: {  	[smem:$0x3FAA] =	sst s6  }
0xf: {  	[smem:$0x3FAB] =	sst s7  }
0x10: {  	[smem:$0x3FAC] =	sst s8  }
0x11: {  	[smem:$0x3FAD] =	sst s9;
	s0 =	simm.s32 @!p0 $0x0  }
0x12: {  	s1 =	sld [smem:$0x3F93];
	s0 =	simm.s32 @p0 $0x1  }
0x13: {  	[smem:$0x3FAE] =	sst s0;
	s0 =	simm.s32 @!p1 $0x0  }
0x14: {  	s2 =	sld [smem:$0x3F92];
	s0 =	simm.s32 @p1 $0x1  }
0x15: {  	[smem:$0x3FAF] =	sst s0;
	s0 =	simm.s32 @!p2 $0x0  }
0x16: {  	s3 =	sld [smem:$0x3FDB];
	s0 =	simm.s32 @p2 $0x1  }
0x17: {  	s4 =	simm.s32 $0x1BF5;
	[smem:$0x3FB1] =	sst s0  }
0x18: {  	s0 =	sld [smem:$0x3F94];
	_ =	swait.ge [sflag:s4], $0x0  }
0x19: {  	s7 =	sld [smem:$0x3F95]  }
0x1a: {  	s8 =	sadd.s32 $0xFFFFE003, lr  }
0x1b: {  	s9 =	sadd.s32 $0xFFFFFEF7, lr;
	s5 =	simm.s32 $0xFFFFFFFF;
	p2 =	slt.u32 s8, $0xFFFFF086  }
0x1c: {  	p1 =	slt.u32 s9, $0xF7A;
	s5 =	simm.s32 @!p2 $0x0  }
0x1d: {  	s5 =	simm.s32 @p1 $0x1;
	p0 =	seq.s32 s7, s2  }
0x1e: {  	s7 =	smul.u32 @!p0 $0xF7A, s2;
	p2 =	seq.s32 @!p0 s5, $0x0  }
0x1f: {  	s9 =	smul.u32 $0xF7A, s1;
	s8 =	simm.s32 @!p0 $0x1BF5;
	p2 =	por !p2, p0  }
0x20: {  	[sflag:s8] =	ssyncset.s32 @!p0 $0xFFFFF086;
	s6 =	sadd.s32 @!p0 s3, s7;
	s7 =	simm.s32 @!p0 $0x108  }
0x21: {  	s3 =	sadd.s32 s3, s9;
	s6 =	sadd.s32 @!p0 $0x88, s6;
	s7 =	simm.s32 @p2 $0x1082  }
0x22: {  	[simem:s7], [sflag:s8] =	dma.local @!p0 [hbm:s6], $0xF7A  }
0x23: {  	s9 =	sor.u32 $0xD0000000, s2;
	s6 =	simm.s32 $0x108;
	_ =	swait.ge @!p0 [sflag:s8], $0x0  }
0x24: {  	s3 =	sadd.s32 $0x88, s3;
	s6 =	simm.s32 @!p1 $0x1082;
	[sflag:s4] =	ssyncset.s32 $0xFFFFF086  }
0x25: {  	[simem:s6], [sflag:s4] =	dma.local [hbm:s3], $0xF7A  }
0x26: {  	[smem:$0x3F95] =	sst s1;
	(tag) =	ssettag s2;
	_ =	strace s9  }
0x27: {  	s1 =	sld [smem:$0x3FA5]  }
0x28: {  	s2 =	sld [smem:$0x3FA6]  }
0x29: {  	s4 =	sld [smem:$0x3FA8]  }
0x2a: {  	p0 =	seq.s32 s5, $0x0;
	s5 =	sld [smem:$0x3FA9]  }
0x2b: {  	s6 =	sld [smem:$0x3FAA]  }
0x2c: {  	s7 =	sld [smem:$0x3FAB]  }
0x2d: {  	s3 =	simm.s32 $0x108;
	s8 =	sld [smem:$0x3FAC]  }
0x2e: {  	s3 =	simm.s32 @!p0 $0x1082;
	s9 =	sld [smem:$0x3FAD]  }
0x2f: {  	lr =	sadd.s32 s0, s3;
	s0 =	sld [smem:$0x3FA4]  }
0x30: {  	s3 =	sld [smem:$0x3FA7]  }
0x31: {  	[smem:$0x3FB0] =	sst s10  }
0x32: {  	s10 =	sld [smem:$0x3FAE];
	_ =	sdelay $0x3  }
0x33: {  	p0 =	seq.s32 s10, $0x1;
	s10 =	sld [smem:$0x3FB0];
	_ =	sdelay $0x3  }
0x34: {  	[smem:$0x3FB0] =	sst s10  }
0x35: {  	s10 =	sld [smem:$0x3FAF];
	_ =	sdelay $0x3  }
0x36: {  	p1 =	seq.s32 s10, $0x1;
	s10 =	sld [smem:$0x3FB0];
	_ =	sdelay $0x3  }
0x37: {  	[smem:$0x3FB0] =	sst s10  }
0x38: {  	s10 =	sld [smem:$0x3FB1]  }
0x39: {  	_ = 	snop;
	(pc) =	sbr.ind lr, $3  }
0x3a: {  	_ = 	snop  }
0x3b: {  	_ = 	snop  }
0x3c: {  	p2 =	seq.s32 s10, $0x1;
	s10 =	sld [smem:$0x3FB0]  }
0x3d: {  	_ =	shalt  }
0x3e: {  	_ =	shalt  }
0x3f: {  	_ =	shalt  }
0x40: {  	_ =	shalt  }
0x41: {  	_ =	shalt  }
0x42: {  	_ =	shalt  }
0x43: {  	_ =	shalt  }
0x44: {  	_ =	shalt  }
0x45: {  	_ =	shalt  }
0x46: {  	_ =	shalt  }
0x47: {  	_ =	shalt  }
0x48: {  	_ =	shalt  }
0x49: {  	_ =	shalt  }
0x4a: {  	_ =	shalt  }
0x4b: {  	_ =	shalt  }
0x4c: {  	_ =	shalt  }
0x4d: {  	_ =	shalt  }
0x4e: {  	_ =	shalt  }
0x4f: {  	_ =	shalt  }
0x50: {  	_ =	shalt  }
0x51: {  	_ =	shalt  }
0x52: {  	_ =	shalt  }
0x53: {  	_ =	shalt  }
0x54: {  	_ =	shalt  }
0x55: {  	_ =	shalt  }
0x56: {  	_ =	shalt  }
0x57: {  	_ =	shalt  }
0x58: {  	_ =	shalt  }
0x59: {  	_ =	shalt  }
0x5a: {  	_ =	shalt  }
0x5b: {  	_ =	shalt  }
0x5c: {  	_ =	shalt  }
0x5d: {  	_ =	shalt  }
0x5e: {  	_ =	shalt  }
0x5f: {  	_ =	shalt  }
0x60: {  	_ =	shalt  }
0x61: {  	_ =	shalt  }
0x62: {  	_ =	shalt  }
0x63: {  	_ =	shalt  }
0x64: {  	_ =	shalt  }
0x65: {  	_ =	shalt  }
0x66: {  	_ =	shalt  }
0x67: {  	_ =	shalt  }
0x68: {  	_ =	shalt  }
0x69: {  	_ =	shalt  }
0x6a: {  	_ =	shalt  }
0x6b: {  	_ =	shalt  }
0x6c: {  	_ =	shalt  }
0x6d: {  	_ =	shalt  }
0x6e: {  	_ =	shalt  }
0x6f: {  	_ =	shalt  }
0x70: {  	_ =	shalt  }
0x71: {  	_ =	shalt  }
0x72: {  	_ =	shalt  }
0x73: {  	_ =	shalt  }
0x74: {  	_ =	shalt  }
0x75: {  	_ =	shalt  }
0x76: {  	_ =	shalt  }
0x77: {  	_ =	shalt  }
0x78: {  	_ =	shalt  }
0x79: {  	_ =	shalt  }
0x7a: {  	_ =	shalt  }
0x7b: {  	_ =	shalt  }
0x7c: {  	_ =	shalt  }
0x7d: {  	_ =	shalt  }
0x7e: {  	_ =	shalt  }
0x7f: {  	_ =	shalt  }
0x80: {  	_ =	shalt  }
0x81: {  	_ =	shalt  }
0x82: {  	_ =	shalt  }
0x83: {  	_ =	shalt  }
0x84: {  	_ =	shalt  }
0x85: {  	_ =	shalt  }
0x86: {  	_ =	shalt  }
0x87: {  	_ =	shalt  }
.Lfunc_end0:
.L_simem_size_0:
called_computation.2_lowered:
.L_overlay_start_0:
0x88: {  	s2 =	sld [smem:$0x3FD9]  }
0x89: {  	s3 =	sld [smem:$0x3FFE];
	_ =	sdelay $0x1  }
0x8a: {  	s1 =	srdreg.scid  }
0x8b: {  	s0 =	sand.u32 $0x1, s1  }
0x8c: {  	s14 =	sshll.u32 s0, $0xA;
	s2 =	sadd.s32 s3, s2  }
0x8d: {  	s2 =	sadd.s32 s2, s14  }
0x8e: {  	[smem:$0x3FBC] =	sst s2  }
0x8f: {  	_ = 	snop  }
0x90: {  	s2 =	sld [smem:$0x3FD0];
	_ =	sdelay $0x2  }
0x91: {  	s15 =	simm.s32 $0xA;
	s4 =	simm.s32 $0x10  }
0x92: {  	[smem:s4], [sflag:s15] =	dma.local [hbm:s2], $0x1  }
0x93: {  	_ =	swait.eq [sflag:s15], $0x1  }
0x94: {  	[sflag:s15] =	ssyncset.done $0x0  }
0x95: {  	s16 =	sld [smem:$0x10];
	[sflag:s15] =	ssyncadd.s32 $0xFFFFFFFF  }
0x96: {  	s17 =	sld [smem:$0x11];
	(tm) =	ssettm $0x1  }
0x97: {  	s18 =	sld [smem:$0x3FFB];
	_ =	sdelay $0x3  }
0x98: {  	_ =	strace s18  }
0x99: {  	s4 =	sld [smem:$0x3FFC];
	_ =	sdelay $0x3  }
0x9a: {  	_ =	strace s4  }
0x9b: {  	s4 =	sld [smem:$0x3FFD];
	_ =	sdelay $0x3  }
0x9c: {  	_ =	strace s4  }
0x9d: {  	_ =	strace $0x8FFFFFFF  }
0x9e: {  	s19 =	sld [smem:$0x3FDB];
	_ =	sdelay $0x1  }
0x9f: {  	s5 =	simm.s32 $_scs_section_size  }
0xa0: {  	s6 =	simm.s32 $_size__tile_overlayer_lowered;
	s7 =	simm.s32 $_tile_overlayer_lowered  }
0xa1: {  	s22 =	simm.s32 $0x1BFF;
	s21 =	sshll.u32 s7, $0x1;
	s4 =	sadd.s32 s5, s19  }
0xa2: {  	s8 =	simm.s32 $0x0;
	s20 =	sshll.u32 s6, $0x1;
	s6 =	sadd.s32 s21, s4  }
0xa3: {  	[timem:s8], [sflag:s22] =	dma.local [hbm:s6], s20  }
0xa4: {  	_ =	swait.ge [sflag:s22], s20  }
0xa5: {  	s5 =	ssub.s32 $0x0, s20;
	[sflag:s22] =	ssyncset.done $0x0  }
0xa6: {  	[sflag:s22] =	ssyncadd.s32 s5;
	_ =	sdelay $0x1  }
0xa7: {  	s23 =	simm.s32 $0x1B8B  }
0xa8: {  	_ =	swait.ge [sflag:s23], $0x1  }
0xa9: {  	[sflag:s23] =	ssyncset.done $0x0  }
0xaa: {  	s25 =	simm.s32 $0x1B8E;
	s24 =	sld [smem:$0x3FFE];
	[sflag:s23] =	ssyncadd.s32 $0xFFFFFFFF  }
0xab: {  	s26 =	simm.s32 $execute0_lowered;
	[smem:$0x3FD2] =	sst s25  }
0xac: {  	s6 =	sshll.u32 s26, $0x1;
	_ =	strace $0x8000004C;
	[dreg:$0x1] =	wrdreg $0xFFFFFFFF  }
0xad: {  	s28 =	simm.s32 $_size_execute0_lowered;
	s4 =	sadd.s32 s4, s6;
	[dreg:$0x0] =	wrdreg $0x0  }
0xae: {  	s6 =	sshll.u32 s28, $0x1;
	[dreg:$0x2] =	wrdreg s4  }
0xaf: {  	[dreg:$0x3] =	wrdreg s6  }
0xb0: {  	[dreg:$0x4] =	wrdreg $0xC0  }
0xb1: {  	_ =	task [dreg:s8], $0x5FFFF  }
0xb2: {  	[dreg:$0x1] =	wrdreg $0xFFFFFFFF  }
0xb3: {  	[dreg:$0x0] =	wrdreg $0x60  }
0xb4: {  	[dreg:$0x2] =	wrdreg s24  }
0xb5: {  	[dreg:$0x3] =	wrdreg s16  }
0xb6: {  	[dreg:$0x4] =	wrdreg s17  }
0xb7: {  	[dreg:$0x5] =	wrdreg $0xB4000  }
0xb8: {  	[dreg:$0x6] =	wrdreg $0x9  }
0xb9: {  	_ =	task.clear_ibuf [dreg:s8], $0x7FFFF;
	_ =	strace $0x9000004C  }
0xba: {  	s29 =	simm.s32 $0x9;
	_ =	strace $0x8000004E  }
0xbb: {  	_ =	swait.ge [sflag:s29], $0x1  }
0xbc: {  	[sflag:s29] =	ssyncadd.s32 $0xFFFFFFFF  }
0xbd: {  	_ =	strace $0x9000004E  }
0xbe: {  	_ =	sfence  }
0xbf: {  	s30 =	sld [smem:$0x0];
	_ =	sdelay $0x2  }
0xc0: {  	s31 =	sshll.u32 s1, $0xD;
	s1 =	sshrl.u32 s1, $0x2  }
0xc1: {  	s3 =	sand.u32 $0x4000, s31;
	s1 =	sadd.s32 s1, s30  }
0xc2: {  	s0 =	sor.u32 s3, s0;
	s1 =	sshll.u32 s1, $0x11  }
0xc3: {  	s0 =	sor.u32 s1, s0  }
0xc4: {  	s0 =	sadd.s32 $0x8F2B, s0  }
0xc5: {  	[sflag:s0] =	ssyncadd.remote.s32 $0x1  }
0xc6: {  	_ =	sfence.sel $0xFFFF  }
0xc7: {  	[dreg:$0x0] =	wrdreg $0xFFFFFFFF;
	(pc) =	sbr.abs _section_cstart, $3  }
0xc8: {  	[dreg:$0x1] =	wrdreg $0xFFFFFFFF  }
0xc9: {  	_ =	task.clear_ibuf [dreg:s8], $0x2FFFF;
	_ =	strace $0x9FFFFFFF  }
0xca: {  	(tm) =	ssettm $0x7FFFFFFF  }
0xcb: {  	_ =	shalt  }
tec
execute0_lowered:
.L_overlay_start_1:
0x0: {  	(tag) =	ssettag $0x1  }
0x1: {  	s0 =	rddreg [dreg:$0x0]  }
0x2: {  	s1 =	rddreg [dreg:$0x1]  }
0x3: {  	s4 =	rddreg [dreg:$0x2]  }
0x4: {  	s3 =	rddreg [dreg:$0x3];
	s6 =	simm.s32 $0x0;
	s2 =	stileid.u32  }
0x5: {  	s5 =	srdreg.scid;
	s19 =	simm.s32 $0xA000;
	s25 =	smul.u32 $0xA00, s2  }
0x6: {  	s20 =	simm.s32 $0x3;
	s22 =	simm.s32 $0x80;
	s7 =	smul.u32 $0x28000, s2  }
0x7: {  	s28 =	simm.s32 $0x1;
	s29 =	simm.s32 $0x2;
	s8 =	smul.u32 $0x1400, s2  }
0x8: {  	[smem:$0x7FF] =	sst s6;
	s21 =	sand.u32 $0x1, s5;
	s9 =	smul.u32 $0xC800, s2  }
0x9: {  	p1 =	slt.u32 s2, $0xC;
	p2 =	seq.s32 s2, $0xC;
	s10 =	smul.u32 $0x32000, s2  }
0xa: {  	s23 =	sadd.s32 $0x96000, s3;
	_ =	strace $0x8000004D;
	s5 =	ssub.s32 $0x2, s21  }
0xb: {  	s31 =	smul.u32 $0xFFFFEC00, s21;
	p0 =	seq.s32 s21, $0x1;
	s0 =	sadd.s32 s25, s0  }
0xc: {  	s26 =	sshrl.u32 s5, $0x1;
	s7 =	sshrl.u32 s7, $0x2;
	s8 =	sadd.s32 s4, s8  }
0xd: {  	p1 =	por !p1, !p0;
	p2 =	por !p2, !p0;
	s9 =	sshrl.u32 s9, $0x3  }
0xe: {  	s10 =	sshrl.u32 s10, $0x2;
	s25 =	simm.s32 $0x15600;
	s11 =	ssub.s32 s5, s26  }
0xf: {  	s30 =	sadd.s32 $0xE600, s0;
	s6 =	sadd.s32 $0x4600, s0;
	s7 =	sadd.s32 s7, s3  }
0x10: {  	p0 =	por !p1, !p1;
	p6 =	por !p2, !p2;
	s12 =	sadd.s32 s4, s9  }
0x11: {  	s9 =	sadd.s32 $0x26C00, s4;
	s4 =	sadd.s32 s10, s3;
	p2 =	sne.s32 s21, $0x0  }
0x12: {  	s26 =	simm.s32 $0x19600;
	s21 =	simm.s32 $0x0;
	[dreg:$0x5] =	wrdreg s30  }
0x13: {  	s10 =	sadd.s32 $0x14000, s12;
	s11 =	smax.u32 s11, $0x1;
	s12 =	sadd.s32 $0x1400, s7  }
0x14: {  	s13 =	sadd.s32 $0x2800, s7;
	s14 =	sadd.s32 $0x3C00, s7;
	s15 =	sadd.s32 $0x5000, s7  }
0x15: {  	s16 =	sadd.s32 $0x6400, s7;
	s17 =	sadd.s32 $0x7800, s7;
	p1 =	por !p6, p0  }
0x16: {  	v1 =	vimm.f32 $0.0e+00;
	v0 =	vmov s31;
	s18 =	sadd.s32 $0x8C00, s7;
	s24 =	sshrl.u32 @p0 s4, $0x3;
	s23 =	sshrl.u32 @!p1 s23, $0x3  }
.LBB2_1:
0x17: {  	s4 =	simm.s32 $0x0  }
0x18: {  	s0 =	sand.u32 $0x7E00, s4  }
0x19: {  	s4 =	sand.u32 $0x70, s4;
	s30 =	sshrl.u32 s0, $0x2  }
0x1a: {  	s0 =	simm.s32 $0x40;
	s4 =	sor.u32 s4, s30;
	s30 =	simm.s32 $0x0  }
.LBB2_2:
0x1b: {  	p3 =	sne.s32 s0, $0x4FC0  }
0x1c: {  	[tilespmem:s4+$0xA000] =	vst v1;
	s30 =	sadd.s32 $0x10, s30;
	s4 =	smov.u32 s0;
	s0 =	sadd.s32 $0x40, s0  }
.Ltmp0:
0x1d: {  	(pc) =	sbr.rel @p3 .LBB2_2-.Ltmp0, $4  }
0x1e: {  	_ = 	snop  }
0x1f: {  	s4 =	sand.u32 $0x7E00, s4  }
0x20: {  	s31 =	sand.u32 $0x70, s30;
	s4 =	sshrl.u32 s4, $0x2  }
0x21: {  	s4 =	sor.u32 s31, s4  }
0x22: {  	[tilespmem:s4+$0xA000] =	vst v1  }
0x23: {  	[spmem:s7] =	stream.linear.scatter [tilespmem:s19], [sflag:$0x3], $0x1400, $0x38;
	[tilespmem:$0x1D600] =	vst v63  }
0x24: {  	_ =	swait.ge [sflag:s20], $0x1400  }
0x25: {  	[sflag:s20] =	ssyncset.done $0x0  }
0x26: {  	[sflag:s20] =	ssyncadd.s32 $0xFFFFEC00  }
0x27: {  	[spmem:s12] =	stream.linear.scatter [tilespmem:s19], [sflag:$0x3], $0x1400, $0x38;
	[tilespmem:$0x1D600] =	vst v63  }
0x28: {  	_ =	swait.ge [sflag:s20], $0x1400  }
0x29: {  	[sflag:s20] =	ssyncset.done $0x0  }
0x2a: {  	[sflag:s20] =	ssyncadd.s32 $0xFFFFEC00  }
0x2b: {  	[spmem:s13] =	stream.linear.scatter [tilespmem:s19], [sflag:$0x3], $0x1400, $0x38;
	[tilespmem:$0x1D600] =	vst v63  }
0x2c: {  	_ =	swait.ge [sflag:s20], $0x1400  }
0x2d: {  	[sflag:s20] =	ssyncset.done $0x0  }
0x2e: {  	[sflag:s20] =	ssyncadd.s32 $0xFFFFEC00  }
0x2f: {  	[spmem:s14] =	stream.linear.scatter [tilespmem:s19], [sflag:$0x3], $0x1400, $0x38;
	[tilespmem:$0x1D600] =	vst v63  }
0x30: {  	_ =	swait.ge [sflag:s20], $0x1400  }
0x31: {  	[sflag:s20] =	ssyncset.done $0x0  }
0x32: {  	[sflag:s20] =	ssyncadd.s32 $0xFFFFEC00  }
0x33: {  	[spmem:s15] =	stream.linear.scatter [tilespmem:s19], [sflag:$0x3], $0x1400, $0x38;
	[tilespmem:$0x1D600] =	vst v63  }
0x34: {  	_ =	swait.ge [sflag:s20], $0x1400  }
0x35: {  	[sflag:s20] =	ssyncset.done $0x0  }
0x36: {  	[sflag:s20] =	ssyncadd.s32 $0xFFFFEC00  }
0x37: {  	[spmem:s16] =	stream.linear.scatter [tilespmem:s19], [sflag:$0x3], $0x1400, $0x38;
	[tilespmem:$0x1D600] =	vst v63  }
0x38: {  	_ =	swait.ge [sflag:s20], $0x1400  }
0x39: {  	[sflag:s20] =	ssyncset.done $0x0  }
0x3a: {  	[sflag:s20] =	ssyncadd.s32 $0xFFFFEC00  }
0x3b: {  	[spmem:s17] =	stream.linear.scatter [tilespmem:s19], [sflag:$0x3], $0x1400, $0x38;
	[tilespmem:$0x1D600] =	vst v63  }
0x3c: {  	_ =	swait.ge [sflag:s20], $0x1400  }
0x3d: {  	[sflag:s20] =	ssyncset.done $0x0  }
0x3e: {  	[sflag:s20] =	ssyncadd.s32 $0xFFFFEC00  }
0x3f: {  	[spmem:s18] =	stream.linear.scatter [tilespmem:s19], [sflag:$0x3], $0x1400, $0x38;
	[tilespmem:$0x1D600] =	vst v63  }
0x40: {  	_ =	swait.ge [sflag:s20], $0x1400  }
0x41: {  	[sflag:s20] =	ssyncset.done $0x0  }
0x42: {  	s0 =	simm.s32 $0x0;
	s5 =	rddreg [dreg:$0x5];
	[sflag:s20] =	ssyncadd.s32 $0xFFFFEC00  }
0x43: {  	[tilespmem:s0], [sflag:$0x3] =	stream.linear.gather [hbm4b:s5+s0], $0x4F00, $0x38;
	[tilespmem:$0x1D600] =	vst v63  }
0x44: {  	_ =	swait.ge [sflag:s20], $0x4F00  }
0x45: {  	[sflag:s20] =	ssyncset.done $0x0  }
0x46: {  	s5 =	simm.s32 $0x5000;
	[sflag:s20] =	ssyncadd.s32 $0xFFFFB100  }
0x47: {  	[tilespmem:s5], [sflag:$0x3] =	stream.linear.gather [hbm4b:s6+s0], $0x4F00, $0x38;
	[tilespmem:$0x1D600] =	vst v63  }
0x48: {  	s5 =	sand.u32 $0x1FE00, s0;
	_ =	swait.ge [sflag:s20], $0x4F00  }
0x49: {  	s0 =	sand.u32 $0x70, s0;
	s4 =	sshrl.u32 s5, $0x2;
	[sflag:s20] =	ssyncset.done $0x0  }
0x4a: {  	s30 =	sor.u32 s0, s4;
	[sflag:s20] =	ssyncadd.s32 $0xFFFFB100  }
0x4b: {  	v3 =	vld [tilespmem:s30+$0x5000];
	_ =	sdelay $0x4  }
0x4c: {  	s5 =	simm.s32 $0x40;
	v2 =	vadd.s32 v0, v3;
	v3 =	vand.u32 $0x3F, v3  }
0x4d: {  	s31 =	simm.s32 $0x80;
	s4 =	sand.u32 $0x1FE00, s5;
	s0 =	simm.s32 $0x10;
	vm0 =	vlt.u32 v2, $0x1408;
	v3 =	vor.u32 $0x1400, v3  }
.LBB2_4:
0x4e: {  	p3 =	sne.s32 s31, $0x13BC0;
	s5 =	sand.u32 $0x70, s0;
	s4 =	sshrl.u32 s4, $0x2;
	v2 =	vsel vm0, v2, v3  }
0x4f: {  	[tilespmem:s30+$0x5000] =	vst v2;
	s30 =	sor.u32 s5, s4  }
0x50: {  	v3 =	vld [tilespmem:s30+$0x5000];
	_ =	sdelay $0x1  }
.Ltmp1:
0x51: {  	(pc) =	sbr.rel @p3 .LBB2_4-.Ltmp1, $3  }
0x52: {  	_ =	sdelay $0x1  }
0x53: {  	v2 =	vadd.s32 v0, v3;
	v3 =	vand.u32 $0x3F, v3  }
0x54: {  	s0 =	sadd.s32 $0x10, s0;
	s4 =	sand.u32 $0x1FE00, s31;
	s31 =	sadd.s32 $0x40, s31;
	vm0 =	vlt.u32 v2, $0x1408;
	v3 =	vor.u32 $0x1400, v3  }
0x55: {  	s0 =	sand.u32 $0x70, s0;
	s4 =	sshrl.u32 s4, $0x2;
	v2 =	vsel vm0, v2, v3  }
0x56: {  	s0 =	sor.u32 s0, s4;
	[tilespmem:s30+$0x5000] =	vst v2  }
0x57: {  	v2 =	vld [tilespmem:s0+$0x5000];
	_ =	sdelay $0x4  }
0x58: {  	v3 =	vadd.s32 v0, v2;
	v2 =	vand.u32 $0x3F, v2  }
0x59: {  	vm15 =	vlt.u32 v3, $0x1408;
	v2 =	vor.u32 $0x1400, v2  }
0x5a: {  	v2 =	vsel vm15, v3, v2  }
0x5b: {  	[tilespmem:s0+$0x5000] =	vst v2  }
0x5c: {  	s5 =	simm.s32 $0x0;
	[bflag:$0x0] =	sbarrier.arrive $0xFFFF  }
0x5d: {  	[tilespmem:s25], [sflag:$0x1] =	stream.indirect.gather [hbm4b:s1+s22], $0x80, s5, s22, $0xb8;
	[tilespmem:$0x1D600] =	vst v63  }
0x5e: {  	s31 =	simm.s32 $0x80  }
0x5f: {  	[tilespmem:s26], [sflag:$0x2] =	stream.indirect.gather [hbm4b:s1+s22], $0x80, s31, s22, $0xb8;
	[tilespmem:$0x1D600] =	vst v63  }
0x60: {  	_ =	swait.ge [sflag:s28], $0x4000  }
0x61: {  	[sflag:s28] =	ssyncset.done $0x0  }
0x62: {  	s4 =	simm.s32 $0x5000;
	[sflag:s28] =	ssyncadd.s32 $0xFFFFC000  }
0x63: {  	[spmem:s3] =	stream.indirect.scatter.add.f32 [tilespmem:s25], [sflag:$0x3], $0x80, s4, s22, $0xb8;
	[tilespmem:$0x1D600] =	vst v63  }
0x64: {  	_ =	swait.ge [sflag:s20], $0x4000  }
0x65: {  	[sflag:s20] =	ssyncset.done $0x0  }
0x66: {  	s5 =	simm.s32 $0x100;
	[sflag:s20] =	ssyncadd.s32 $0xFFFFC000  }
0x67: {  	[tilespmem:s25], [sflag:$0x1] =	stream.indirect.gather [hbm4b:s1+s22], $0x80, s5, s22, $0xb8;
	[tilespmem:$0x1D600] =	vst v63  }
0x68: {  	_ =	swait.ge [sflag:s29], $0x4000  }
0x69: {  	[sflag:s29] =	ssyncset.done $0x0  }
0x6a: {  	s31 =	simm.s32 $0x5080;
	[sflag:s29] =	ssyncadd.s32 $0xFFFFC000  }
0x6b: {  	[spmem:s3] =	stream.indirect.scatter.add.f32 [tilespmem:s26], [sflag:$0x3], $0x80, s31, s22, $0xb8;
	[tilespmem:$0x1D600] =	vst v63  }
0x6c: {  	_ =	swait.ge [sflag:s20], $0x4000  }
0x6d: {  	s30 =	simm.s32 $0x100;
	s0 =	simm.s32 $0x800;
	[sflag:s20] =	ssyncset.done $0x0  }
.LBB2_6:
0x6e: {  	s4 =	sadd.s32 $0x80, s30  }
0x6f: {  	[sflag:s20] =	ssyncadd.s32 $0xFFFFC000;
	s5 =	smov.u32 s0;
	s31 =	sadd.s32 $0x400, s0  }
0x70: {  	[tilespmem:s26], [sflag:$0x2] =	stream.indirect.gather [hbm4b:s1+s22], $0x80, s4, s22, $0xb8;
	[tilespmem:$0x1D600] =	vst v63  }
0x71: {  	p3 =	sne.s32 s0, $0x13400;
	_ =	swait.ge [sflag:s28], $0x4000  }
0x72: {  	[sflag:s28] =	ssyncset.done $0x0  }
0x73: {  	s0 =	sadd.s32 $0x5000, s30;
	[sflag:s28] =	ssyncadd.s32 $0xFFFFC000  }
0x74: {  	[spmem:s3] =	stream.indirect.scatter.add.f32 [tilespmem:s25], [sflag:$0x3], $0x80, s0, s22, $0xb8;
	[tilespmem:$0x1D600] =	vst v63  }
0x75: {  	_ =	swait.ge [sflag:s20], $0x4000  }
0x76: {  	[sflag:s20] =	ssyncset.done $0x0  }
0x77: {  	s0 =	sadd.s32 $0x100, s30;
	[sflag:s20] =	ssyncadd.s32 $0xFFFFC000  }
0x78: {  	[tilespmem:s25], [sflag:$0x1] =	stream.indirect.gather [hbm4b:s1+s22], $0x80, s0, s22, $0xb8;
	[tilespmem:$0x1D600] =	vst v63  }
0x79: {  	_ =	swait.ge [sflag:s29], $0x4000  }
.Ltmp2:
0x7a: {  	[sflag:s29] =	ssyncset.done $0x0;
	(pc) =	sbr.rel @p3 .LBB2_6-.Ltmp2, $4  }
0x7b: {  	s0 =	sadd.s32 $0x5080, s30;
	[sflag:s29] =	ssyncadd.s32 $0xFFFFC000  }
0x7c: {  	[spmem:s3] =	stream.indirect.scatter.add.f32 [tilespmem:s26], [sflag:$0x3], $0x80, s0, s22, $0xb8;
	[tilespmem:$0x1D600] =	vst v63  }
0x7d: {  	_ =	swait.ge [sflag:s20], $0x4000  }
0x7e: {  	s30 =	sshra.s32 s5, $0x2;
	s0 =	smov.u32 s31;
	[sflag:s20] =	ssyncset.done $0x0  }
0x7f: {  	s0 =	sadd.s32 $0x80, s30;
	[sflag:s20] =	ssyncadd.s32 $0xFFFFC000  }
0x80: {  	[tilespmem:s26], [sflag:$0x2] =	stream.indirect.gather [hbm4b:s1+s22], $0x80, s0, s22, $0xb8;
	[tilespmem:$0x1D600] =	vst v63  }
0x81: {  	_ =	swait.ge [sflag:s28], $0x4000  }
0x82: {  	[sflag:s28] =	ssyncset.done $0x0  }
0x83: {  	s5 =	sadd.s32 $0x5000, s30;
	[sflag:s28] =	ssyncadd.s32 $0xFFFFC000  }
0x84: {  	[spmem:s3] =	stream.indirect.scatter.add.f32 [tilespmem:s25], [sflag:$0x3], $0x80, s5, s22, $0xb8;
	[tilespmem:$0x1D600] =	vst v63  }
0x85: {  	_ =	swait.ge [sflag:s20], $0x4000  }
0x86: {  	[sflag:s20] =	ssyncset.done $0x0  }
0x87: {  	s31 =	sadd.s32 $0x100, s30;
	[sflag:s20] =	ssyncadd.s32 $0xFFFFC000  }
0x88: {  	[tilespmem:s25], [sflag:$0x1] =	stream.indirect.gather [hbm4b:s1+s22], $0x80, s31, s22, $0xb8;
	[tilespmem:$0x1D600] =	vst v63  }
0x89: {  	_ =	swait.ge [sflag:s29], $0x4000  }
0x8a: {  	[sflag:s29] =	ssyncset.done $0x0  }
0x8b: {  	s4 =	sadd.s32 $0x5080, s30;
	[sflag:s29] =	ssyncadd.s32 $0xFFFFC000  }
0x8c: {  	[spmem:s3] =	stream.indirect.scatter.add.f32 [tilespmem:s26], [sflag:$0x3], $0x80, s4, s22, $0xb8;
	[tilespmem:$0x1D600] =	vst v63  }
0x8d: {  	_ =	swait.ge [sflag:s20], $0x4000  }
0x8e: {  	[sflag:s20] =	ssyncset.done $0x0  }
0x8f: {  	s5 =	simm.s32 $0x4E80;
	[sflag:s20] =	ssyncadd.s32 $0xFFFFC000  }
0x90: {  	[tilespmem:s26], [sflag:$0x2] =	stream.indirect.gather [hbm4b:s1+s22], $0x80, s5, s22, $0xb8;
	[tilespmem:$0x1D600] =	vst v63  }
0x91: {  	_ =	swait.ge [sflag:s28], $0x4000  }
0x92: {  	[sflag:s28] =	ssyncset.done $0x0  }
0x93: {  	s30 =	simm.s32 $0x9E00;
	[sflag:s28] =	ssyncadd.s32 $0xFFFFC000  }
0x94: {  	[spmem:s3] =	stream.indirect.scatter.add.f32 [tilespmem:s25], [sflag:$0x3], $0x80, s30, s22, $0xb8;
	[tilespmem:$0x1D600] =	vst v63  }
0x95: {  	_ =	swait.ge [sflag:s20], $0x4000  }
0x96: {  	[sflag:s20] =	ssyncset.done $0x0  }
0x97: {  	[sflag:s20] =	ssyncadd.s32 $0xFFFFC000  }
0x98: {  	_ =	swait.ge [sflag:s29], $0x4000  }
0x99: {  	[sflag:s29] =	ssyncset.done $0x0  }
0x9a: {  	s31 =	simm.s32 $0x9E80;
	[sflag:s29] =	ssyncadd.s32 $0xFFFFC000  }
0x9b: {  	[spmem:s3] =	stream.indirect.scatter.add.f32 [tilespmem:s26], [sflag:$0x3], $0x80, s31, s22, $0xb8;
	[tilespmem:$0x1D600] =	vst v63  }
0x9c: {  	_ =	swait.ge [sflag:s20], $0x4000  }
0x9d: {  	[sflag:s20] =	ssyncset.done $0x0  }
0x9e: {  	s0 =	sshll.u32 @!p2 s2, $0x6;
	[sflag:s20] =	ssyncadd.s32 $0xFFFFC000  }
0x9f: {  	s0 =	sor.u32 @!p2 $0x1C03, s0;
	s4 =	sshrl.u32 @!p2 s7, $0x3;
	[bflag:$0x0] =	sbarrier.arrive $0xFFFF  }
0xa0: {  	[hbm:s8], [sflag:s0] =	dma.local @!p2 [spmem:s4], $0x1400  }
0xa1: {  	s0 =	simm.s32 @!p2 $0x3  }
0xa2: {  	_ =	swait.ge @!p2 [sflag:s0], $0x1400  }
0xa3: {  	[sflag:s0] =	ssyncset.done @!p2 $0x0  }
0xa4: {  	[sflag:s0] =	ssyncadd.s32 @!p2 $0xFFFFEC00;
	s0 =	simm.s32 @!p1 $0x1F03  }
0xa5: {  	[hbm:s9], [sflag:s0] =	dma.local @!p1 [spmem:s23], $0x500  }
0xa6: {  	s0 =	simm.s32 @!p1 $0x3  }
0xa7: {  	_ =	swait.ge @!p1 [sflag:s0], $0x500  }
0xa8: {  	s21 =	sadd.s32 $0x1, s21;
	s4 =	sshll.u32 @p0 s2, $0x6;
	[sflag:s0] =	ssyncset.done @!p1 $0x0  }
0xa9: {  	p3 =	sne.s32 s21, s11;
	[sflag:s0] =	ssyncadd.s32 @!p1 $0xFFFFFB00;
	s0 =	sor.u32 @p0 $0x1C03, s4  }
0xaa: {  	[hbm:s10], [sflag:s0] =	dma.local @p0 [spmem:s24], $0x1900  }
.Ltmp3:
0xab: {  	_ = 	snop;
	(pc) =	sbr.rel @p3 .LBB2_1-.Ltmp3, $4  }
0xac: {  	s0 =	simm.s32 @p0 $0x3  }
0xad: {  	_ =	swait.ge @p0 [sflag:s0], $0x1900  }
0xae: {  	[sflag:s0] =	ssyncset.done @p0 $0x0  }
0xaf: {  	[sflag:s0] =	ssyncadd.s32 @p0 $0xFFFFE700  }
0xb0: {  	_ =	sfence.sel $0x180000  }
0xb1: {  	[bflag:$0x0] =	sbarrier.arrive $0xFFFF  }
0xb2: {  	_ =	strace $0x9000004D  }
0xb3: {  	[bflag:$0x2] =	sbarrier.arrive $0xFFFF  }
0xb4: {  	p0 =	sne.s32 s2, $0x0;
	s0 =	rddreg [dreg:$0x4]  }
0xb5: {  	s0 =	sadd.s32 @!p0 $0x100000, s0  }
0xb6: {  	[sflag:s0] =	ssyncadd.tile.s32 @!p0 $0x1;
	_ =	shalt  }
.Lfunc_end2:
_tile_overlayer_lowered:
.L_overlay_start_2:
0xb7: {  	(tag) =	ssettag $0x2  }
0xb8: {  	s0 =	rddreg [dreg:$0x0];
	s2 =	stileid.u32  }
0xb9: {  	s1 =	rddreg [dreg:$0x1];
	p0 =	sne.s32 s2, $0x0  }
0xba: {  	s3 =	rddreg [dreg:$0x2];
	[bflag:$0x3] =	sbarrier.arrive $0xFFFF;
	s2 =	simm.s32 @!p0 $0x1C03  }
0xbb: {  	[timem:s3], [sflag:s2] =	dma.local @!p0 [hbm:s0], s1  }
0xbc: {  	s0 =	simm.s32 @!p0 $0x3  }
0xbd: {  	_ =	swait.ge @!p0 [sflag:s0], s1  }
0xbe: {  	s1 =	ssub.s32 @!p0 $0x0, s1;
	[sflag:s0] =	ssyncset.done @!p0 $0x0  }
0xbf: {  	[sflag:s0] =	ssyncadd.s32 @!p0 s1  }
0xc0: {  	[bflag:$0x3] =	sbarrier.arrive $0xFFFF  }
0xc1: {  	_ =	shalt  }

// kernel: kernel.19.cloned.1.call-start
scs
__scs_entry_jumppad:
0x0: {  	(pc) =	sbr.rel $0x88, $3  }
0x1: {  	(tag) =	ssettag $0x0;
	lr =	simm.s32 $0x1  }
0x2: {  	[smem:$0x3F95] =	sst lr;
	_ =	strace $0xD0000000  }
0x3: {  	_ = 	snop  }
0x4: {  	_ = 	snop  }
0x5: {  	_ = 	snop  }
0x6: {  	_ = 	snop  }
0x7: {  	_ = 	snop  }
__scs_overlays_trampoline_lowered:
0x8: {  	[smem:$0x3FA4] =	sst s0  }
0x9: {  	[smem:$0x3FA5] =	sst s1  }
0xa: {  	[smem:$0x3FA6] =	sst s2  }
0xb: {  	[smem:$0x3FA7] =	sst s3  }
0xc: {  	[smem:$0x3FA8] =	sst s4  }
0xd: {  	[smem:$0x3FA9] =	sst s5  }
0xe: {  	[smem:$0x3FAA] =	sst s6  }
0xf: {  	[smem:$0x3FAB] =	sst s7  }
0x10: {  	[smem:$0x3FAC] =	sst s8  }
0x11: {  	[smem:$0x3FAD] =	sst s9;
	s0 =	simm.s32 @!p0 $0x0  }
0x12: {  	s1 =	sld [smem:$0x3F93];
	s0 =	simm.s32 @p0 $0x1  }
0x13: {  	[smem:$0x3FAE] =	sst s0;
	s0 =	simm.s32 @!p1 $0x0  }
0x14: {  	s2 =	sld [smem:$0x3F92];
	s0 =	simm.s32 @p1 $0x1  }
0x15: {  	[smem:$0x3FAF] =	sst s0;
	s0 =	simm.s32 @!p2 $0x0  }
0x16: {  	s3 =	sld [smem:$0x3FDB];
	s0 =	simm.s32 @p2 $0x1  }
0x17: {  	s4 =	simm.s32 $0x1BF5;
	[smem:$0x3FB1] =	sst s0  }
0x18: {  	s0 =	sld [smem:$0x3F94];
	_ =	swait.ge [sflag:s4], $0x0  }
0x19: {  	s7 =	sld [smem:$0x3F95]  }
0x1a: {  	s8 =	sadd.s32 $0xFFFFE003, lr  }
0x1b: {  	s9 =	sadd.s32 $0xFFFFFEF7, lr;
	s5 =	simm.s32 $0xFFFFFFFF;
	p2 =	slt.u32 s8, $0xFFFFF086  }
0x1c: {  	p1 =	slt.u32 s9, $0xF7A;
	s5 =	simm.s32 @!p2 $0x0  }
0x1d: {  	s5 =	simm.s32 @p1 $0x1;
	p0 =	seq.s32 s7, s2  }
0x1e: {  	s7 =	smul.u32 @!p0 $0xF7A, s2;
	p2 =	seq.s32 @!p0 s5, $0x0  }
0x1f: {  	s9 =	smul.u32 $0xF7A, s1;
	s8 =	simm.s32 @!p0 $0x1BF5;
	p2 =	por !p2, p0  }
0x20: {  	[sflag:s8] =	ssyncset.s32 @!p0 $0xFFFFF086;
	s6 =	sadd.s32 @!p0 s3, s7;
	s7 =	simm.s32 @!p0 $0x108  }
0x21: {  	s3 =	sadd.s32 s3, s9;
	s6 =	sadd.s32 @!p0 $0x88, s6;
	s7 =	simm.s32 @p2 $0x1082  }
0x22: {  	[simem:s7], [sflag:s8] =	dma.local @!p0 [hbm:s6], $0xF7A  }
0x23: {  	s9 =	sor.u32 $0xD0000000, s2;
	s6 =	simm.s32 $0x108;
	_ =	swait.ge @!p0 [sflag:s8], $0x0  }
0x24: {  	s3 =	sadd.s32 $0x88, s3;
	s6 =	simm.s32 @!p1 $0x1082;
	[sflag:s4] =	ssyncset.s32 $0xFFFFF086  }
0x25: {  	[simem:s6], [sflag:s4] =	dma.local [hbm:s3], $0xF7A  }
0x26: {  	[smem:$0x3F95] =	sst s1;
	(tag) =	ssettag s2;
	_ =	strace s9  }
0x27: {  	s1 =	sld [smem:$0x3FA5]  }
0x28: {  	s2 =	sld [smem:$0x3FA6]  }
0x29: {  	s4 =	sld [smem:$0x3FA8]  }
0x2a: {  	p0 =	seq.s32 s5, $0x0;
	s5 =	sld [smem:$0x3FA9]  }
0x2b: {  	s6 =	sld [smem:$0x3FAA]  }
0x2c: {  	s7 =	sld [smem:$0x3FAB]  }
0x2d: {  	s3 =	simm.s32 $0x108;
	s8 =	sld [smem:$0x3FAC]  }
0x2e: {  	s3 =	simm.s32 @!p0 $0x1082;
	s9 =	sld [smem:$0x3FAD]  }
0x2f: {  	lr =	sadd.s32 s0, s3;
	s0 =	sld [smem:$0x3FA4]  }
0x30: {  	s3 =	sld [smem:$0x3FA7]  }
0x31: {  	[smem:$0x3FB0] =	sst s10  }
0x32: {  	s10 =	sld [smem:$0x3FAE];
	_ =	sdelay $0x3  }
0x33: {  	p0 =	seq.s32 s10, $0x1;
	s10 =	sld [smem:$0x3FB0];
	_ =	sdelay $0x3  }
0x34: {  	[smem:$0x3FB0] =	sst s10  }
0x35: {  	s10 =	sld [smem:$0x3FAF];
	_ =	sdelay $0x3  }
0x36: {  	p1 =	seq.s32 s10, $0x1;
	s10 =	sld [smem:$0x3FB0];
	_ =	sdelay $0x3  }
0x37: {  	[smem:$0x3FB0] =	sst s10  }
0x38: {  	s10 =	sld [smem:$0x3FB1]  }
0x39: {  	_ = 	snop;
	(pc) =	sbr.ind lr, $3  }
0x3a: {  	_ = 	snop  }
0x3b: {  	_ = 	snop  }
0x3c: {  	p2 =	seq.s32 s10, $0x1;
	s10 =	sld [smem:$0x3FB0]  }
0x3d: {  	_ =	shalt  }
0x3e: {  	_ =	shalt  }
0x3f: {  	_ =	shalt  }
0x40: {  	_ =	shalt  }
0x41: {  	_ =	shalt  }
0x42: {  	_ =	shalt  }
0x43: {  	_ =	shalt  }
0x44: {  	_ =	shalt  }
0x45: {  	_ =	shalt  }
0x46: {  	_ =	shalt  }
0x47: {  	_ =	shalt  }
0x48: {  	_ =	shalt  }
0x49: {  	_ =	shalt  }
0x4a: {  	_ =	shalt  }
0x4b: {  	_ =	shalt  }
0x4c: {  	_ =	shalt  }
0x4d: {  	_ =	shalt  }
0x4e: {  	_ =	shalt  }
0x4f: {  	_ =	shalt  }
0x50: {  	_ =	shalt  }
0x51: {  	_ =	shalt  }
0x52: {  	_ =	shalt  }
0x53: {  	_ =	shalt  }
0x54: {  	_ =	shalt  }
0x55: {  	_ =	shalt  }
0x56: {  	_ =	shalt  }
0x57: {  	_ =	shalt  }
0x58: {  	_ =	shalt  }
0x59: {  	_ =	shalt  }
0x5a: {  	_ =	shalt  }
0x5b: {  	_ =	shalt  }
0x5c: {  	_ =	shalt  }
0x5d: {  	_ =	shalt  }
0x5e: {  	_ =	shalt  }
0x5f: {  	_ =	shalt  }
0x60: {  	_ =	shalt  }
0x61: {  	_ =	shalt  }
0x62: {  	_ =	shalt  }
0x63: {  	_ =	shalt  }
0x64: {  	_ =	shalt  }
0x65: {  	_ =	shalt  }
0x66: {  	_ =	shalt  }
0x67: {  	_ =	shalt  }
0x68: {  	_ =	shalt  }
0x69: {  	_ =	shalt  }
0x6a: {  	_ =	shalt  }
0x6b: {  	_ =	shalt  }
0x6c: {  	_ =	shalt  }
0x6d: {  	_ =	shalt  }
0x6e: {  	_ =	shalt  }
0x6f: {  	_ =	shalt  }
0x70: {  	_ =	shalt  }
0x71: {  	_ =	shalt  }
0x72: {  	_ =	shalt  }
0x73: {  	_ =	shalt  }
0x74: {  	_ =	shalt  }
0x75: {  	_ =	shalt  }
0x76: {  	_ =	shalt  }
0x77: {  	_ =	shalt  }
0x78: {  	_ =	shalt  }
0x79: {  	_ =	shalt  }
0x7a: {  	_ =	shalt  }
0x7b: {  	_ =	shalt  }
0x7c: {  	_ =	shalt  }
0x7d: {  	_ =	shalt  }
0x7e: {  	_ =	shalt  }
0x7f: {  	_ =	shalt  }
0x80: {  	_ =	shalt  }
0x81: {  	_ =	shalt  }
0x82: {  	_ =	shalt  }
0x83: {  	_ =	shalt  }
0x84: {  	_ =	shalt  }
0x85: {  	_ =	shalt  }
0x86: {  	_ =	shalt  }
0x87: {  	_ =	shalt  }
.Lfunc_end0:
.L_simem_size_0:
called_computation.3_lowered:
.L_overlay_start_0:
0x88: {  	s2 =	sld [smem:$0x3FD9]  }
0x89: {  	s3 =	sld [smem:$0x3FFE];
	_ =	sdelay $0x1  }
0x8a: {  	s1 =	srdreg.scid  }
0x8b: {  	s0 =	sand.u32 $0x1, s1  }
0x8c: {  	s14 =	sshll.u32 s0, $0xA;
	s2 =	sadd.s32 s3, s2  }
0x8d: {  	s2 =	sadd.s32 s2, s14  }
0x8e: {  	[smem:$0x3FBC] =	sst s2  }
0x8f: {  	_ = 	snop  }
0x90: {  	s2 =	sld [smem:$0x3FD0];
	_ =	sdelay $0x2  }
0x91: {  	s15 =	simm.s32 $0xA;
	s4 =	simm.s32 $0x10  }
0x92: {  	[smem:s4], [sflag:s15] =	dma.local [hbm:s2], $0x1  }
0x93: {  	_ =	swait.eq [sflag:s15], $0x1  }
0x94: {  	[sflag:s15] =	ssyncset.done $0x0  }
0x95: {  	[sflag:s15] =	ssyncadd.s32 $0xFFFFFFFF  }
0x96: {  	s16 =	sld [smem:$0x11];
	(tm) =	ssettm $0x1  }
0x97: {  	s17 =	sld [smem:$0x3FFB];
	_ =	sdelay $0x3  }
0x98: {  	_ =	strace s17  }
0x99: {  	s3 =	sld [smem:$0x3FFC];
	_ =	sdelay $0x3  }
0x9a: {  	_ =	strace s3  }
0x9b: {  	s3 =	sld [smem:$0x3FFD];
	_ =	sdelay $0x3  }
0x9c: {  	_ =	strace s3  }
0x9d: {  	_ =	strace $0x8FFFFFFF  }
0x9e: {  	s18 =	sld [smem:$0x3FDB];
	_ =	sdelay $0x1  }
0x9f: {  	s19 =	simm.s32 $_scs_section_size  }
0xa0: {  	s5 =	simm.s32 $_size__tile_overlayer_lowered;
	s6 =	simm.s32 $_tile_overlayer_lowered  }
0xa1: {  	s22 =	simm.s32 $0x1BFF;
	s21 =	sshll.u32 s6, $0x1;
	s3 =	sadd.s32 s19, s18  }
0xa2: {  	s7 =	simm.s32 $0x0;
	s20 =	sshll.u32 s5, $0x1;
	s5 =	sadd.s32 s21, s3  }
0xa3: {  	[timem:s7], [sflag:s22] =	dma.local [hbm:s5], s20  }
0xa4: {  	_ =	swait.ge [sflag:s22], s20  }
0xa5: {  	s4 =	ssub.s32 $0x0, s20;
	[sflag:s22] =	ssyncset.done $0x0  }
0xa6: {  	[sflag:s22] =	ssyncadd.s32 s4;
	_ =	sdelay $0x1  }
0xa7: {  	s23 =	simm.s32 $0x1B8B  }
0xa8: {  	_ =	swait.ge [sflag:s23], $0x1  }
0xa9: {  	[sflag:s23] =	ssyncset.done $0x0  }
0xaa: {  	s25 =	simm.s32 $0x1B8E;
	s24 =	sld [smem:$0x3FFE];
	[sflag:s23] =	ssyncadd.s32 $0xFFFFFFFF  }
0xab: {  	s26 =	simm.s32 $execute0_lowered;
	[smem:$0x3FD2] =	sst s25  }
0xac: {  	s5 =	sshll.u32 s26, $0x1;
	_ =	strace $0x8000004F;
	[dreg:$0x1] =	wrdreg $0xFFFFFFFF  }
0xad: {  	s28 =	simm.s32 $_size_execute0_lowered;
	s3 =	sadd.s32 s3, s5;
	[dreg:$0x0] =	wrdreg $0x0  }
0xae: {  	s5 =	sshll.u32 s28, $0x1;
	[dreg:$0x2] =	wrdreg s3  }
0xaf: {  	[dreg:$0x3] =	wrdreg s5  }
0xb0: {  	[dreg:$0x4] =	wrdreg $0xC0  }
0xb1: {  	_ =	task [dreg:s7], $0x5FFFF  }
0xb2: {  	[dreg:$0x1] =	wrdreg $0xFFFFFFFF  }
0xb3: {  	[dreg:$0x0] =	wrdreg $0x60  }
0xb4: {  	[dreg:$0x2] =	wrdreg s24  }
0xb5: {  	[dreg:$0x3] =	wrdreg s16  }
0xb6: {  	[dreg:$0x4] =	wrdreg $0xB4000  }
0xb7: {  	[dreg:$0x5] =	wrdreg $0x9  }
0xb8: {  	_ =	task.clear_ibuf [dreg:s7], $0x6FFFF;
	_ =	strace $0x9000004F  }
0xb9: {  	s29 =	simm.s32 $0x9;
	_ =	strace $0x80000051  }
0xba: {  	_ =	swait.ge [sflag:s29], $0x1  }
0xbb: {  	[sflag:s29] =	ssyncadd.s32 $0xFFFFFFFF  }
0xbc: {  	_ =	strace $0x90000051  }
0xbd: {  	_ =	sfence  }
0xbe: {  	s30 =	sld [smem:$0x0];
	_ =	sdelay $0x2  }
0xbf: {  	s31 =	sshll.u32 s1, $0xD;
	s1 =	sshrl.u32 s1, $0x2  }
0xc0: {  	s3 =	sand.u32 $0x4000, s31;
	s1 =	sadd.s32 s1, s30  }
0xc1: {  	s0 =	sor.u32 s3, s0;
	s1 =	sshll.u32 s1, $0x11  }
0xc2: {  	s0 =	sor.u32 s1, s0  }
0xc3: {  	s0 =	sadd.s32 $0x8F2B, s0  }
0xc4: {  	[sflag:s0] =	ssyncadd.remote.s32 $0x1  }
0xc5: {  	_ =	sfence.sel $0xFFFF  }
0xc6: {  	[dreg:$0x0] =	wrdreg $0xFFFFFFFF;
	(pc) =	sbr.abs _section_cstart, $3  }
0xc7: {  	[dreg:$0x1] =	wrdreg $0xFFFFFFFF  }
0xc8: {  	_ =	task.clear_ibuf [dreg:s7], $0x2FFFF;
	_ =	strace $0x9FFFFFFF  }
0xc9: {  	(tm) =	ssettm $0x7FFFFFFF  }
tec
execute0_lowered:
.L_overlay_start_1:
0x0: {  	(tag) =	ssettag $0x1  }
0x1: {  	s0 =	rddreg [dreg:$0x0]  }
0x2: {  	s2 =	rddreg [dreg:$0x1]  }
0x3: {  	s3 =	rddreg [dreg:$0x2]  }
0x4: {  	s1 =	stileid.u32;
	s6 =	simm.s32 $0x0;
	s5 =	srdreg.scid  }
0x5: {  	s29 =	simm.s32 $0x80;
	s30 =	simm.s32 $0x15600;
	s31 =	simm.s32 $0x19600  }
0x6: {  	s28 =	simm.s32 $0x2;
	s16 =	simm.s32 $0x4E80;
	s4 =	smul.u32 $0xA00, s1  }
0x7: {  	[smem:$0x7FF] =	sst s6;
	s17 =	sand.u32 $0x1, s5;
	s9 =	smul.u32 $0x28000, s1  }
0x8: {  	s5 =	sadd.s32 $0x3F800, s0;
	s11 =	sadd.s32 $0x66A00, s0;
	s23 =	smul.u32 $0x1400, s1  }
0x9: {  	s12 =	sadd.s32 $0x8DC00, s0;
	p0 =	slt.u32 s1, $0xC;
	s25 =	smul.u32 $0xC800, s1  }
0xa: {  	p2 =	seq.s32 s1, $0xC;
	s14 =	smul.u32 $0x32000, s1;
	s10 =	sadd.s32 $0x96000, s3  }
0xb: {  	s15 =	sadd.s32 $0x8D600, s0;
	_ =	strace $0x80000050;
	s7 =	ssub.s32 $0x2, s17  }
0xc: {  	s13 =	smul.u32 $0xFFFFEC00, s17;
	p1 =	seq.s32 s17, $0x1;
	[dreg:$0x7] =	wrdreg s15  }
0xd: {  	s4 =	sadd.s32 s4, s0;
	s8 =	sshrl.u32 s7, $0x1;
	s22 =	sshrl.u32 s9, $0x2  }
0xe: {  	s24 =	sadd.s32 s11, s23;
	p0 =	por !p0, !p1;
	p1 =	por !p2, !p1  }
0xf: {  	s14 =	sshrl.u32 s14, $0x2;
	s9 =	sadd.s32 s12, s23;
	s0 =	sadd.s32 $0xB4800, s0  }
0x10: {  	s7 =	ssub.s32 s7, s8;
	s21 =	sadd.s32 $0xE600, s4;
	[dreg:$0x6] =	wrdreg s24  }
0x11: {  	s4 =	sadd.s32 $0x4600, s4;
	s8 =	sadd.s32 s22, s3;
	[dreg:$0xa] =	wrdreg s9  }
0x12: {  	p0 =	por !p0, !p0;
	p2 =	por !p1, !p1;
	[dreg:$0xc] =	wrdreg s0  }
0x13: {  	s14 =	sadd.s32 s14, s3;
	p1 =	sne.s32 s17, $0x0;
	[dreg:$0x4] =	wrdreg s21  }
0x14: {  	s0 =	simm.s32 $0x1;
	s17 =	simm.s32 $0x9E00;
	[dreg:$0x5] =	wrdreg s4  }
0x15: {  	s9 =	simm.s32 $0x0;
	s4 =	sshrl.u32 s25, $0x3;
	[dreg:$0x8] =	wrdreg s14  }
0x16: {  	s26 =	smax.u32 s7, $0x1;
	s18 =	sadd.s32 $0x1400, s8;
	s19 =	sadd.s32 $0x2800, s8  }
0x17: {  	s20 =	sadd.s32 $0x3C00, s8;
	s21 =	sadd.s32 $0x5000, s8;
	s22 =	sadd.s32 $0x6400, s8  }
0x18: {  	s23 =	sadd.s32 $0x7800, s8;
	s24 =	sadd.s32 $0x8C00, s8;
	s4 =	sadd.s32 $0x14000, s4  }
0x19: {  	p2 =	por !p2, p0;
	[dreg:$0xd] =	wrdreg s26;
	s11 =	sadd.s32 s11, s4  }
0x1a: {  	s25 =	simm.s32 $0xA000;
	s4 =	sadd.s32 s12, s4;
	[dreg:$0x9] =	wrdreg s11  }
0x1b: {  	v1 =	vimm.f32 $0.0e+00;
	v0 =	vmov s13;
	s7 =	simm.s32 $0x9E80;
	s26 =	simm.s32 $0x3;
	[dreg:$0xb] =	wrdreg s4  }
.LBB2_1:
0x1c: {  	s4 =	simm.s32 $0x0  }
0x1d: {  	s11 =	sand.u32 $0x7E00, s4  }
0x1e: {  	s12 =	sand.u32 $0x70, s4;
	s13 =	sshrl.u32 s11, $0x2  }
0x1f: {  	s11 =	simm.s32 $0x40;
	s13 =	sor.u32 s12, s13;
	s12 =	simm.s32 $0x0  }
.LBB2_2:
0x20: {  	p3 =	sne.s32 s11, $0x4FC0  }
0x21: {  	[tilespmem:s13+$0xA000] =	vst v1;
	s12 =	sadd.s32 $0x10, s12;
	s13 =	smov.u32 s11;
	s11 =	sadd.s32 $0x40, s11  }
.Ltmp0:
0x22: {  	(pc) =	sbr.rel @p3 .LBB2_2-.Ltmp0, $4  }
0x23: {  	_ = 	snop  }
0x24: {  	s13 =	sand.u32 $0x7E00, s13  }
0x25: {  	s14 =	sand.u32 $0x70, s12;
	s13 =	sshrl.u32 s13, $0x2  }
0x26: {  	s13 =	sor.u32 s14, s13  }
0x27: {  	[tilespmem:s13+$0xA000] =	vst v1  }
0x28: {  	[spmem:s8] =	stream.linear.scatter [tilespmem:s25], [sflag:$0x3], $0x1400, $0x38;
	[tilespmem:$0x1D600] =	vst v63  }
0x29: {  	_ =	swait.ge [sflag:s26], $0x1400  }
0x2a: {  	[sflag:s26] =	ssyncset.done $0x0  }
0x2b: {  	[sflag:s26] =	ssyncadd.s32 $0xFFFFEC00  }
0x2c: {  	[spmem:s18] =	stream.linear.scatter [tilespmem:s25], [sflag:$0x3], $0x1400, $0x38;
	[tilespmem:$0x1D600] =	vst v63  }
0x2d: {  	_ =	swait.ge [sflag:s26], $0x1400  }
0x2e: {  	[sflag:s26] =	ssyncset.done $0x0  }
0x2f: {  	[sflag:s26] =	ssyncadd.s32 $0xFFFFEC00  }
0x30: {  	[spmem:s19] =	stream.linear.scatter [tilespmem:s25], [sflag:$0x3], $0x1400, $0x38;
	[tilespmem:$0x1D600] =	vst v63  }
0x31: {  	_ =	swait.ge [sflag:s26], $0x1400  }
0x32: {  	[sflag:s26] =	ssyncset.done $0x0  }
0x33: {  	[sflag:s26] =	ssyncadd.s32 $0xFFFFEC00  }
0x34: {  	[spmem:s20] =	stream.linear.scatter [tilespmem:s25], [sflag:$0x3], $0x1400, $0x38;
	[tilespmem:$0x1D600] =	vst v63  }
0x35: {  	_ =	swait.ge [sflag:s26], $0x1400  }
0x36: {  	[sflag:s26] =	ssyncset.done $0x0  }
0x37: {  	[sflag:s26] =	ssyncadd.s32 $0xFFFFEC00  }
0x38: {  	[spmem:s21] =	stream.linear.scatter [tilespmem:s25], [sflag:$0x3], $0x1400, $0x38;
	[tilespmem:$0x1D600] =	vst v63  }
0x39: {  	_ =	swait.ge [sflag:s26], $0x1400  }
0x3a: {  	[sflag:s26] =	ssyncset.done $0x0  }
0x3b: {  	[sflag:s26] =	ssyncadd.s32 $0xFFFFEC00  }
0x3c: {  	[spmem:s22] =	stream.linear.scatter [tilespmem:s25], [sflag:$0x3], $0x1400, $0x38;
	[tilespmem:$0x1D600] =	vst v63  }
0x3d: {  	_ =	swait.ge [sflag:s26], $0x1400  }
0x3e: {  	[sflag:s26] =	ssyncset.done $0x0  }
0x3f: {  	[sflag:s26] =	ssyncadd.s32 $0xFFFFEC00  }
0x40: {  	[spmem:s23] =	stream.linear.scatter [tilespmem:s25], [sflag:$0x3], $0x1400, $0x38;
	[tilespmem:$0x1D600] =	vst v63  }
0x41: {  	_ =	swait.ge [sflag:s26], $0x1400  }
0x42: {  	[sflag:s26] =	ssyncset.done $0x0  }
0x43: {  	[sflag:s26] =	ssyncadd.s32 $0xFFFFEC00  }
0x44: {  	[spmem:s24] =	stream.linear.scatter [tilespmem:s25], [sflag:$0x3], $0x1400, $0x38;
	[tilespmem:$0x1D600] =	vst v63  }
0x45: {  	_ =	swait.ge [sflag:s26], $0x1400  }
0x46: {  	[sflag:s26] =	ssyncset.done $0x0  }
0x47: {  	s11 =	simm.s32 $0x0;
	s4 =	rddreg [dreg:$0x4];
	[sflag:s26] =	ssyncadd.s32 $0xFFFFEC00  }
0x48: {  	[tilespmem:s11], [sflag:$0x3] =	stream.linear.gather [hbm4b:s4+s11], $0x4F00, $0x38;
	[tilespmem:$0x1D600] =	vst v63  }
0x49: {  	_ =	swait.ge [sflag:s26], $0x4F00  }
0x4a: {  	[sflag:s26] =	ssyncset.done $0x0  }
0x4b: {  	s6 =	simm.s32 $0x5000;
	s14 =	rddreg [dreg:$0x5];
	[sflag:s26] =	ssyncadd.s32 $0xFFFFB100  }
0x4c: {  	[tilespmem:s6], [sflag:$0x3] =	stream.linear.gather [hbm4b:s14+s11], $0x4F00, $0x38;
	[tilespmem:$0x1D600] =	vst v63  }
0x4d: {  	s12 =	sand.u32 $0x1FE00, s11;
	_ =	swait.ge [sflag:s26], $0x4F00  }
0x4e: {  	s12 =	sshrl.u32 s12, $0x2;
	s11 =	sand.u32 $0x70, s11;
	[sflag:s26] =	ssyncset.done $0x0  }
0x4f: {  	s11 =	sor.u32 s11, s12;
	[sflag:s26] =	ssyncadd.s32 $0xFFFFB100  }
0x50: {  	v3 =	vld [tilespmem:s11+$0x5000];
	_ =	sdelay $0x4  }
0x51: {  	s15 =	simm.s32 $0x40;
	v2 =	vadd.s32 v0, v3;
	v3 =	vand.u32 $0x3F, v3  }
0x52: {  	s13 =	simm.s32 $0x10;
	s14 =	sand.u32 $0x1FE00, s15;
	s12 =	simm.s32 $0x80;
	vm0 =	vlt.u32 v2, $0x1408;
	v3 =	vor.u32 $0x1400, v3  }
.LBB2_4:
0x53: {  	p3 =	sne.s32 s12, $0x13BC0;
	s15 =	sand.u32 $0x70, s13;
	s14 =	sshrl.u32 s14, $0x2;
	v2 =	vsel vm0, v2, v3  }
0x54: {  	[tilespmem:s11+$0x5000] =	vst v2;
	s11 =	sor.u32 s15, s14  }
0x55: {  	v3 =	vld [tilespmem:s11+$0x5000];
	_ =	sdelay $0x1  }
.Ltmp1:
0x56: {  	(pc) =	sbr.rel @p3 .LBB2_4-.Ltmp1, $3  }
0x57: {  	_ =	sdelay $0x1  }
0x58: {  	v2 =	vadd.s32 v0, v3;
	v3 =	vand.u32 $0x3F, v3  }
0x59: {  	s13 =	sadd.s32 $0x10, s13;
	s14 =	sand.u32 $0x1FE00, s12;
	s12 =	sadd.s32 $0x40, s12;
	vm0 =	vlt.u32 v2, $0x1408;
	v3 =	vor.u32 $0x1400, v3  }
0x5a: {  	s12 =	sand.u32 $0x70, s13;
	s4 =	sshrl.u32 s14, $0x2;
	v2 =	vsel vm0, v2, v3  }
0x5b: {  	s12 =	sor.u32 s12, s4;
	[tilespmem:s11+$0x5000] =	vst v2  }
0x5c: {  	v2 =	vld [tilespmem:s12+$0x5000];
	_ =	sdelay $0x4  }
0x5d: {  	v3 =	vadd.s32 v0, v2;
	v2 =	vand.u32 $0x3F, v2  }
0x5e: {  	vm15 =	vlt.u32 v3, $0x1408;
	v2 =	vor.u32 $0x1400, v2  }
0x5f: {  	v2 =	vsel vm15, v3, v2  }
0x60: {  	[tilespmem:s12+$0x5000] =	vst v2  }
0x61: {  	s6 =	simm.s32 $0x0;
	[bflag:$0x0] =	sbarrier.arrive $0xFFFF  }
0x62: {  	[tilespmem:s30], [sflag:$0x1] =	stream.indirect.gather [hbm4b:s2+s29], $0x80, s6, s29, $0xb8;
	[tilespmem:$0x1D600] =	vst v63  }
0x63: {  	s12 =	simm.s32 $0x80  }
0x64: {  	[tilespmem:s31], [sflag:$0x2] =	stream.indirect.gather [hbm4b:s2+s29], $0x80, s12, s29, $0xb8;
	[tilespmem:$0x1D600] =	vst v63  }
0x65: {  	_ =	swait.ge [sflag:s0], $0x4000  }
0x66: {  	[sflag:s0] =	ssyncset.done $0x0  }
0x67: {  	s13 =	simm.s32 $0x5000;
	[sflag:s0] =	ssyncadd.s32 $0xFFFFC000  }
0x68: {  	[spmem:s3] =	stream.indirect.scatter.add.f32 [tilespmem:s30], [sflag:$0x3], $0x80, s13, s29, $0xb8;
	[tilespmem:$0x1D600] =	vst v63  }
0x69: {  	_ =	swait.ge [sflag:s26], $0x4000  }
0x6a: {  	[sflag:s26] =	ssyncset.done $0x0  }
0x6b: {  	s14 =	simm.s32 $0x100;
	[sflag:s26] =	ssyncadd.s32 $0xFFFFC000  }
0x6c: {  	[tilespmem:s30], [sflag:$0x1] =	stream.indirect.gather [hbm4b:s2+s29], $0x80, s14, s29, $0xb8;
	[tilespmem:$0x1D600] =	vst v63  }
0x6d: {  	_ =	swait.ge [sflag:s28], $0x4000  }
0x6e: {  	[sflag:s28] =	ssyncset.done $0x0  }
0x6f: {  	s15 =	simm.s32 $0x5080;
	[sflag:s28] =	ssyncadd.s32 $0xFFFFC000  }
0x70: {  	[spmem:s3] =	stream.indirect.scatter.add.f32 [tilespmem:s31], [sflag:$0x3], $0x80, s15, s29, $0xb8;
	[tilespmem:$0x1D600] =	vst v63  }
0x71: {  	_ =	swait.ge [sflag:s26], $0x4000  }
0x72: {  	s11 =	simm.s32 $0x100;
	s12 =	simm.s32 $0x800;
	[sflag:s26] =	ssyncset.done $0x0  }
.LBB2_6:
0x73: {  	s13 =	sadd.s32 $0x80, s11  }
0x74: {  	[sflag:s26] =	ssyncadd.s32 $0xFFFFC000;
	s14 =	smov.u32 s12;
	s15 =	sadd.s32 $0x400, s12  }
0x75: {  	[tilespmem:s31], [sflag:$0x2] =	stream.indirect.gather [hbm4b:s2+s29], $0x80, s13, s29, $0xb8;
	[tilespmem:$0x1D600] =	vst v63  }
0x76: {  	p3 =	sne.s32 s12, $0x13400;
	_ =	swait.ge [sflag:s0], $0x4000  }
0x77: {  	[sflag:s0] =	ssyncset.done $0x0  }
0x78: {  	s12 =	sadd.s32 $0x5000, s11;
	[sflag:s0] =	ssyncadd.s32 $0xFFFFC000  }
0x79: {  	[spmem:s3] =	stream.indirect.scatter.add.f32 [tilespmem:s30], [sflag:$0x3], $0x80, s12, s29, $0xb8;
	[tilespmem:$0x1D600] =	vst v63  }
0x7a: {  	_ =	swait.ge [sflag:s26], $0x4000  }
0x7b: {  	[sflag:s26] =	ssyncset.done $0x0  }
0x7c: {  	s12 =	sadd.s32 $0x100, s11;
	[sflag:s26] =	ssyncadd.s32 $0xFFFFC000  }
0x7d: {  	[tilespmem:s30], [sflag:$0x1] =	stream.indirect.gather [hbm4b:s2+s29], $0x80, s12, s29, $0xb8;
	[tilespmem:$0x1D600] =	vst v63  }
0x7e: {  	_ =	swait.ge [sflag:s28], $0x4000  }
.Ltmp2:
0x7f: {  	[sflag:s28] =	ssyncset.done $0x0;
	(pc) =	sbr.rel @p3 .LBB2_6-.Ltmp2, $4  }
0x80: {  	s11 =	sadd.s32 $0x5080, s11;
	[sflag:s28] =	ssyncadd.s32 $0xFFFFC000  }
0x81: {  	[spmem:s3] =	stream.indirect.scatter.add.f32 [tilespmem:s31], [sflag:$0x3], $0x80, s11, s29, $0xb8;
	[tilespmem:$0x1D600] =	vst v63  }
0x82: {  	_ =	swait.ge [sflag:s26], $0x4000  }
0x83: {  	s12 =	smov.u32 s15;
	s11 =	sshra.s32 s14, $0x2;
	[sflag:s26] =	ssyncset.done $0x0  }
0x84: {  	s12 =	sadd.s32 $0x80, s11;
	[sflag:s26] =	ssyncadd.s32 $0xFFFFC000  }
0x85: {  	[tilespmem:s31], [sflag:$0x2] =	stream.indirect.gather [hbm4b:s2+s29], $0x80, s12, s29, $0xb8;
	[tilespmem:$0x1D600] =	vst v63  }
0x86: {  	_ =	swait.ge [sflag:s0], $0x4000  }
0x87: {  	[sflag:s0] =	ssyncset.done $0x0  }
0x88: {  	s13 =	sadd.s32 $0x5000, s11;
	[sflag:s0] =	ssyncadd.s32 $0xFFFFC000  }
0x89: {  	[spmem:s3] =	stream.indirect.scatter.add.f32 [tilespmem:s30], [sflag:$0x3], $0x80, s13, s29, $0xb8;
	[tilespmem:$0x1D600] =	vst v63  }
0x8a: {  	_ =	swait.ge [sflag:s26], $0x4000  }
0x8b: {  	[sflag:s26] =	ssyncset.done $0x0  }
0x8c: {  	s14 =	sadd.s32 $0x100, s11;
	[sflag:s26] =	ssyncadd.s32 $0xFFFFC000  }
0x8d: {  	[tilespmem:s30], [sflag:$0x1] =	stream.indirect.gather [hbm4b:s2+s29], $0x80, s14, s29, $0xb8;
	[tilespmem:$0x1D600] =	vst v63  }
0x8e: {  	_ =	swait.ge [sflag:s28], $0x4000  }
0x8f: {  	[sflag:s28] =	ssyncset.done $0x0  }
0x90: {  	s15 =	sadd.s32 $0x5080, s11;
	[sflag:s28] =	ssyncadd.s32 $0xFFFFC000  }
0x91: {  	[spmem:s3] =	stream.indirect.scatter.add.f32 [tilespmem:s31], [sflag:$0x3], $0x80, s15, s29, $0xb8;
	[tilespmem:$0x1D600] =	vst v63  }
0x92: {  	_ =	swait.ge [sflag:s26], $0x4000  }
0x93: {  	[sflag:s26] =	ssyncset.done $0x0  }
0x94: {  	[sflag:s26] =	ssyncadd.s32 $0xFFFFC000  }
0x95: {  	[tilespmem:s31], [sflag:$0x2] =	stream.indirect.gather [hbm4b:s2+s29], $0x80, s16, s29, $0xb8;
	[tilespmem:$0x1D600] =	vst v63  }
0x96: {  	_ =	swait.ge [sflag:s0], $0x4000  }
0x97: {  	[sflag:s0] =	ssyncset.done $0x0  }
0x98: {  	[sflag:s0] =	ssyncadd.s32 $0xFFFFC000  }
0x99: {  	[spmem:s3] =	stream.indirect.scatter.add.f32 [tilespmem:s30], [sflag:$0x3], $0x80, s17, s29, $0xb8;
	[tilespmem:$0x1D600] =	vst v63  }
0x9a: {  	_ =	swait.ge [sflag:s26], $0x4000  }
0x9b: {  	[sflag:s26] =	ssyncset.done $0x0  }
0x9c: {  	[sflag:s26] =	ssyncadd.s32 $0xFFFFC000  }
0x9d: {  	_ =	swait.ge [sflag:s28], $0x4000  }
0x9e: {  	[sflag:s28] =	ssyncset.done $0x0  }
0x9f: {  	[sflag:s28] =	ssyncadd.s32 $0xFFFFC000  }
0xa0: {  	[spmem:s3] =	stream.indirect.scatter.add.f32 [tilespmem:s31], [sflag:$0x3], $0x80, s7, s29, $0xb8;
	[tilespmem:$0x1D600] =	vst v63  }
0xa1: {  	_ =	swait.ge [sflag:s26], $0x4000  }
0xa2: {  	[sflag:s26] =	ssyncset.done $0x0  }
0xa3: {  	s11 =	sshll.u32 @!p1 s1, $0x6;
	[sflag:s26] =	ssyncadd.s32 $0xFFFFC000  }
0xa4: {  	s11 =	sor.u32 @!p1 $0x1C03, s11;
	[bflag:$0x0] =	sbarrier.arrive $0xFFFF  }
0xa5: {  	s12 =	sshrl.u32 @!p1 s8, $0x3;
	s13 =	simm.s32 @!p1 $0x3;
	s4 =	rddreg [dreg:$0x6]  }
0xa6: {  	[hbm:s4], [sflag:s11] =	dma.local @!p1 [spmem:s12], $0x1400  }
0xa7: {  	_ =	swait.ge @!p1 [sflag:s13], $0x1400  }
0xa8: {  	s14 =	simm.s32 @!p2 $0x1F03;
	[sflag:s13] =	ssyncset.done @!p1 $0x0  }
0xa9: {  	s4 =	rddreg [dreg:$0x7];
	[sflag:s13] =	ssyncadd.s32 @!p1 $0xFFFFEC00;
	s13 =	sshrl.u32 @!p2 s10, $0x3  }
0xaa: {  	[hbm:s4], [sflag:s14] =	dma.local @!p2 [spmem:s13], $0x500  }
0xab: {  	s13 =	simm.s32 @!p2 $0x3  }
0xac: {  	p4 =	por @!p0 $0x0, $0x0;
	p3 =	por @!p2 $0x1, $0x1;
	_ =	swait.ge @!p2 [sflag:s13], $0x500  }
0xad: {  	p4 =	por @!p2 p3, p3;
	s16 =	simm.s32 @p0 $0x3;
	[sflag:s13] =	ssyncset.done @!p2 $0x0  }
0xae: {  	s14 =	sshll.u32 @p0 s1, $0x6;
	s4 =	rddreg [dreg:$0x8];
	[sflag:s13] =	ssyncadd.s32 @!p2 $0xFFFFFB00  }
0xaf: {  	s13 =	sor.u32 @p0 $0x1C03, s14;
	s14 =	sshrl.u32 @p0 s4, $0x3;
	s4 =	rddreg [dreg:$0x9]  }
0xb0: {  	[hbm:s4], [sflag:s13] =	dma.local @p0 [spmem:s14], $0x1900  }
0xb1: {  	p3 =	por @p0 $0x0, $0x0;
	s15 =	simm.s32 $0x0;
	_ =	swait.ge @p0 [sflag:s16], $0x1900  }
0xb2: {  	p3 =	por @!p0 p4, p4;
	s17 =	sand.u32 $0x7E00, s15;
	[sflag:s16] =	ssyncset.done @p0 $0x0  }
0xb3: {  	s6 =	sshrl.u32 s17, $0x2;
	s4 =	sand.u32 $0x70, s15;
	[sflag:s16] =	ssyncadd.s32 @p0 $0xFFFFE700  }
0xb4: {  	s17 =	sor.u32 s4, s6;
	s16 =	simm.s32 $0x40;
	[bflag:$0x0] =	sbarrier.arrive $0xFFFF  }
.LBB2_8:
0xb5: {  	p4 =	sne.s32 s16, $0x4FC0  }
0xb6: {  	[tilespmem:s17+$0xA000] =	vst v1;
	s15 =	sadd.s32 $0x10, s15;
	s4 =	smov.u32 s16;
	s16 =	sadd.s32 $0x40, s16  }
.Ltmp3:
0xb7: {  	(pc) =	sbr.rel @p4 .LBB2_8-.Ltmp3, $4  }
0xb8: {  	_ = 	snop  }
0xb9: {  	s4 =	sand.u32 $0x7E00, s4  }
0xba: {  	s17 =	sand.u32 $0x70, s15;
	s4 =	sshrl.u32 s4, $0x2  }
0xbb: {  	s17 =	sor.u32 s17, s4  }
0xbc: {  	[tilespmem:s17+$0xA000] =	vst v1  }
0xbd: {  	[spmem:s8] =	stream.linear.scatter [tilespmem:s25], [sflag:$0x3], $0x1400, $0x38;
	[tilespmem:$0x1D600] =	vst v63  }
0xbe: {  	_ =	swait.ge [sflag:s26], $0x1400  }
0xbf: {  	[sflag:s26] =	ssyncset.done $0x0  }
0xc0: {  	[sflag:s26] =	ssyncadd.s32 $0xFFFFEC00  }
0xc1: {  	[spmem:s18] =	stream.linear.scatter [tilespmem:s25], [sflag:$0x3], $0x1400, $0x38;
	[tilespmem:$0x1D600] =	vst v63  }
0xc2: {  	_ =	swait.ge [sflag:s26], $0x1400  }
0xc3: {  	[sflag:s26] =	ssyncset.done $0x0  }
0xc4: {  	[sflag:s26] =	ssyncadd.s32 $0xFFFFEC00  }
0xc5: {  	[spmem:s19] =	stream.linear.scatter [tilespmem:s25], [sflag:$0x3], $0x1400, $0x38;
	[tilespmem:$0x1D600] =	vst v63  }
0xc6: {  	_ =	swait.ge [sflag:s26], $0x1400  }
0xc7: {  	[sflag:s26] =	ssyncset.done $0x0  }
0xc8: {  	[sflag:s26] =	ssyncadd.s32 $0xFFFFEC00  }
0xc9: {  	[spmem:s20] =	stream.linear.scatter [tilespmem:s25], [sflag:$0x3], $0x1400, $0x38;
	[tilespmem:$0x1D600] =	vst v63  }
0xca: {  	_ =	swait.ge [sflag:s26], $0x1400  }
0xcb: {  	[sflag:s26] =	ssyncset.done $0x0  }
0xcc: {  	[sflag:s26] =	ssyncadd.s32 $0xFFFFEC00  }
0xcd: {  	[spmem:s21] =	stream.linear.scatter [tilespmem:s25], [sflag:$0x3], $0x1400, $0x38;
	[tilespmem:$0x1D600] =	vst v63  }
0xce: {  	_ =	swait.ge [sflag:s26], $0x1400  }
0xcf: {  	[sflag:s26] =	ssyncset.done $0x0  }
0xd0: {  	[sflag:s26] =	ssyncadd.s32 $0xFFFFEC00  }
0xd1: {  	[spmem:s22] =	stream.linear.scatter [tilespmem:s25], [sflag:$0x3], $0x1400, $0x38;
	[tilespmem:$0x1D600] =	vst v63  }
0xd2: {  	_ =	swait.ge [sflag:s26], $0x1400  }
0xd3: {  	[sflag:s26] =	ssyncset.done $0x0  }
0xd4: {  	[sflag:s26] =	ssyncadd.s32 $0xFFFFEC00  }
0xd5: {  	[spmem:s23] =	stream.linear.scatter [tilespmem:s25], [sflag:$0x3], $0x1400, $0x38;
	[tilespmem:$0x1D600] =	vst v63  }
0xd6: {  	_ =	swait.ge [sflag:s26], $0x1400  }
0xd7: {  	[sflag:s26] =	ssyncset.done $0x0  }
0xd8: {  	[sflag:s26] =	ssyncadd.s32 $0xFFFFEC00  }
0xd9: {  	[spmem:s24] =	stream.linear.scatter [tilespmem:s25], [sflag:$0x3], $0x1400, $0x38;
	[tilespmem:$0x1D600] =	vst v63  }
0xda: {  	_ =	swait.ge [sflag:s26], $0x1400  }
0xdb: {  	[sflag:s26] =	ssyncset.done $0x0  }
0xdc: {  	[sflag:s26] =	ssyncadd.s32 $0xFFFFEC00  }
0xdd: {  	s4 =	simm.s32 $0x0;
	[bflag:$0x0] =	sbarrier.arrive $0xFFFF  }
0xde: {  	[tilespmem:s30], [sflag:$0x1] =	stream.indirect.gather [hbm4b:s5+s29], $0x80, s4, s29, $0xb8;
	[tilespmem:$0x1D600] =	vst v63  }
0xdf: {  	s6 =	simm.s32 $0x80  }
0xe0: {  	[tilespmem:s31], [sflag:$0x2] =	stream.indirect.gather [hbm4b:s5+s29], $0x80, s6, s29, $0xb8;
	[tilespmem:$0x1D600] =	vst v63  }
0xe1: {  	_ =	swait.ge [sflag:s0], $0x4000  }
0xe2: {  	[sflag:s0] =	ssyncset.done $0x0  }
0xe3: {  	s15 =	simm.s32 $0x5000;
	[sflag:s0] =	ssyncadd.s32 $0xFFFFC000  }
0xe4: {  	[spmem:s3] =	stream.indirect.scatter.add.f32 [tilespmem:s30], [sflag:$0x3], $0x80, s15, s29, $0xb8;
	[tilespmem:$0x1D600] =	vst v63  }
0xe5: {  	_ =	swait.ge [sflag:s26], $0x4000  }
0xe6: {  	[sflag:s26] =	ssyncset.done $0x0  }
0xe7: {  	s16 =	simm.s32 $0x100;
	[sflag:s26] =	ssyncadd.s32 $0xFFFFC000  }
0xe8: {  	[tilespmem:s30], [sflag:$0x1] =	stream.indirect.gather [hbm4b:s5+s29], $0x80, s16, s29, $0xb8;
	[tilespmem:$0x1D600] =	vst v63  }
0xe9: {  	_ =	swait.ge [sflag:s28], $0x4000  }
0xea: {  	[sflag:s28] =	ssyncset.done $0x0  }
0xeb: {  	s17 =	simm.s32 $0x5080;
	[sflag:s28] =	ssyncadd.s32 $0xFFFFC000  }
0xec: {  	[spmem:s3] =	stream.indirect.scatter.add.f32 [tilespmem:s31], [sflag:$0x3], $0x80, s17, s29, $0xb8;
	[tilespmem:$0x1D600] =	vst v63  }
0xed: {  	_ =	swait.ge [sflag:s26], $0x4000  }
0xee: {  	s15 =	simm.s32 $0x100;
	s16 =	simm.s32 $0x800;
	[sflag:s26] =	ssyncset.done $0x0  }
.LBB2_10:
0xef: {  	s4 =	sadd.s32 $0x80, s15  }
0xf0: {  	[sflag:s26] =	ssyncadd.s32 $0xFFFFC000;
	s17 =	smov.u32 s16;
	s6 =	sadd.s32 $0x400, s16  }
0xf1: {  	[tilespmem:s31], [sflag:$0x2] =	stream.indirect.gather [hbm4b:s5+s29], $0x80, s4, s29, $0xb8;
	[tilespmem:$0x1D600] =	vst v63  }
0xf2: {  	p4 =	sne.s32 s16, $0x13400;
	_ =	swait.ge [sflag:s0], $0x4000  }
0xf3: {  	[sflag:s0] =	ssyncset.done $0x0  }
0xf4: {  	s4 =	sadd.s32 $0x5000, s15;
	[sflag:s0] =	ssyncadd.s32 $0xFFFFC000  }
0xf5: {  	[spmem:s3] =	stream.indirect.scatter.add.f32 [tilespmem:s30], [sflag:$0x3], $0x80, s4, s29, $0xb8;
	[tilespmem:$0x1D600] =	vst v63  }
0xf6: {  	_ =	swait.ge [sflag:s26], $0x4000  }
0xf7: {  	[sflag:s26] =	ssyncset.done $0x0  }
0xf8: {  	s4 =	sadd.s32 $0x100, s15;
	[sflag:s26] =	ssyncadd.s32 $0xFFFFC000  }
0xf9: {  	[tilespmem:s30], [sflag:$0x1] =	stream.indirect.gather [hbm4b:s5+s29], $0x80, s4, s29, $0xb8;
	[tilespmem:$0x1D600] =	vst v63  }
0xfa: {  	_ =	swait.ge [sflag:s28], $0x4000  }
.Ltmp4:
0xfb: {  	[sflag:s28] =	ssyncset.done $0x0;
	(pc) =	sbr.rel @p4 .LBB2_10-.Ltmp4, $4  }
0xfc: {  	s4 =	sadd.s32 $0x5080, s15;
	[sflag:s28] =	ssyncadd.s32 $0xFFFFC000  }
0xfd: {  	[spmem:s3] =	stream.indirect.scatter.add.f32 [tilespmem:s31], [sflag:$0x3], $0x80, s4, s29, $0xb8;
	[tilespmem:$0x1D600] =	vst v63  }
0xfe: {  	_ =	swait.ge [sflag:s26], $0x4000  }
0xff: {  	s16 =	smov.u32 s6;
	s15 =	sshra.s32 s17, $0x2;
	[sflag:s26] =	ssyncset.done $0x0  }
0x100: {  	s4 =	sadd.s32 $0x80, s15;
	[sflag:s26] =	ssyncadd.s32 $0xFFFFC000  }
0x101: {  	[tilespmem:s31], [sflag:$0x2] =	stream.indirect.gather [hbm4b:s5+s29], $0x80, s4, s29, $0xb8;
	[tilespmem:$0x1D600] =	vst v63  }
0x102: {  	_ =	swait.ge [sflag:s0], $0x4000  }
0x103: {  	[sflag:s0] =	ssyncset.done $0x0  }
0x104: {  	s16 =	sadd.s32 $0x5000, s15;
	[sflag:s0] =	ssyncadd.s32 $0xFFFFC000  }
0x105: {  	[spmem:s3] =	stream.indirect.scatter.add.f32 [tilespmem:s30], [sflag:$0x3], $0x80, s16, s29, $0xb8;
	[tilespmem:$0x1D600] =	vst v63  }
0x106: {  	_ =	swait.ge [sflag:s26], $0x4000  }
0x107: {  	[sflag:s26] =	ssyncset.done $0x0  }
0x108: {  	s17 =	sadd.s32 $0x100, s15;
	[sflag:s26] =	ssyncadd.s32 $0xFFFFC000  }
0x109: {  	[tilespmem:s30], [sflag:$0x1] =	stream.indirect.gather [hbm4b:s5+s29], $0x80, s17, s29, $0xb8;
	[tilespmem:$0x1D600] =	vst v63  }
0x10a: {  	_ =	swait.ge [sflag:s28], $0x4000  }
0x10b: {  	[sflag:s28] =	ssyncset.done $0x0  }
0x10c: {  	s6 =	sadd.s32 $0x5080, s15;
	[sflag:s28] =	ssyncadd.s32 $0xFFFFC000  }
0x10d: {  	[spmem:s3] =	stream.indirect.scatter.add.f32 [tilespmem:s31], [sflag:$0x3], $0x80, s6, s29, $0xb8;
	[tilespmem:$0x1D600] =	vst v63  }
0x10e: {  	_ =	swait.ge [sflag:s26], $0x4000  }
0x10f: {  	[sflag:s26] =	ssyncset.done $0x0  }
0x110: {  	s16 =	simm.s32 $0x4E80;
	[sflag:s26] =	ssyncadd.s32 $0xFFFFC000  }
0x111: {  	[tilespmem:s31], [sflag:$0x2] =	stream.indirect.gather [hbm4b:s5+s29], $0x80, s16, s29, $0xb8;
	[tilespmem:$0x1D600] =	vst v63  }
0x112: {  	_ =	swait.ge [sflag:s0], $0x4000  }
0x113: {  	[sflag:s0] =	ssyncset.done $0x0  }
0x114: {  	s17 =	simm.s32 $0x9E00;
	[sflag:s0] =	ssyncadd.s32 $0xFFFFC000  }
0x115: {  	[spmem:s3] =	stream.indirect.scatter.add.f32 [tilespmem:s30], [sflag:$0x3], $0x80, s17, s29, $0xb8;
	[tilespmem:$0x1D600] =	vst v63  }
0x116: {  	_ =	swait.ge [sflag:s26], $0x4000  }
0x117: {  	[sflag:s26] =	ssyncset.done $0x0  }
0x118: {  	[sflag:s26] =	ssyncadd.s32 $0xFFFFC000  }
0x119: {  	_ =	swait.ge [sflag:s28], $0x4000  }
0x11a: {  	[sflag:s28] =	ssyncset.done $0x0  }
0x11b: {  	[sflag:s28] =	ssyncadd.s32 $0xFFFFC000  }
0x11c: {  	[spmem:s3] =	stream.indirect.scatter.add.f32 [tilespmem:s31], [sflag:$0x3], $0x80, s7, s29, $0xb8;
	[tilespmem:$0x1D600] =	vst v63  }
0x11d: {  	_ =	swait.ge [sflag:s26], $0x4000  }
0x11e: {  	[sflag:s26] =	ssyncset.done $0x0  }
0x11f: {  	[sflag:s26] =	ssyncadd.s32 $0xFFFFC000  }
0x120: {  	[bflag:$0x0] =	sbarrier.arrive $0xFFFF  }
0x121: {  	s4 =	rddreg [dreg:$0xa]  }
0x122: {  	[hbm:s4], [sflag:s11] =	dma.local @!p1 [spmem:s12], $0x1400  }
0x123: {  	s4 =	simm.s32 @!p1 $0x3  }
0x124: {  	_ =	swait.ge @!p1 [sflag:s4], $0x1400  }
0x125: {  	[sflag:s4] =	ssyncset.done @!p1 $0x0  }
0x126: {  	[sflag:s4] =	ssyncadd.s32 @!p1 $0xFFFFEC00;
	s4 =	rddreg [dreg:$0xb]  }
0x127: {  	[hbm:s4], [sflag:s13] =	dma.local @p0 [spmem:s14], $0x1900  }
0x128: {  	s4 =	simm.s32 @p0 $0x3  }
0x129: {  	_ =	swait.ge @p0 [sflag:s4], $0x1900  }
0x12a: {  	s6 =	sshll.u32 @p3 s1, $0x6;
	[sflag:s4] =	ssyncset.done @p0 $0x0;
	s11 =	rddreg [dreg:$0xc]  }
0x12b: {  	[sflag:s4] =	ssyncadd.s32 @p0 $0xFFFFE700;
	s4 =	sor.u32 @p3 $0x1C03, s6;
	s6 =	sshrl.u32 @p3 s10, $0x3  }
0x12c: {  	[hbm:s11], [sflag:s4] =	dma.local @p3 [spmem:s6], $0x500  }
0x12d: {  	s4 =	simm.s32 @p3 $0x3  }
0x12e: {  	_ =	swait.ge @p3 [sflag:s4], $0x500  }
0x12f: {  	s9 =	sadd.s32 $0x1, s9;
	s15 =	rddreg [dreg:$0xd]  }
0x130: {  	p4 =	sne.s32 s9, s15  }
.Ltmp5:
0x131: {  	_ = 	snop;
	(pc) =	sbr.rel @p4 .LBB2_1-.Ltmp5, $3  }
0x132: {  	_ =	sdelay $0x1  }
0x133: {  	[sflag:s4] =	ssyncset.done @p3 $0x0  }
0x134: {  	[sflag:s4] =	ssyncadd.s32 @p3 $0xFFFFFB00  }
0x135: {  	_ =	sfence.sel $0x180000  }
0x136: {  	[bflag:$0x0] =	sbarrier.arrive $0xFFFF  }
0x137: {  	_ =	strace $0x90000050  }
0x138: {  	[bflag:$0x2] =	sbarrier.arrive $0xFFFF  }
0x139: {  	p0 =	sne.s32 s1, $0x0;
	s0 =	rddreg [dreg:$0x3]  }
0x13a: {  	s0 =	sadd.s32 @!p0 $0x100000, s0  }
0x13b: {  	[sflag:s0] =	ssyncadd.tile.s32 @!p0 $0x1;
	_ =	shalt  }
.Lfunc_end2:
_tile_overlayer_lowered:
.L_overlay_start_2:
0x13c: {  	(tag) =	ssettag $0x2  }
0x13d: {  	s0 =	rddreg [dreg:$0x0];
	s2 =	stileid.u32  }
0x13e: {  	s1 =	rddreg [dreg:$0x1];
	p0 =	sne.s32 s2, $0x0  }
0x13f: {  	s3 =	rddreg [dreg:$0x2];
	[bflag:$0x3] =	sbarrier.arrive $0xFFFF;
	s2 =	simm.s32 @!p0 $0x1C03  }
0x140: {  	[timem:s3], [sflag:s2] =	dma.local @!p0 [hbm:s0], s1  }
0x141: {  	s0 =	simm.s32 @!p0 $0x3  }
0x142: {  	_ =	swait.ge @!p0 [sflag:s0], s1  }
0x143: {  	s1 =	ssub.s32 @!p0 $0x0, s1;
	[sflag:s0] =	ssyncset.done @!p0 $0x0  }
0x144: {  	[sflag:s0] =	ssyncadd.s32 @!p0 s1  }
0x145: {  	[bflag:$0x3] =	sbarrier.arrive $0xFFFF  }
0x146: {  	_ =	shalt  }

</sc_bundles>
